<compile_context>
chip_gen: v7x
topology: tpu7x:2x2x1
jax: 0.10.2.dev20260603
libtpu: 0.0.44.dev20260713+nightly
codegen_flags: <defaults>
</compile_context>

<pallas_src>
import functools

import jax
import jax.numpy as jnp
from jax import lax
from jax.experimental import pallas as pl
from jax.experimental.pallas import tpu as pltpu
from jax.experimental.pallas import tpu_sc as plsc

_NUM_SPEC = 100
_LANES = 16
_NSLOT = 2


def _build(N, V, E, NC, NS):
    NW = NC * NS
    n_per_w = N // NW
    CHUNK = 512
    SUB = 128
    n_chunks = n_per_w // CHUNK
    mesh = plsc.VectorSubcoreMesh(
        core_axis_name="c", subcore_axis_name="s",
        num_cores=NC, num_subcores=NS)

    @functools.partial(
        pl.kernel,
        out_type=jax.ShapeDtypeStruct((N, E), jnp.float32),
        mesh=mesh,
        scratch_types=[
            pltpu.VMEM((_NSLOT, CHUNK), jnp.int32),
            pltpu.VMEM((_NSLOT, CHUNK, E), jnp.float32),
            pltpu.VMEM((_NUM_SPEC, E), jnp.float32),
            pltpu.SemaphoreType.DMA,
            pltpu.SemaphoreType.DMA,
            pltpu.SemaphoreType.DMA,
            pltpu.SemaphoreType.DMA,
            pltpu.SemaphoreType.DMA,
            pltpu.SemaphoreType.DMA,
        ],
        compiler_params=pltpu.CompilerParams(
            use_tc_tiling_on_sc=False, needs_layout_passes=False),
    )
    def body(x_hbm, p_hbm, t_hbm, out_hbm, idx_v, rows_v, tt_v,
             si0, si1, sg0, sg1, so0, so1):
        sis = (si0, si1)
        sgs = (sg0, sg1)
        sos = (so0, so1)
        wid = lax.axis_index("s") * NC + lax.axis_index("c")
        base = wid * n_per_w
        pltpu.sync_copy(t_hbm, tt_v)

        def idx_copy(s, g):
            return pltpu.make_async_copy(
                x_hbm.at[pl.ds(base + g * CHUNK, CHUNK)], idx_v.at[s], sis[s])

        def gather_copy(s, k):
            return pltpu.make_async_copy(
                p_hbm.at[idx_v.at[s, pl.ds(k * SUB, SUB)]],
                rows_v.at[s, pl.ds(k * SUB, SUB)], sgs[s])

        def out_copy(s, g):
            return pltpu.make_async_copy(
                rows_v.at[s], out_hbm.at[pl.ds(base + g * CHUNK, CHUNK)],
                sos[s])

        def start_gather(s):
            for k in range(CHUNK // SUB):
                gather_copy(s, k).start()

        def wait_gather(s):
            for k in range(CHUNK // SUB):
                gather_copy(s, k).wait()

        def spec_scan(s):
            def spec_body(j, acc):
                v = idx_v[s, pl.ds(j * _LANES, _LANES)]
                return acc | ((v - _NUM_SPEC) >> 31)

            accm = lax.fori_loop(
                0, CHUNK // _LANES, spec_body,
                jnp.zeros((_LANES,), jnp.int32))
            any_spec = accm[0]
            for lane in range(1, _LANES):
                any_spec = any_spec | accm[lane]
            return any_spec

        def patch(s):
            def fix_body(j, carry2):
                xv = idx_v[s, pl.ds(j * _LANES, _LANES)]
                for p in range(_LANES):
                    xi = xv[p]
                    is_spec = xi < _NUM_SPEC
                    xs = jnp.where(is_spec, xi, 0)
                    m = jnp.where(is_spec, 1.0, 0.0).astype(jnp.float32)
                    row = j * _LANES + p
                    for h in range(E // _LANES):
                        sl = pl.ds(h * _LANES, _LANES)
                        th = tt_v[xs, sl]
                        ph = rows_v[s, row, sl]
                        rows_v[s, row, sl] = ph + m * (th - ph)
                return carry2

            lax.fori_loop(0, CHUNK // _LANES, fix_body, 0)

        idx_copy(0, 0).start()
        idx_copy(0, 0).wait()
        start_gather(0)
        idx_copy(1, 1).start()

        def pair_body(i, carry):
            for b in range(_NSLOT):
                g = i * _NSLOT + b
                s = b
                s2 = (b + 1) % _NSLOT

                @pl.when(g + 1 < n_chunks)
                def _start_next():
                    idx_copy(s2, g + 1).wait()

                    @pl.when(g >= 1)
                    def _drain_prev_out():
                        out_copy(s2, g - 1).wait()

                    start_gather(s2)

                any_spec = spec_scan(s)
                wait_gather(s)

                @pl.when(any_spec != 0)
                def _patch():
                    patch(s)

                out_copy(s, g).start()

                @pl.when(g + 2 < n_chunks)
                def _prefetch_idx():
                    idx_copy(s, g + 2).start()

            return carry

        lax.fori_loop(0, n_chunks // _NSLOT, pair_body, 0)
        out_copy(0, n_chunks - 2).wait()
        out_copy(1, n_chunks - 1).wait()

    return body


def kernel(x, pretrained_table, trainable_table):
    B, S = x.shape
    V, E = pretrained_table.shape
    N = B * S
    info = plsc.get_sparse_core_info()
    NC, NS = info.num_cores, info.num_subcores
    fn = _build(N, V, E, NC, NS)
    out = fn(x.reshape(N), pretrained_table, trainable_table)
    return out.reshape(B, S, E)

# --- scband reference (transcript-rebuilt; emitter-appended) ---
"""Pipeline reference for scband-log-template-embedding-60954175865165 (READ-ONLY COPY).

The authoritative reference and input builder live on the scoring server;
editing this copy changes nothing except your own understanding.
"""

import jax, jax.numpy as jnp
import numpy as np

VOCAB = 1000000
EMBED = 32
NUM_SPEC = 100
BATCH = 4096
SEQ = 200


def setup_inputs(seed: int = 0) -> dict:
    key = jax.random.key(seed)
    k1, k2, k3 = jax.random.split(key, 3)
    x = jax.random.randint(k1, (BATCH, SEQ), 0, VOCAB, dtype=jnp.int32)
    pretrained_table = jax.random.normal(k2, (VOCAB, EMBED), dtype=jnp.float32) * 0.05
    trainable_table = jax.random.normal(k3, (NUM_SPEC, EMBED), dtype=jnp.float32) * 0.05
    return {"x": x, "pretrained_table": pretrained_table, "trainable_table": trainable_table}


def reference(x, pretrained_table, trainable_table):
    # pretrained embedding lookup over full vocab
    pretrained_x_embedded = jnp.take(pretrained_table, x, axis=0)
    # t_x = cast(x < num_spec, f32) * x  ->  x where x < num_spec else 0
    t_idx = jnp.where(x < NUM_SPEC, x, 0)
    trainable_x_embedded = jnp.take(trainable_table, t_idx, axis=0)
    # mask: positions with x >= num_spec use pretrained; otherwise trainable
    p_mask = (x >= NUM_SPEC).astype(jnp.float32)[..., None]
    p_mask = jnp.broadcast_to(p_mask, pretrained_x_embedded.shape)
    t_mask = 1.0 - p_mask
    return pretrained_x_embedded * p_mask + trainable_x_embedded * t_mask

if __name__ == "__main__":
    import jax
    _d = setup_inputs()
    print(jax.jit(kernel)(*tuple(_d.values())))

</pallas_src>

<mosaic_0001>
#map = affine_map<(d0, d1) -> (0)>
#map1 = affine_map<(d0, d1) -> (0, 0)>
module attributes {stable_mosaic.version = 14 : i64} {
  func.func @body(%arg0: i32, %arg1: i32, %arg2: memref<819200xi32, #tpu.memory_space<hbm>>, %arg3: memref<1000000x32xf32, #tpu.memory_space<hbm>>, %arg4: memref<100x32xf32, #tpu.memory_space<hbm>>, %arg5: memref<819200x32xf32, #tpu.memory_space<hbm>>, %arg6: memref<2x512xi32, #tpu.memory_space<vmem>>, %arg7: memref<2x512x32xf32, #tpu.memory_space<vmem>>, %arg8: memref<100x32xf32, #tpu.memory_space<vmem>>, %arg9: memref<!tpu.dma_semaphore, #tpu.memory_space<semaphore_mem>>, %arg10: memref<!tpu.dma_semaphore, #tpu.memory_space<semaphore_mem>>, %arg11: memref<!tpu.dma_semaphore, #tpu.memory_space<semaphore_mem>>, %arg12: memref<!tpu.dma_semaphore, #tpu.memory_space<semaphore_mem>>, %arg13: memref<!tpu.dma_semaphore, #tpu.memory_space<semaphore_mem>>, %arg14: memref<!tpu.dma_semaphore, #tpu.memory_space<semaphore_mem>>) attributes {dimension_semantics = [#tpu.dimension_semantics<core_parallel>, #tpu.dimension_semantics<subcore_parallel>], iteration_bounds = array<i64: 2, 16>, scalar_prefetch = 0 : i64, scratch_operands = 9 : i64, tpu.core_type = #tpu.core_type<sc_vector_subcore>, window_params = [{transform_indices = #map}, {transform_indices = #map1}, {transform_indices = #map1}, {transform_indices = #map1}]} {
    %mul3A = arith.constant 2 : i32
    %mul3A_0 = arith.muli %arg1, %mul3A : i32
    %add3A = arith.addi %mul3A_0, %arg0 : i32
    %mul3A_1 = arith.constant 25600 : i32
    %mul3A_2 = arith.muli %add3A, %mul3A_1 : i32
    "tpu.region"() ({
      %run_scoped3A = tpu.sem_alloc : memref<!tpu.dma_semaphore, #tpu.memory_space<semaphore_mem>>
      tpu.enqueue_dma source(%arg4 : memref<100x32xf32, #tpu.memory_space<hbm>>) target(%arg8 : memref<100x32xf32, #tpu.memory_space<vmem>>) target_semaphore(%run_scoped3A : memref<!tpu.dma_semaphore, #tpu.memory_space<semaphore_mem>>)
      tpu.wait_dma2 semaphore(%run_scoped3A : memref<!tpu.dma_semaphore, #tpu.memory_space<semaphore_mem>>) src(%arg4 : memref<100x32xf32, #tpu.memory_space<hbm>>) dst(%arg8 : memref<100x32xf32, #tpu.memory_space<vmem>>)
      tpu.yield
    }) : () -> ()
    %add3A_3 = arith.constant 0 : i32
    %add3A_4 = arith.addi %mul3A_2, %add3A_3 : i32
    %dma_start3A = arith.constant 0 : i32
    %dma_start3A_5 = arith.constant 0 : i32
    %dma_start3A_6 = tpu.memref_slice %arg6[%dma_start3A, %dma_start3A_5] : memref<2x512xi32, #tpu.memory_space<vmem>> -> memref<1x512xi32, #tpu.memory_space<vmem>>
    %dma_start3A_7 = tpu.memref_squeeze %dma_start3A_6 : memref<1x512xi32, #tpu.memory_space<vmem>> -> memref<512xi32, #tpu.memory_space<vmem>>
    %dma_start3A_8 = tpu.memref_slice %arg2[%add3A_4] : memref<819200xi32, #tpu.memory_space<hbm>> -> memref<512xi32, #tpu.memory_space<hbm>>
    %dma_start3A_9 = arith.constant 0 : i32
    %dma_start3A_10 = tpu.memref_slice %arg6[%dma_start3A, %dma_start3A_9] : memref<2x512xi32, #tpu.memory_space<vmem>> -> memref<1x512xi32, #tpu.memory_space<vmem>>
    %dma_start3A_11 = tpu.memref_squeeze %dma_start3A_10 : memref<1x512xi32, #tpu.memory_space<vmem>> -> memref<512xi32, #tpu.memory_space<vmem>>
    %dma_start3A_12 = tpu.memref_slice %arg2[%add3A_4] : memref<819200xi32, #tpu.memory_space<hbm>> -> memref<512xi32, #tpu.memory_space<hbm>>
    tpu.enqueue_dma source(%dma_start3A_12 : memref<512xi32, #tpu.memory_space<hbm>>) target(%dma_start3A_11 : memref<512xi32, #tpu.memory_space<vmem>>) target_semaphore(%arg9 : memref<!tpu.dma_semaphore, #tpu.memory_space<semaphore_mem>>)
    %add3A_13 = arith.constant 0 : i32
    %add3A_14 = arith.addi %mul3A_2, %add3A_13 : i32
    %dma_wait3A = arith.constant 0 : i32
    %dma_wait3A_15 = arith.constant 0 : i32
    %dma_wait3A_16 = tpu.memref_slice %arg6[%dma_wait3A, %dma_wait3A_15] : memref<2x512xi32, #tpu.memory_space<vmem>> -> memref<1x512xi32, #tpu.memory_space<vmem>>
    %dma_wait3A_17 = tpu.memref_squeeze %dma_wait3A_16 : memref<1x512xi32, #tpu.memory_space<vmem>> -> memref<512xi32, #tpu.memory_space<vmem>>
    %dma_wait3A_18 = tpu.memref_slice %arg2[%add3A_14] : memref<819200xi32, #tpu.memory_space<hbm>> -> memref<512xi32, #tpu.memory_space<hbm>>
    %dma_wait3A_19 = arith.constant 0 : i32
    %dma_wait3A_20 = tpu.memref_slice %arg6[%dma_wait3A, %dma_wait3A_19] : memref<2x512xi32, #tpu.memory_space<vmem>> -> memref<1x512xi32, #tpu.memory_space<vmem>>
    %dma_wait3A_21 = tpu.memref_squeeze %dma_wait3A_20 : memref<1x512xi32, #tpu.memory_space<vmem>> -> memref<512xi32, #tpu.memory_space<vmem>>
    %dma_wait3A_22 = tpu.memref_slice %arg2[%add3A_14] : memref<819200xi32, #tpu.memory_space<hbm>> -> memref<512xi32, #tpu.memory_space<hbm>>
    tpu.wait_dma2 semaphore(%arg9 : memref<!tpu.dma_semaphore, #tpu.memory_space<semaphore_mem>>) src(%dma_wait3A_22 : memref<512xi32, #tpu.memory_space<hbm>>) dst(%dma_wait3A_21 : memref<512xi32, #tpu.memory_space<vmem>>)
    %dma_start3A_23 = arith.constant 0 : i32
    %dma_start3A_24 = arith.constant 0 : i32
    %dma_start3A_25 = arith.constant 0 : i32
    %dma_start3A_26 = arith.constant 0 : i32
    %dma_start3A_27 = tpu.memref_slice %arg7[%dma_start3A_24, %dma_start3A_25, %dma_start3A_26] : memref<2x512x32xf32, #tpu.memory_space<vmem>> -> memref<1x128x32xf32, #tpu.memory_space<vmem>>
    %dma_start3A_28 = tpu.memref_squeeze %dma_start3A_27 : memref<1x128x32xf32, #tpu.memory_space<vmem>> -> memref<128x32xf32, #tpu.memory_space<vmem>>
    %dma_start3A_29 = arith.constant 0 : i32
    %dma_start3A_30 = tpu.memref_slice %arg6[%dma_start3A_23, %dma_start3A_29] : memref<2x512xi32, #tpu.memory_space<vmem>> -> memref<1x128xi32, #tpu.memory_space<vmem>>
    %dma_start3A_31 = tpu.memref_squeeze %dma_start3A_30 : memref<1x128xi32, #tpu.memory_space<vmem>> -> memref<128xi32, #tpu.memory_space<vmem>>
    %dma_start3A_32 = arith.constant 0 : i32
    %dma_start3A_33 = arith.constant 0 : i32
    %dma_start3A_34 = tpu.memref_slice %arg3[%dma_start3A_32, %dma_start3A_33] : memref<1000000x32xf32, #tpu.memory_space<hbm>> -> memref<1000000x32xf32, #tpu.memory_space<hbm>>
    tpu.enqueue_indirect_dma source(%dma_start3A_34 : memref<1000000x32xf32, #tpu.memory_space<hbm>>) target(%dma_start3A_28 : memref<128x32xf32, #tpu.memory_space<vmem>>) offsets(%dma_start3A_31 : memref<128xi32, #tpu.memory_space<vmem>>) semaphore(%arg11 : memref<!tpu.dma_semaphore, #tpu.memory_space<semaphore_mem>>)
    %dma_start3A_35 = arith.constant 0 : i32
    %dma_start3A_36 = arith.constant 0 : i32
    %dma_start3A_37 = arith.constant 128 : i32
    %dma_start3A_38 = arith.constant 0 : i32
    %dma_start3A_39 = tpu.memref_slice %arg7[%dma_start3A_36, %dma_start3A_37, %dma_start3A_38] : memref<2x512x32xf32, #tpu.memory_space<vmem>> -> memref<1x128x32xf32, #tpu.memory_space<vmem>>
    %dma_start3A_40 = tpu.memref_squeeze %dma_start3A_39 : memref<1x128x32xf32, #tpu.memory_space<vmem>> -> memref<128x32xf32, #tpu.memory_space<vmem>>
    %dma_start3A_41 = arith.constant 128 : i32
    %dma_start3A_42 = tpu.memref_slice %arg6[%dma_start3A_35, %dma_start3A_41] : memref<2x512xi32, #tpu.memory_space<vmem>> -> memref<1x128xi32, #tpu.memory_space<vmem>>
    %dma_start3A_43 = tpu.memref_squeeze %dma_start3A_42 : memref<1x128xi32, #tpu.memory_space<vmem>> -> memref<128xi32, #tpu.memory_space<vmem>>
    %dma_start3A_44 = arith.constant 0 : i32
    %dma_start3A_45 = arith.constant 0 : i32
    %dma_start3A_46 = tpu.memref_slice %arg3[%dma_start3A_44, %dma_start3A_45] : memref<1000000x32xf32, #tpu.memory_space<hbm>> -> memref<1000000x32xf32, #tpu.memory_space<hbm>>
    tpu.enqueue_indirect_dma source(%dma_start3A_46 : memref<1000000x32xf32, #tpu.memory_space<hbm>>) target(%dma_start3A_40 : memref<128x32xf32, #tpu.memory_space<vmem>>) offsets(%dma_start3A_43 : memref<128xi32, #tpu.memory_space<vmem>>) semaphore(%arg11 : memref<!tpu.dma_semaphore, #tpu.memory_space<semaphore_mem>>)
    %dma_start3A_47 = arith.constant 0 : i32
    %dma_start3A_48 = arith.constant 0 : i32
    %dma_start3A_49 = arith.constant 256 : i32
    %dma_start3A_50 = arith.constant 0 : i32
    %dma_start3A_51 = tpu.memref_slice %arg7[%dma_start3A_48, %dma_start3A_49, %dma_start3A_50] : memref<2x512x32xf32, #tpu.memory_space<vmem>> -> memref<1x128x32xf32, #tpu.memory_space<vmem>>
    %dma_start3A_52 = tpu.memref_squeeze %dma_start3A_51 : memref<1x128x32xf32, #tpu.memory_space<vmem>> -> memref<128x32xf32, #tpu.memory_space<vmem>>
    %dma_start3A_53 = arith.constant 256 : i32
    %dma_start3A_54 = tpu.memref_slice %arg6[%dma_start3A_47, %dma_start3A_53] : memref<2x512xi32, #tpu.memory_space<vmem>> -> memref<1x128xi32, #tpu.memory_space<vmem>>
    %dma_start3A_55 = tpu.memref_squeeze %dma_start3A_54 : memref<1x128xi32, #tpu.memory_space<vmem>> -> memref<128xi32, #tpu.memory_space<vmem>>
    %dma_start3A_56 = arith.constant 0 : i32
    %dma_start3A_57 = arith.constant 0 : i32
    %dma_start3A_58 = tpu.memref_slice %arg3[%dma_start3A_56, %dma_start3A_57] : memref<1000000x32xf32, #tpu.memory_space<hbm>> -> memref<1000000x32xf32, #tpu.memory_space<hbm>>
    tpu.enqueue_indirect_dma source(%dma_start3A_58 : memref<1000000x32xf32, #tpu.memory_space<hbm>>) target(%dma_start3A_52 : memref<128x32xf32, #tpu.memory_space<vmem>>) offsets(%dma_start3A_55 : memref<128xi32, #tpu.memory_space<vmem>>) semaphore(%arg11 : memref<!tpu.dma_semaphore, #tpu.memory_space<semaphore_mem>>)
    %dma_start3A_59 = arith.constant 0 : i32
    %dma_start3A_60 = arith.constant 0 : i32
    %dma_start3A_61 = arith.constant 384 : i32
    %dma_start3A_62 = arith.constant 0 : i32
    %dma_start3A_63 = tpu.memref_slice %arg7[%dma_start3A_60, %dma_start3A_61, %dma_start3A_62] : memref<2x512x32xf32, #tpu.memory_space<vmem>> -> memref<1x128x32xf32, #tpu.memory_space<vmem>>
    %dma_start3A_64 = tpu.memref_squeeze %dma_start3A_63 : memref<1x128x32xf32, #tpu.memory_space<vmem>> -> memref<128x32xf32, #tpu.memory_space<vmem>>
    %dma_start3A_65 = arith.constant 384 : i32
    %dma_start3A_66 = tpu.memref_slice %arg6[%dma_start3A_59, %dma_start3A_65] : memref<2x512xi32, #tpu.memory_space<vmem>> -> memref<1x128xi32, #tpu.memory_space<vmem>>
    %dma_start3A_67 = tpu.memref_squeeze %dma_start3A_66 : memref<1x128xi32, #tpu.memory_space<vmem>> -> memref<128xi32, #tpu.memory_space<vmem>>
    %dma_start3A_68 = arith.constant 0 : i32
    %dma_start3A_69 = arith.constant 0 : i32
    %dma_start3A_70 = tpu.memref_slice %arg3[%dma_start3A_68, %dma_start3A_69] : memref<1000000x32xf32, #tpu.memory_space<hbm>> -> memref<1000000x32xf32, #tpu.memory_space<hbm>>
    tpu.enqueue_indirect_dma source(%dma_start3A_70 : memref<1000000x32xf32, #tpu.memory_space<hbm>>) target(%dma_start3A_64 : memref<128x32xf32, #tpu.memory_space<vmem>>) offsets(%dma_start3A_67 : memref<128xi32, #tpu.memory_space<vmem>>) semaphore(%arg11 : memref<!tpu.dma_semaphore, #tpu.memory_space<semaphore_mem>>)
    %add3A_71 = arith.constant 512 : i32
    %add3A_72 = arith.addi %mul3A_2, %add3A_71 : i32
    %dma_start3A_73 = arith.constant 1 : i32
    %dma_start3A_74 = arith.constant 0 : i32
    %dma_start3A_75 = tpu.memref_slice %arg6[%dma_start3A_73, %dma_start3A_74] : memref<2x512xi32, #tpu.memory_space<vmem>> -> memref<1x512xi32, #tpu.memory_space<vmem>>
    %dma_start3A_76 = tpu.memref_squeeze %dma_start3A_75 : memref<1x512xi32, #tpu.memory_space<vmem>> -> memref<512xi32, #tpu.memory_space<vmem>>
    %dma_start3A_77 = tpu.memref_slice %arg2[%add3A_72] : memref<819200xi32, #tpu.memory_space<hbm>> -> memref<512xi32, #tpu.memory_space<hbm>>
    %dma_start3A_78 = arith.constant 0 : i32
    %dma_start3A_79 = tpu.memref_slice %arg6[%dma_start3A_73, %dma_start3A_78] : memref<2x512xi32, #tpu.memory_space<vmem>> -> memref<1x512xi32, #tpu.memory_space<vmem>>
    %dma_start3A_80 = tpu.memref_squeeze %dma_start3A_79 : memref<1x512xi32, #tpu.memory_space<vmem>> -> memref<512xi32, #tpu.memory_space<vmem>>
    %dma_start3A_81 = tpu.memref_slice %arg2[%add3A_72] : memref<819200xi32, #tpu.memory_space<hbm>> -> memref<512xi32, #tpu.memory_space<hbm>>
    tpu.enqueue_dma source(%dma_start3A_81 : memref<512xi32, #tpu.memory_space<hbm>>) target(%dma_start3A_80 : memref<512xi32, #tpu.memory_space<vmem>>) target_semaphore(%arg10 : memref<!tpu.dma_semaphore, #tpu.memory_space<semaphore_mem>>)
    %scan3A = arith.constant 0 : i32
    %scan3A_82 = arith.constant 0 : i32
    %scan3A_83 = arith.constant 25 : i32
    %scan3A_84 = arith.addi %scan3A_82, %scan3A_83 : i32
    %scan3A_85 = arith.constant 1 : i32
    scf.for %scan3A_117 = %scan3A_82 to %scan3A_84 step %scan3A_85  : i32 {
      %mul3A_118 = arith.constant 2 : i32
      %mul3A_119 = arith.muli %scan3A_117, %mul3A_118 : i32
      %add3A_120 = arith.constant 0 : i32
      %add3A_121 = arith.addi %mul3A_119, %add3A_120 : i32
      %add3A_122 = arith.constant 1 : i32
      %add3A_123 = arith.addi %add3A_121, %add3A_122 : i32
      %lt3A = arith.constant 50 : i32
      %lt3A_124 = arith.cmpi slt, %add3A_123, %lt3A : i32
      %convert_element_type3A = arith.extui %lt3A_124 : i1 to i32
      %cond3A = arith.constant 0 : i32
      %cond3A_125 = arith.cmpi ne, %convert_element_type3A, %cond3A : i32
      scf.if %cond3A_125 {
        %add3A_394 = arith.constant 1 : i32
        %add3A_395 = arith.addi %add3A_121, %add3A_394 : i32
        %mul3A_396 = arith.constant 512 : i32
        %mul3A_397 = arith.muli %add3A_395, %mul3A_396 : i32
        %add3A_398 = arith.addi %mul3A_2, %mul3A_397 : i32
        %dma_wait3A_399 = arith.constant 1 : i32
        %dma_wait3A_400 = arith.constant 0 : i32
        %dma_wait3A_401 = tpu.memref_slice %arg6[%dma_wait3A_399, %dma_wait3A_400] : memref<2x512xi32, #tpu.memory_space<vmem>> -> memref<1x512xi32, #tpu.memory_space<vmem>>
        %dma_wait3A_402 = tpu.memref_squeeze %dma_wait3A_401 : memref<1x512xi32, #tpu.memory_space<vmem>> -> memref<512xi32, #tpu.memory_space<vmem>>
        %dma_wait3A_403 = tpu.memref_slice %arg2[%add3A_398] : memref<819200xi32, #tpu.memory_space<hbm>> -> memref<512xi32, #tpu.memory_space<hbm>>
        %dma_wait3A_404 = arith.constant 0 : i32
        %dma_wait3A_405 = tpu.memref_slice %arg6[%dma_wait3A_399, %dma_wait3A_404] : memref<2x512xi32, #tpu.memory_space<vmem>> -> memref<1x512xi32, #tpu.memory_space<vmem>>
        %dma_wait3A_406 = tpu.memref_squeeze %dma_wait3A_405 : memref<1x512xi32, #tpu.memory_space<vmem>> -> memref<512xi32, #tpu.memory_space<vmem>>
        %dma_wait3A_407 = tpu.memref_slice %arg2[%add3A_398] : memref<819200xi32, #tpu.memory_space<hbm>> -> memref<512xi32, #tpu.memory_space<hbm>>
        tpu.wait_dma2 semaphore(%arg10 : memref<!tpu.dma_semaphore, #tpu.memory_space<semaphore_mem>>) src(%dma_wait3A_407 : memref<512xi32, #tpu.memory_space<hbm>>) dst(%dma_wait3A_406 : memref<512xi32, #tpu.memory_space<vmem>>)
        %ge3A = arith.constant 1 : i32
        %ge3A_408 = arith.cmpi sge, %add3A_121, %ge3A : i32
        %convert_element_type3A_409 = arith.extui %ge3A_408 : i1 to i32
        %cond3A_410 = arith.constant 0 : i32
        %cond3A_411 = arith.cmpi ne, %convert_element_type3A_409, %cond3A_410 : i32
        scf.if %cond3A_411 {
          %sub3A = arith.constant 1 : i32
          %sub3A_460 = arith.subi %add3A_121, %sub3A : i32
          %mul3A_461 = arith.constant 512 : i32
          %mul3A_462 = arith.muli %sub3A_460, %mul3A_461 : i32
          %add3A_463 = arith.addi %mul3A_2, %mul3A_462 : i32
          %dma_wait3A_464 = arith.constant 1 : i32
          %dma_wait3A_465 = arith.constant 0 : i32
          %dma_wait3A_466 = arith.constant 0 : i32
          %dma_wait3A_467 = tpu.memref_slice %arg7[%dma_wait3A_464, %dma_wait3A_465, %dma_wait3A_466] : memref<2x512x32xf32, #tpu.memory_space<vmem>> -> memref<1x512x32xf32, #tpu.memory_space<vmem>>
          %dma_wait3A_468 = tpu.memref_squeeze %dma_wait3A_467 : memref<1x512x32xf32, #tpu.memory_space<vmem>> -> memref<512x32xf32, #tpu.memory_space<vmem>>
          %dma_wait3A_469 = arith.constant 0 : i32
          %dma_wait3A_470 = tpu.memref_slice %arg5[%add3A_463, %dma_wait3A_469] : memref<819200x32xf32, #tpu.memory_space<hbm>> -> memref<512x32xf32, #tpu.memory_space<hbm>>
          %dma_wait3A_471 = arith.constant 0 : i32
          %dma_wait3A_472 = tpu.memref_slice %arg5[%add3A_463, %dma_wait3A_471] : memref<819200x32xf32, #tpu.memory_space<hbm>> -> memref<512x32xf32, #tpu.memory_space<hbm>>
          %dma_wait3A_473 = arith.constant 0 : i32
          %dma_wait3A_474 = arith.constant 0 : i32
          %dma_wait3A_475 = tpu.memref_slice %arg7[%dma_wait3A_464, %dma_wait3A_473, %dma_wait3A_474] : memref<2x512x32xf32, #tpu.memory_space<vmem>> -> memref<1x512x32xf32, #tpu.memory_space<vmem>>
          %dma_wait3A_476 = tpu.memref_squeeze %dma_wait3A_475 : memref<1x512x32xf32, #tpu.memory_space<vmem>> -> memref<512x32xf32, #tpu.memory_space<vmem>>
          tpu.wait_dma2 semaphore(%arg14 : memref<!tpu.dma_semaphore, #tpu.memory_space<semaphore_mem>>) src(%dma_wait3A_476 : memref<512x32xf32, #tpu.memory_space<vmem>>) dst(%dma_wait3A_472 : memref<512x32xf32, #tpu.memory_space<hbm>>)
        } else {
        }
        %dma_start3A_412 = arith.constant 1 : i32
        %dma_start3A_413 = arith.constant 1 : i32
        %dma_start3A_414 = arith.constant 0 : i32
        %dma_start3A_415 = arith.constant 0 : i32
        %dma_start3A_416 = tpu.memref_slice %arg7[%dma_start3A_413, %dma_start3A_414, %dma_start3A_415] : memref<2x512x32xf32, #tpu.memory_space<vmem>> -> memref<1x128x32xf32, #tpu.memory_space<vmem>>
        %dma_start3A_417 = tpu.memref_squeeze %dma_start3A_416 : memref<1x128x32xf32, #tpu.memory_space<vmem>> -> memref<128x32xf32, #tpu.memory_space<vmem>>
        %dma_start3A_418 = arith.constant 0 : i32
        %dma_start3A_419 = tpu.memref_slice %arg6[%dma_start3A_412, %dma_start3A_418] : memref<2x512xi32, #tpu.memory_space<vmem>> -> memref<1x128xi32, #tpu.memory_space<vmem>>
        %dma_start3A_420 = tpu.memref_squeeze %dma_start3A_419 : memref<1x128xi32, #tpu.memory_space<vmem>> -> memref<128xi32, #tpu.memory_space<vmem>>
        %dma_start3A_421 = arith.constant 0 : i32
        %dma_start3A_422 = arith.constant 0 : i32
        %dma_start3A_423 = tpu.memref_slice %arg3[%dma_start3A_421, %dma_start3A_422] : memref<1000000x32xf32, #tpu.memory_space<hbm>> -> memref<1000000x32xf32, #tpu.memory_space<hbm>>
        tpu.enqueue_indirect_dma source(%dma_start3A_423 : memref<1000000x32xf32, #tpu.memory_space<hbm>>) target(%dma_start3A_417 : memref<128x32xf32, #tpu.memory_space<vmem>>) offsets(%dma_start3A_420 : memref<128xi32, #tpu.memory_space<vmem>>) semaphore(%arg12 : memref<!tpu.dma_semaphore, #tpu.memory_space<semaphore_mem>>)
        %dma_start3A_424 = arith.constant 1 : i32
        %dma_start3A_425 = arith.constant 1 : i32
        %dma_start3A_426 = arith.constant 128 : i32
        %dma_start3A_427 = arith.constant 0 : i32
        %dma_start3A_428 = tpu.memref_slice %arg7[%dma_start3A_425, %dma_start3A_426, %dma_start3A_427] : memref<2x512x32xf32, #tpu.memory_space<vmem>> -> memref<1x128x32xf32, #tpu.memory_space<vmem>>
        %dma_start3A_429 = tpu.memref_squeeze %dma_start3A_428 : memref<1x128x32xf32, #tpu.memory_space<vmem>> -> memref<128x32xf32, #tpu.memory_space<vmem>>
        %dma_start3A_430 = arith.constant 128 : i32
        %dma_start3A_431 = tpu.memref_slice %arg6[%dma_start3A_424, %dma_start3A_430] : memref<2x512xi32, #tpu.memory_space<vmem>> -> memref<1x128xi32, #tpu.memory_space<vmem>>
        %dma_start3A_432 = tpu.memref_squeeze %dma_start3A_431 : memref<1x128xi32, #tpu.memory_space<vmem>> -> memref<128xi32, #tpu.memory_space<vmem>>
        %dma_start3A_433 = arith.constant 0 : i32
        %dma_start3A_434 = arith.constant 0 : i32
        %dma_start3A_435 = tpu.memref_slice %arg3[%dma_start3A_433, %dma_start3A_434] : memref<1000000x32xf32, #tpu.memory_space<hbm>> -> memref<1000000x32xf32, #tpu.memory_space<hbm>>
        tpu.enqueue_indirect_dma source(%dma_start3A_435 : memref<1000000x32xf32, #tpu.memory_space<hbm>>) target(%dma_start3A_429 : memref<128x32xf32, #tpu.memory_space<vmem>>) offsets(%dma_start3A_432 : memref<128xi32, #tpu.memory_space<vmem>>) semaphore(%arg12 : memref<!tpu.dma_semaphore, #tpu.memory_space<semaphore_mem>>)
        %dma_start3A_436 = arith.constant 1 : i32
        %dma_start3A_437 = arith.constant 1 : i32
        %dma_start3A_438 = arith.constant 256 : i32
        %dma_start3A_439 = arith.constant 0 : i32
        %dma_start3A_440 = tpu.memref_slice %arg7[%dma_start3A_437, %dma_start3A_438, %dma_start3A_439] : memref<2x512x32xf32, #tpu.memory_space<vmem>> -> memref<1x128x32xf32, #tpu.memory_space<vmem>>
        %dma_start3A_441 = tpu.memref_squeeze %dma_start3A_440 : memref<1x128x32xf32, #tpu.memory_space<vmem>> -> memref<128x32xf32, #tpu.memory_space<vmem>>
        %dma_start3A_442 = arith.constant 256 : i32
        %dma_start3A_443 = tpu.memref_slice %arg6[%dma_start3A_436, %dma_start3A_442] : memref<2x512xi32, #tpu.memory_space<vmem>> -> memref<1x128xi32, #tpu.memory_space<vmem>>
        %dma_start3A_444 = tpu.memref_squeeze %dma_start3A_443 : memref<1x128xi32, #tpu.memory_space<vmem>> -> memref<128xi32, #tpu.memory_space<vmem>>
        %dma_start3A_445 = arith.constant 0 : i32
        %dma_start3A_446 = arith.constant 0 : i32
        %dma_start3A_447 = tpu.memref_slice %arg3[%dma_start3A_445, %dma_start3A_446] : memref<1000000x32xf32, #tpu.memory_space<hbm>> -> memref<1000000x32xf32, #tpu.memory_space<hbm>>
        tpu.enqueue_indirect_dma source(%dma_start3A_447 : memref<1000000x32xf32, #tpu.memory_space<hbm>>) target(%dma_start3A_441 : memref<128x32xf32, #tpu.memory_space<vmem>>) offsets(%dma_start3A_444 : memref<128xi32, #tpu.memory_space<vmem>>) semaphore(%arg12 : memref<!tpu.dma_semaphore, #tpu.memory_space<semaphore_mem>>)
        %dma_start3A_448 = arith.constant 1 : i32
        %dma_start3A_449 = arith.constant 1 : i32
        %dma_start3A_450 = arith.constant 384 : i32
        %dma_start3A_451 = arith.constant 0 : i32
        %dma_start3A_452 = tpu.memref_slice %arg7[%dma_start3A_449, %dma_start3A_450, %dma_start3A_451] : memref<2x512x32xf32, #tpu.memory_space<vmem>> -> memref<1x128x32xf32, #tpu.memory_space<vmem>>
        %dma_start3A_453 = tpu.memref_squeeze %dma_start3A_452 : memref<1x128x32xf32, #tpu.memory_space<vmem>> -> memref<128x32xf32, #tpu.memory_space<vmem>>
        %dma_start3A_454 = arith.constant 384 : i32
        %dma_start3A_455 = tpu.memref_slice %arg6[%dma_start3A_448, %dma_start3A_454] : memref<2x512xi32, #tpu.memory_space<vmem>> -> memref<1x128xi32, #tpu.memory_space<vmem>>
        %dma_start3A_456 = tpu.memref_squeeze %dma_start3A_455 : memref<1x128xi32, #tpu.memory_space<vmem>> -> memref<128xi32, #tpu.memory_space<vmem>>
        %dma_start3A_457 = arith.constant 0 : i32
        %dma_start3A_458 = arith.constant 0 : i32
        %dma_start3A_459 = tpu.memref_slice %arg3[%dma_start3A_457, %dma_start3A_458] : memref<1000000x32xf32, #tpu.memory_space<hbm>> -> memref<1000000x32xf32, #tpu.memory_space<hbm>>
        tpu.enqueue_indirect_dma source(%dma_start3A_459 : memref<1000000x32xf32, #tpu.memory_space<hbm>>) target(%dma_start3A_453 : memref<128x32xf32, #tpu.memory_space<vmem>>) offsets(%dma_start3A_456 : memref<128xi32, #tpu.memory_space<vmem>>) semaphore(%arg12 : memref<!tpu.dma_semaphore, #tpu.memory_space<semaphore_mem>>)
      } else {
      }
      %broadcast_in_dim3A = arith.constant 0 : i32
      %broadcast_in_dim3A_126 = vector.broadcast %broadcast_in_dim3A : i32 to vector<16xi32>
      %scan3A_127 = arith.constant 0 : i32
      %scan3A_128 = arith.constant 32 : i32
      %scan3A_129 = arith.addi %scan3A_127, %scan3A_128 : i32
      %scan3A_130 = arith.constant 1 : i32
      %scan3A_131 = scf.for %scan3A_394 = %scan3A_127 to %scan3A_129 step %scan3A_130 iter_args(%scan3A_395 = %broadcast_in_dim3A_126) -> (vector<16xi32>)  : i32 {
        %mul3A_396 = arith.constant 16 : i32
        %mul3A_397 = arith.muli %scan3A_394, %mul3A_396 : i32
        %get3A = arith.constant 0 : i32
        %get3A_398 = arith.index_cast %get3A : i32 to index
        %get3A_399 = arith.index_cast %mul3A_397 : i32 to index
        %get3A_400 = tpu.vector_load %arg6[%get3A_398, %get3A_399] {strides = array<i32>} : memref<2x512xi32, #tpu.memory_space<vmem>>, vector<16xi32>,
        %sub3A = arith.constant 100 : i32
        %sub3A_401 = vector.broadcast %sub3A : i32 to vector<16xi32>
        %sub3A_402 = arith.subi %get3A_400, %sub3A_401 : vector<16xi32>
        %shift_right_arithmetic3A = arith.constant 31 : i32
        %shift_right_arithmetic3A_403 = vector.broadcast %shift_right_arithmetic3A : i32 to vector<16xi32>
        %shift_right_arithmetic3A_404 = arith.shrsi %sub3A_402, %shift_right_arithmetic3A_403 : vector<16xi32>
        %or3A_405 = arith.ori %scan3A_395, %shift_right_arithmetic3A_404 : vector<16xi32>
        scf.yield %or3A_405 : vector<16xi32>
      }
      %scan3A_132 = arith.constant 32 : i32
      %slice3A = vector.extract_strided_slice %scan3A_131 {offsets = [0], sizes = [1], strides = [1]} : vector<16xi32> to vector<1xi32>
      %squeeze3A = vector.extract %slice3A[0] : i32 from vector<1xi32>
      %slice3A_133 = vector.extract_strided_slice %scan3A_131 {offsets = [1], sizes = [1], strides = [1]} : vector<16xi32> to vector<1xi32>
      %squeeze3A_134 = vector.extract %slice3A_133[0] : i32 from vector<1xi32>
      %or3A = arith.ori %squeeze3A, %squeeze3A_134 : i32
      %slice3A_135 = vector.extract_strided_slice %scan3A_131 {offsets = [2], sizes = [1], strides = [1]} : vector<16xi32> to vector<1xi32>
      %squeeze3A_136 = vector.extract %slice3A_135[0] : i32 from vector<1xi32>
      %or3A_137 = arith.ori %or3A, %squeeze3A_136 : i32
      %slice3A_138 = vector.extract_strided_slice %scan3A_131 {offsets = [3], sizes = [1], strides = [1]} : vector<16xi32> to vector<1xi32>
      %squeeze3A_139 = vector.extract %slice3A_138[0] : i32 from vector<1xi32>
      %or3A_140 = arith.ori %or3A_137, %squeeze3A_139 : i32
      %slice3A_141 = vector.extract_strided_slice %scan3A_131 {offsets = [4], sizes = [1], strides = [1]} : vector<16xi32> to vector<1xi32>
      %squeeze3A_142 = vector.extract %slice3A_141[0] : i32 from vector<1xi32>
      %or3A_143 = arith.ori %or3A_140, %squeeze3A_142 : i32
      %slice3A_144 = vector.extract_strided_slice %scan3A_131 {offsets = [5], sizes = [1], strides = [1]} : vector<16xi32> to vector<1xi32>
      %squeeze3A_145 = vector.extract %slice3A_144[0] : i32 from vector<1xi32>
      %or3A_146 = arith.ori %or3A_143, %squeeze3A_145 : i32
      %slice3A_147 = vector.extract_strided_slice %scan3A_131 {offsets = [6], sizes = [1], strides = [1]} : vector<16xi32> to vector<1xi32>
      %squeeze3A_148 = vector.extract %slice3A_147[0] : i32 from vector<1xi32>
      %or3A_149 = arith.ori %or3A_146, %squeeze3A_148 : i32
      %slice3A_150 = vector.extract_strided_slice %scan3A_131 {offsets = [7], sizes = [1], strides = [1]} : vector<16xi32> to vector<1xi32>
      %squeeze3A_151 = vector.extract %slice3A_150[0] : i32 from vector<1xi32>
      %or3A_152 = arith.ori %or3A_149, %squeeze3A_151 : i32
      %slice3A_153 = vector.extract_strided_slice %scan3A_131 {offsets = [8], sizes = [1], strides = [1]} : vector<16xi32> to vector<1xi32>
      %squeeze3A_154 = vector.extract %slice3A_153[0] : i32 from vector<1xi32>
      %or3A_155 = arith.ori %or3A_152, %squeeze3A_154 : i32
      %slice3A_156 = vector.extract_strided_slice %scan3A_131 {offsets = [9], sizes = [1], strides = [1]} : vector<16xi32> to vector<1xi32>
      %squeeze3A_157 = vector.extract %slice3A_156[0] : i32 from vector<1xi32>
      %or3A_158 = arith.ori %or3A_155, %squeeze3A_157 : i32
      %slice3A_159 = vector.extract_strided_slice %scan3A_131 {offsets = [10], sizes = [1], strides = [1]} : vector<16xi32> to vector<1xi32>
      %squeeze3A_160 = vector.extract %slice3A_159[0] : i32 from vector<1xi32>
      %or3A_161 = arith.ori %or3A_158, %squeeze3A_160 : i32
      %slice3A_162 = vector.extract_strided_slice %scan3A_131 {offsets = [11], sizes = [1], strides = [1]} : vector<16xi32> to vector<1xi32>
      %squeeze3A_163 = vector.extract %slice3A_162[0] : i32 from vector<1xi32>
      %or3A_164 = arith.ori %or3A_161, %squeeze3A_163 : i32
      %slice3A_165 = vector.extract_strided_slice %scan3A_131 {offsets = [12], sizes = [1], strides = [1]} : vector<16xi32> to vector<1xi32>
      %squeeze3A_166 = vector.extract %slice3A_165[0] : i32 from vector<1xi32>
      %or3A_167 = arith.ori %or3A_164, %squeeze3A_166 : i32
      %slice3A_168 = vector.extract_strided_slice %scan3A_131 {offsets = [13], sizes = [1], strides = [1]} : vector<16xi32> to vector<1xi32>
      %squeeze3A_169 = vector.extract %slice3A_168[0] : i32 from vector<1xi32>
      %or3A_170 = arith.ori %or3A_167, %squeeze3A_169 : i32
      %slice3A_171 = vector.extract_strided_slice %scan3A_131 {offsets = [14], sizes = [1], strides = [1]} : vector<16xi32> to vector<1xi32>
      %squeeze3A_172 = vector.extract %slice3A_171[0] : i32 from vector<1xi32>
      %or3A_173 = arith.ori %or3A_170, %squeeze3A_172 : i32
      %slice3A_174 = vector.extract_strided_slice %scan3A_131 {offsets = [15], sizes = [1], strides = [1]} : vector<16xi32> to vector<1xi32>
      %squeeze3A_175 = vector.extract %slice3A_174[0] : i32 from vector<1xi32>
      %or3A_176 = arith.ori %or3A_173, %squeeze3A_175 : i32
      %dma_wait3A_177 = arith.constant 0 : i32
      %dma_wait3A_178 = arith.constant 0 : i32
      %dma_wait3A_179 = arith.constant 0 : i32
      %dma_wait3A_180 = arith.constant 0 : i32
      %dma_wait3A_181 = tpu.memref_slice %arg7[%dma_wait3A_178, %dma_wait3A_179, %dma_wait3A_180] : memref<2x512x32xf32, #tpu.memory_space<vmem>> -> memref<1x128x32xf32, #tpu.memory_space<vmem>>
      %dma_wait3A_182 = tpu.memref_squeeze %dma_wait3A_181 : memref<1x128x32xf32, #tpu.memory_space<vmem>> -> memref<128x32xf32, #tpu.memory_space<vmem>>
      %dma_wait3A_183 = arith.constant 0 : i32
      %dma_wait3A_184 = tpu.memref_slice %arg6[%dma_wait3A_177, %dma_wait3A_183] : memref<2x512xi32, #tpu.memory_space<vmem>> -> memref<1x128xi32, #tpu.memory_space<vmem>>
      %dma_wait3A_185 = tpu.memref_squeeze %dma_wait3A_184 : memref<1x128xi32, #tpu.memory_space<vmem>> -> memref<128xi32, #tpu.memory_space<vmem>>
      %dma_wait3A_186 = arith.constant 0 : i32
      %dma_wait3A_187 = arith.constant 0 : i32
      %dma_wait3A_188 = tpu.memref_slice %arg3[%dma_wait3A_186, %dma_wait3A_187] : memref<1000000x32xf32, #tpu.memory_space<hbm>> -> memref<1000000x32xf32, #tpu.memory_space<hbm>>
      tpu.wait_indirect_dma semaphore(%arg11 : memref<!tpu.dma_semaphore, #tpu.memory_space<semaphore_mem>>) src(%dma_wait3A_188 : memref<1000000x32xf32, #tpu.memory_space<hbm>>) dst(%dma_wait3A_182 : memref<128x32xf32, #tpu.memory_space<vmem>>)
      %dma_wait3A_189 = arith.constant 0 : i32
      %dma_wait3A_190 = arith.constant 0 : i32
      %dma_wait3A_191 = arith.constant 128 : i32
      %dma_wait3A_192 = arith.constant 0 : i32
      %dma_wait3A_193 = tpu.memref_slice %arg7[%dma_wait3A_190, %dma_wait3A_191, %dma_wait3A_192] : memref<2x512x32xf32, #tpu.memory_space<vmem>> -> memref<1x128x32xf32, #tpu.memory_space<vmem>>
      %dma_wait3A_194 = tpu.memref_squeeze %dma_wait3A_193 : memref<1x128x32xf32, #tpu.memory_space<vmem>> -> memref<128x32xf32, #tpu.memory_space<vmem>>
      %dma_wait3A_195 = arith.constant 128 : i32
      %dma_wait3A_196 = tpu.memref_slice %arg6[%dma_wait3A_189, %dma_wait3A_195] : memref<2x512xi32, #tpu.memory_space<vmem>> -> memref<1x128xi32, #tpu.memory_space<vmem>>
      %dma_wait3A_197 = tpu.memref_squeeze %dma_wait3A_196 : memref<1x128xi32, #tpu.memory_space<vmem>> -> memref<128xi32, #tpu.memory_space<vmem>>
      %dma_wait3A_198 = arith.constant 0 : i32
      %dma_wait3A_199 = arith.constant 0 : i32
      %dma_wait3A_200 = tpu.memref_slice %arg3[%dma_wait3A_198, %dma_wait3A_199] : memref<1000000x32xf32, #tpu.memory_space<hbm>> -> memref<1000000x32xf32, #tpu.memory_space<hbm>>
      tpu.wait_indirect_dma semaphore(%arg11 : memref<!tpu.dma_semaphore, #tpu.memory_space<semaphore_mem>>) src(%dma_wait3A_200 : memref<1000000x32xf32, #tpu.memory_space<hbm>>) dst(%dma_wait3A_194 : memref<128x32xf32, #tpu.memory_space<vmem>>)
      %dma_wait3A_201 = arith.constant 0 : i32
      %dma_wait3A_202 = arith.constant 0 : i32
      %dma_wait3A_203 = arith.constant 256 : i32
      %dma_wait3A_204 = arith.constant 0 : i32
      %dma_wait3A_205 = tpu.memref_slice %arg7[%dma_wait3A_202, %dma_wait3A_203, %dma_wait3A_204] : memref<2x512x32xf32, #tpu.memory_space<vmem>> -> memref<1x128x32xf32, #tpu.memory_space<vmem>>
      %dma_wait3A_206 = tpu.memref_squeeze %dma_wait3A_205 : memref<1x128x32xf32, #tpu.memory_space<vmem>> -> memref<128x32xf32, #tpu.memory_space<vmem>>
      %dma_wait3A_207 = arith.constant 256 : i32
      %dma_wait3A_208 = tpu.memref_slice %arg6[%dma_wait3A_201, %dma_wait3A_207] : memref<2x512xi32, #tpu.memory_space<vmem>> -> memref<1x128xi32, #tpu.memory_space<vmem>>
      %dma_wait3A_209 = tpu.memref_squeeze %dma_wait3A_208 : memref<1x128xi32, #tpu.memory_space<vmem>> -> memref<128xi32, #tpu.memory_space<vmem>>
      %dma_wait3A_210 = arith.constant 0 : i32
      %dma_wait3A_211 = arith.constant 0 : i32
      %dma_wait3A_212 = tpu.memref_slice %arg3[%dma_wait3A_210, %dma_wait3A_211] : memref<1000000x32xf32, #tpu.memory_space<hbm>> -> memref<1000000x32xf32, #tpu.memory_space<hbm>>
      tpu.wait_indirect_dma semaphore(%arg11 : memref<!tpu.dma_semaphore, #tpu.memory_space<semaphore_mem>>) src(%dma_wait3A_212 : memref<1000000x32xf32, #tpu.memory_space<hbm>>) dst(%dma_wait3A_206 : memref<128x32xf32, #tpu.memory_space<vmem>>)
      %dma_wait3A_213 = arith.constant 0 : i32
      %dma_wait3A_214 = arith.constant 0 : i32
      %dma_wait3A_215 = arith.constant 384 : i32
      %dma_wait3A_216 = arith.constant 0 : i32
      %dma_wait3A_217 = tpu.memref_slice %arg7[%dma_wait3A_214, %dma_wait3A_215, %dma_wait3A_216] : memref<2x512x32xf32, #tpu.memory_space<vmem>> -> memref<1x128x32xf32, #tpu.memory_space<vmem>>
      %dma_wait3A_218 = tpu.memref_squeeze %dma_wait3A_217 : memref<1x128x32xf32, #tpu.memory_space<vmem>> -> memref<128x32xf32, #tpu.memory_space<vmem>>
      %dma_wait3A_219 = arith.constant 384 : i32
      %dma_wait3A_220 = tpu.memref_slice %arg6[%dma_wait3A_213, %dma_wait3A_219] : memref<2x512xi32, #tpu.memory_space<vmem>> -> memref<1x128xi32, #tpu.memory_space<vmem>>
      %dma_wait3A_221 = tpu.memref_squeeze %dma_wait3A_220 : memref<1x128xi32, #tpu.memory_space<vmem>> -> memref<128xi32, #tpu.memory_space<vmem>>
      %dma_wait3A_222 = arith.constant 0 : i32
      %dma_wait3A_223 = arith.constant 0 : i32
      %dma_wait3A_224 = tpu.memref_slice %arg3[%dma_wait3A_222, %dma_wait3A_223] : memref<1000000x32xf32, #tpu.memory_space<hbm>> -> memref<1000000x32xf32, #tpu.memory_space<hbm>>
      tpu.wait_indirect_dma semaphore(%arg11 : memref<!tpu.dma_semaphore, #tpu.memory_space<semaphore_mem>>) src(%dma_wait3A_224 : memref<1000000x32xf32, #tpu.memory_space<hbm>>) dst(%dma_wait3A_218 : memref<128x32xf32, #tpu.memory_space<vmem>>)
      %ne3A = arith.constant 0 : i32
      %ne3A_225 = arith.cmpi ne, %or3A_176, %ne3A : i32
      %convert_element_type3A_226 = arith.extui %ne3A_225 : i1 to i32
      %cond3A_227 = arith.constant 0 : i32
      %cond3A_228 = arith.cmpi ne, %convert_element_type3A_226, %cond3A_227 : i32
      scf.if %cond3A_228 {
        %scan3A_394 = arith.constant 0 : i32
        %scan3A_395 = arith.constant 0 : i32
        %scan3A_396 = arith.constant 32 : i32
        %scan3A_397 = arith.addi %scan3A_395, %scan3A_396 : i32
        %scan3A_398 = arith.constant 1 : i32
        scf.for %scan3A_400 = %scan3A_395 to %scan3A_397 step %scan3A_398  : i32 {
          %mul3A_401 = arith.constant 16 : i32
          %mul3A_402 = arith.muli %scan3A_400, %mul3A_401 : i32
          %get3A = arith.constant 0 : i32
          %get3A_403 = arith.index_cast %get3A : i32 to index
          %get3A_404 = arith.index_cast %mul3A_402 : i32 to index
          %get3A_405 = tpu.vector_load %arg6[%get3A_403, %get3A_404] {strides = array<i32>} : memref<2x512xi32, #tpu.memory_space<vmem>>, vector<16xi32>,
          %slice3A_406 = vector.extract_strided_slice %get3A_405 {offsets = [0], sizes = [1], strides = [1]} : vector<16xi32> to vector<1xi32>
          %squeeze3A_407 = vector.extract %slice3A_406[0] : i32 from vector<1xi32>
          %lt3A_408 = arith.constant 100 : i32
          %lt3A_409 = arith.cmpi slt, %squeeze3A_407, %lt3A_408 : i32
          %jit3A = arith.constant 0 : i32
          %select_n3A = arith.select %lt3A_409, %squeeze3A_407, %jit3A : i32
          %jit3A_410 = arith.constant 1.000000e+00 : f32
          %jit3A_411 = arith.constant 0.000000e+00 : f32
          %select_n3A_412 = arith.select %lt3A_409, %jit3A_410, %jit3A_411 : f32
          %mul3A_413 = arith.constant 16 : i32
          %mul3A_414 = arith.muli %scan3A_400, %mul3A_413 : i32
          %add3A_415 = arith.constant 0 : i32
          %add3A_416 = arith.addi %mul3A_414, %add3A_415 : i32
          %get3A_417 = arith.index_cast %select_n3A : i32 to index
          %get3A_418 = arith.constant 0 : index
          %get3A_419 = tpu.vector_load %arg8[%get3A_417, %get3A_418] {strides = array<i32>} : memref<100x32xf32, #tpu.memory_space<vmem>>, vector<16xf32>,
          %get3A_420 = arith.constant 0 : i32
          %get3A_421 = arith.index_cast %get3A_420 : i32 to index
          %get3A_422 = arith.index_cast %add3A_416 : i32 to index
          %get3A_423 = arith.constant 0 : index
          %get3A_424 = tpu.vector_load %arg7[%get3A_421, %get3A_422, %get3A_423] {strides = array<i32>} : memref<2x512x32xf32, #tpu.memory_space<vmem>>, vector<16xf32>,
          %sub3A = arith.subf %get3A_419, %get3A_424 : vector<16xf32>
          %mul3A_425 = vector.broadcast %select_n3A_412 : f32 to vector<16xf32>
          %mul3A_426 = arith.mulf %mul3A_425, %sub3A : vector<16xf32>
          %add3A_427 = arith.addf %get3A_424, %mul3A_426 : vector<16xf32>
          %swap3A = arith.constant 0 : i32
          %swap3A_428 = arith.index_cast %swap3A : i32 to index
          %swap3A_429 = arith.index_cast %add3A_416 : i32 to index
          %swap3A_430 = arith.constant 0 : index
          %swap3A_431 = tpu.vector_load %arg7[%swap3A_428, %swap3A_429, %swap3A_430] {strides = array<i32>} : memref<2x512x32xf32, #tpu.memory_space<vmem>>, vector<16xf32>,
          tpu.vector_store %arg7[%swap3A_428, %swap3A_429, %swap3A_430], %add3A_427 {strides = array<i32>} : memref<2x512x32xf32, #tpu.memory_space<vmem>>, vector<16xf32>,
          %get3A_432 = arith.index_cast %select_n3A : i32 to index
          %get3A_433 = arith.constant 16 : index
          %get3A_434 = tpu.vector_load %arg8[%get3A_432, %get3A_433] {strides = array<i32>} : memref<100x32xf32, #tpu.memory_space<vmem>>, vector<16xf32>,
          %get3A_435 = arith.constant 0 : i32
          %get3A_436 = arith.index_cast %get3A_435 : i32 to index
          %get3A_437 = arith.index_cast %add3A_416 : i32 to index
          %get3A_438 = arith.constant 16 : index
          %get3A_439 = tpu.vector_load %arg7[%get3A_436, %get3A_437, %get3A_438] {strides = array<i32>} : memref<2x512x32xf32, #tpu.memory_space<vmem>>, vector<16xf32>,
          %sub3A_440 = arith.subf %get3A_434, %get3A_439 : vector<16xf32>
          %mul3A_441 = vector.broadcast %select_n3A_412 : f32 to vector<16xf32>
          %mul3A_442 = arith.mulf %mul3A_441, %sub3A_440 : vector<16xf32>
          %add3A_443 = arith.addf %get3A_439, %mul3A_442 : vector<16xf32>
          %swap3A_444 = arith.constant 0 : i32
          %swap3A_445 = arith.index_cast %swap3A_444 : i32 to index
          %swap3A_446 = arith.index_cast %add3A_416 : i32 to index
          %swap3A_447 = arith.constant 16 : index
          %swap3A_448 = tpu.vector_load %arg7[%swap3A_445, %swap3A_446, %swap3A_447] {strides = array<i32>} : memref<2x512x32xf32, #tpu.memory_space<vmem>>, vector<16xf32>,
          tpu.vector_store %arg7[%swap3A_445, %swap3A_446, %swap3A_447], %add3A_443 {strides = array<i32>} : memref<2x512x32xf32, #tpu.memory_space<vmem>>, vector<16xf32>,
          %slice3A_449 = vector.extract_strided_slice %get3A_405 {offsets = [1], sizes = [1], strides = [1]} : vector<16xi32> to vector<1xi32>
          %squeeze3A_450 = vector.extract %slice3A_449[0] : i32 from vector<1xi32>
          %lt3A_451 = arith.constant 100 : i32
          %lt3A_452 = arith.cmpi slt, %squeeze3A_450, %lt3A_451 : i32
          %jit3A_453 = arith.constant 0 : i32
          %select_n3A_454 = arith.select %lt3A_452, %squeeze3A_450, %jit3A_453 : i32
          %jit3A_455 = arith.constant 1.000000e+00 : f32
          %jit3A_456 = arith.constant 0.000000e+00 : f32
          %select_n3A_457 = arith.select %lt3A_452, %jit3A_455, %jit3A_456 : f32
          %mul3A_458 = arith.constant 16 : i32
          %mul3A_459 = arith.muli %scan3A_400, %mul3A_458 : i32
          %add3A_460 = arith.constant 1 : i32
          %add3A_461 = arith.addi %mul3A_459, %add3A_460 : i32
          %get3A_462 = arith.index_cast %select_n3A_454 : i32 to index
          %get3A_463 = arith.constant 0 : index
          %get3A_464 = tpu.vector_load %arg8[%get3A_462, %get3A_463] {strides = array<i32>} : memref<100x32xf32, #tpu.memory_space<vmem>>, vector<16xf32>,
          %get3A_465 = arith.constant 0 : i32
          %get3A_466 = arith.index_cast %get3A_465 : i32 to index
          %get3A_467 = arith.index_cast %add3A_461 : i32 to index
          %get3A_468 = arith.constant 0 : index
          %get3A_469 = tpu.vector_load %arg7[%get3A_466, %get3A_467, %get3A_468] {strides = array<i32>} : memref<2x512x32xf32, #tpu.memory_space<vmem>>, vector<16xf32>,
          %sub3A_470 = arith.subf %get3A_464, %get3A_469 : vector<16xf32>
          %mul3A_471 = vector.broadcast %select_n3A_457 : f32 to vector<16xf32>
          %mul3A_472 = arith.mulf %mul3A_471, %sub3A_470 : vector<16xf32>
          %add3A_473 = arith.addf %get3A_469, %mul3A_472 : vector<16xf32>
          %swap3A_474 = arith.constant 0 : i32
          %swap3A_475 = arith.index_cast %swap3A_474 : i32 to index
          %swap3A_476 = arith.index_cast %add3A_461 : i32 to index
          %swap3A_477 = arith.constant 0 : index
          %swap3A_478 = tpu.vector_load %arg7[%swap3A_475, %swap3A_476, %swap3A_477] {strides = array<i32>} : memref<2x512x32xf32, #tpu.memory_space<vmem>>, vector<16xf32>,
          tpu.vector_store %arg7[%swap3A_475, %swap3A_476, %swap3A_477], %add3A_473 {strides = array<i32>} : memref<2x512x32xf32, #tpu.memory_space<vmem>>, vector<16xf32>,
          %get3A_479 = arith.index_cast %select_n3A_454 : i32 to index
          %get3A_480 = arith.constant 16 : index
          %get3A_481 = tpu.vector_load %arg8[%get3A_479, %get3A_480] {strides = array<i32>} : memref<100x32xf32, #tpu.memory_space<vmem>>, vector<16xf32>,
          %get3A_482 = arith.constant 0 : i32
          %get3A_483 = arith.index_cast %get3A_482 : i32 to index
          %get3A_484 = arith.index_cast %add3A_461 : i32 to index
          %get3A_485 = arith.constant 16 : index
          %get3A_486 = tpu.vector_load %arg7[%get3A_483, %get3A_484, %get3A_485] {strides = array<i32>} : memref<2x512x32xf32, #tpu.memory_space<vmem>>, vector<16xf32>,
          %sub3A_487 = arith.subf %get3A_481, %get3A_486 : vector<16xf32>
          %mul3A_488 = vector.broadcast %select_n3A_457 : f32 to vector<16xf32>
          %mul3A_489 = arith.mulf %mul3A_488, %sub3A_487 : vector<16xf32>
          %add3A_490 = arith.addf %get3A_486, %mul3A_489 : vector<16xf32>
          %swap3A_491 = arith.constant 0 : i32
          %swap3A_492 = arith.index_cast %swap3A_491 : i32 to index
          %swap3A_493 = arith.index_cast %add3A_461 : i32 to index
          %swap3A_494 = arith.constant 16 : index
          %swap3A_495 = tpu.vector_load %arg7[%swap3A_492, %swap3A_493, %swap3A_494] {strides = array<i32>} : memref<2x512x32xf32, #tpu.memory_space<vmem>>, vector<16xf32>,
          tpu.vector_store %arg7[%swap3A_492, %swap3A_493, %swap3A_494], %add3A_490 {strides = array<i32>} : memref<2x512x32xf32, #tpu.memory_space<vmem>>, vector<16xf32>,
          %slice3A_496 = vector.extract_strided_slice %get3A_405 {offsets = [2], sizes = [1], strides = [1]} : vector<16xi32> to vector<1xi32>
          %squeeze3A_497 = vector.extract %slice3A_496[0] : i32 from vector<1xi32>
          %lt3A_498 = arith.constant 100 : i32
          %lt3A_499 = arith.cmpi slt, %squeeze3A_497, %lt3A_498 : i32
          %jit3A_500 = arith.constant 0 : i32
          %select_n3A_501 = arith.select %lt3A_499, %squeeze3A_497, %jit3A_500 : i32
          %jit3A_502 = arith.constant 1.000000e+00 : f32
          %jit3A_503 = arith.constant 0.000000e+00 : f32
          %select_n3A_504 = arith.select %lt3A_499, %jit3A_502, %jit3A_503 : f32
          %mul3A_505 = arith.constant 16 : i32
          %mul3A_506 = arith.muli %scan3A_400, %mul3A_505 : i32
          %add3A_507 = arith.constant 2 : i32
          %add3A_508 = arith.addi %mul3A_506, %add3A_507 : i32
          %get3A_509 = arith.index_cast %select_n3A_501 : i32 to index
          %get3A_510 = arith.constant 0 : index
          %get3A_511 = tpu.vector_load %arg8[%get3A_509, %get3A_510] {strides = array<i32>} : memref<100x32xf32, #tpu.memory_space<vmem>>, vector<16xf32>,
          %get3A_512 = arith.constant 0 : i32
          %get3A_513 = arith.index_cast %get3A_512 : i32 to index
          %get3A_514 = arith.index_cast %add3A_508 : i32 to index
          %get3A_515 = arith.constant 0 : index
          %get3A_516 = tpu.vector_load %arg7[%get3A_513, %get3A_514, %get3A_515] {strides = array<i32>} : memref<2x512x32xf32, #tpu.memory_space<vmem>>, vector<16xf32>,
          %sub3A_517 = arith.subf %get3A_511, %get3A_516 : vector<16xf32>
          %mul3A_518 = vector.broadcast %select_n3A_504 : f32 to vector<16xf32>
          %mul3A_519 = arith.mulf %mul3A_518, %sub3A_517 : vector<16xf32>
          %add3A_520 = arith.addf %get3A_516, %mul3A_519 : vector<16xf32>
          %swap3A_521 = arith.constant 0 : i32
          %swap3A_522 = arith.index_cast %swap3A_521 : i32 to index
          %swap3A_523 = arith.index_cast %add3A_508 : i32 to index
          %swap3A_524 = arith.constant 0 : index
          %swap3A_525 = tpu.vector_load %arg7[%swap3A_522, %swap3A_523, %swap3A_524] {strides = array<i32>} : memref<2x512x32xf32, #tpu.memory_space<vmem>>, vector<16xf32>,
          tpu.vector_store %arg7[%swap3A_522, %swap3A_523, %swap3A_524], %add3A_520 {strides = array<i32>} : memref<2x512x32xf32, #tpu.memory_space<vmem>>, vector<16xf32>,
          %get3A_526 = arith.index_cast %select_n3A_501 : i32 to index
          %get3A_527 = arith.constant 16 : index
          %get3A_528 = tpu.vector_load %arg8[%get3A_526, %get3A_527] {strides = array<i32>} : memref<100x32xf32, #tpu.memory_space<vmem>>, vector<16xf32>,
          %get3A_529 = arith.constant 0 : i32
          %get3A_530 = arith.index_cast %get3A_529 : i32 to index
          %get3A_531 = arith.index_cast %add3A_508 : i32 to index
          %get3A_532 = arith.constant 16 : index
          %get3A_533 = tpu.vector_load %arg7[%get3A_530, %get3A_531, %get3A_532] {strides = array<i32>} : memref<2x512x32xf32, #tpu.memory_space<vmem>>, vector<16xf32>,
          %sub3A_534 = arith.subf %get3A_528, %get3A_533 : vector<16xf32>
          %mul3A_535 = vector.broadcast %select_n3A_504 : f32 to vector<16xf32>
          %mul3A_536 = arith.mulf %mul3A_535, %sub3A_534 : vector<16xf32>
          %add3A_537 = arith.addf %get3A_533, %mul3A_536 : vector<16xf32>
          %swap3A_538 = arith.constant 0 : i32
          %swap3A_539 = arith.index_cast %swap3A_538 : i32 to index
          %swap3A_540 = arith.index_cast %add3A_508 : i32 to index
          %swap3A_541 = arith.constant 16 : index
          %swap3A_542 = tpu.vector_load %arg7[%swap3A_539, %swap3A_540, %swap3A_541] {strides = array<i32>} : memref<2x512x32xf32, #tpu.memory_space<vmem>>, vector<16xf32>,
          tpu.vector_store %arg7[%swap3A_539, %swap3A_540, %swap3A_541], %add3A_537 {strides = array<i32>} : memref<2x512x32xf32, #tpu.memory_space<vmem>>, vector<16xf32>,
          %slice3A_543 = vector.extract_strided_slice %get3A_405 {offsets = [3], sizes = [1], strides = [1]} : vector<16xi32> to vector<1xi32>
          %squeeze3A_544 = vector.extract %slice3A_543[0] : i32 from vector<1xi32>
          %lt3A_545 = arith.constant 100 : i32
          %lt3A_546 = arith.cmpi slt, %squeeze3A_544, %lt3A_545 : i32
          %jit3A_547 = arith.constant 0 : i32
          %select_n3A_548 = arith.select %lt3A_546, %squeeze3A_544, %jit3A_547 : i32
          %jit3A_549 = arith.constant 1.000000e+00 : f32
          %jit3A_550 = arith.constant 0.000000e+00 : f32
          %select_n3A_551 = arith.select %lt3A_546, %jit3A_549, %jit3A_550 : f32
          %mul3A_552 = arith.constant 16 : i32
          %mul3A_553 = arith.muli %scan3A_400, %mul3A_552 : i32
          %add3A_554 = arith.constant 3 : i32
          %add3A_555 = arith.addi %mul3A_553, %add3A_554 : i32
          %get3A_556 = arith.index_cast %select_n3A_548 : i32 to index
          %get3A_557 = arith.constant 0 : index
          %get3A_558 = tpu.vector_load %arg8[%get3A_556, %get3A_557] {strides = array<i32>} : memref<100x32xf32, #tpu.memory_space<vmem>>, vector<16xf32>,
          %get3A_559 = arith.constant 0 : i32
          %get3A_560 = arith.index_cast %get3A_559 : i32 to index
          %get3A_561 = arith.index_cast %add3A_555 : i32 to index
          %get3A_562 = arith.constant 0 : index
          %get3A_563 = tpu.vector_load %arg7[%get3A_560, %get3A_561, %get3A_562] {strides = array<i32>} : memref<2x512x32xf32, #tpu.memory_space<vmem>>, vector<16xf32>,
          %sub3A_564 = arith.subf %get3A_558, %get3A_563 : vector<16xf32>
          %mul3A_565 = vector.broadcast %select_n3A_551 : f32 to vector<16xf32>
          %mul3A_566 = arith.mulf %mul3A_565, %sub3A_564 : vector<16xf32>
          %add3A_567 = arith.addf %get3A_563, %mul3A_566 : vector<16xf32>
          %swap3A_568 = arith.constant 0 : i32
          %swap3A_569 = arith.index_cast %swap3A_568 : i32 to index
          %swap3A_570 = arith.index_cast %add3A_555 : i32 to index
          %swap3A_571 = arith.constant 0 : index
          %swap3A_572 = tpu.vector_load %arg7[%swap3A_569, %swap3A_570, %swap3A_571] {strides = array<i32>} : memref<2x512x32xf32, #tpu.memory_space<vmem>>, vector<16xf32>,
          tpu.vector_store %arg7[%swap3A_569, %swap3A_570, %swap3A_571], %add3A_567 {strides = array<i32>} : memref<2x512x32xf32, #tpu.memory_space<vmem>>, vector<16xf32>,
          %get3A_573 = arith.index_cast %select_n3A_548 : i32 to index
          %get3A_574 = arith.constant 16 : index
          %get3A_575 = tpu.vector_load %arg8[%get3A_573, %get3A_574] {strides = array<i32>} : memref<100x32xf32, #tpu.memory_space<vmem>>, vector<16xf32>,
          %get3A_576 = arith.constant 0 : i32
          %get3A_577 = arith.index_cast %get3A_576 : i32 to index
          %get3A_578 = arith.index_cast %add3A_555 : i32 to index
          %get3A_579 = arith.constant 16 : index
          %get3A_580 = tpu.vector_load %arg7[%get3A_577, %get3A_578, %get3A_579] {strides = array<i32>} : memref<2x512x32xf32, #tpu.memory_space<vmem>>, vector<16xf32>,
          %sub3A_581 = arith.subf %get3A_575, %get3A_580 : vector<16xf32>
          %mul3A_582 = vector.broadcast %select_n3A_551 : f32 to vector<16xf32>
          %mul3A_583 = arith.mulf %mul3A_582, %sub3A_581 : vector<16xf32>
          %add3A_584 = arith.addf %get3A_580, %mul3A_583 : vector<16xf32>
          %swap3A_585 = arith.constant 0 : i32
          %swap3A_586 = arith.index_cast %swap3A_585 : i32 to index
          %swap3A_587 = arith.index_cast %add3A_555 : i32 to index
          %swap3A_588 = arith.constant 16 : index
          %swap3A_589 = tpu.vector_load %arg7[%swap3A_586, %swap3A_587, %swap3A_588] {strides = array<i32>} : memref<2x512x32xf32, #tpu.memory_space<vmem>>, vector<16xf32>,
          tpu.vector_store %arg7[%swap3A_586, %swap3A_587, %swap3A_588], %add3A_584 {strides = array<i32>} : memref<2x512x32xf32, #tpu.memory_space<vmem>>, vector<16xf32>,
          %slice3A_590 = vector.extract_strided_slice %get3A_405 {offsets = [4], sizes = [1], strides = [1]} : vector<16xi32> to vector<1xi32>
          %squeeze3A_591 = vector.extract %slice3A_590[0] : i32 from vector<1xi32>
          %lt3A_592 = arith.constant 100 : i32
          %lt3A_593 = arith.cmpi slt, %squeeze3A_591, %lt3A_592 : i32
          %jit3A_594 = arith.constant 0 : i32
          %select_n3A_595 = arith.select %lt3A_593, %squeeze3A_591, %jit3A_594 : i32
          %jit3A_596 = arith.constant 1.000000e+00 : f32
          %jit3A_597 = arith.constant 0.000000e+00 : f32
          %select_n3A_598 = arith.select %lt3A_593, %jit3A_596, %jit3A_597 : f32
          %mul3A_599 = arith.constant 16 : i32
          %mul3A_600 = arith.muli %scan3A_400, %mul3A_599 : i32
          %add3A_601 = arith.constant 4 : i32
          %add3A_602 = arith.addi %mul3A_600, %add3A_601 : i32
          %get3A_603 = arith.index_cast %select_n3A_595 : i32 to index
          %get3A_604 = arith.constant 0 : index
          %get3A_605 = tpu.vector_load %arg8[%get3A_603, %get3A_604] {strides = array<i32>} : memref<100x32xf32, #tpu.memory_space<vmem>>, vector<16xf32>,
          %get3A_606 = arith.constant 0 : i32
          %get3A_607 = arith.index_cast %get3A_606 : i32 to index
          %get3A_608 = arith.index_cast %add3A_602 : i32 to index
          %get3A_609 = arith.constant 0 : index
          %get3A_610 = tpu.vector_load %arg7[%get3A_607, %get3A_608, %get3A_609] {strides = array<i32>} : memref<2x512x32xf32, #tpu.memory_space<vmem>>, vector<16xf32>,
          %sub3A_611 = arith.subf %get3A_605, %get3A_610 : vector<16xf32>
          %mul3A_612 = vector.broadcast %select_n3A_598 : f32 to vector<16xf32>
          %mul3A_613 = arith.mulf %mul3A_612, %sub3A_611 : vector<16xf32>
          %add3A_614 = arith.addf %get3A_610, %mul3A_613 : vector<16xf32>
          %swap3A_615 = arith.constant 0 : i32
          %swap3A_616 = arith.index_cast %swap3A_615 : i32 to index
          %swap3A_617 = arith.index_cast %add3A_602 : i32 to index
          %swap3A_618 = arith.constant 0 : index
          %swap3A_619 = tpu.vector_load %arg7[%swap3A_616, %swap3A_617, %swap3A_618] {strides = array<i32>} : memref<2x512x32xf32, #tpu.memory_space<vmem>>, vector<16xf32>,
          tpu.vector_store %arg7[%swap3A_616, %swap3A_617, %swap3A_618], %add3A_614 {strides = array<i32>} : memref<2x512x32xf32, #tpu.memory_space<vmem>>, vector<16xf32>,
          %get3A_620 = arith.index_cast %select_n3A_595 : i32 to index
          %get3A_621 = arith.constant 16 : index
          %get3A_622 = tpu.vector_load %arg8[%get3A_620, %get3A_621] {strides = array<i32>} : memref<100x32xf32, #tpu.memory_space<vmem>>, vector<16xf32>,
          %get3A_623 = arith.constant 0 : i32
          %get3A_624 = arith.index_cast %get3A_623 : i32 to index
          %get3A_625 = arith.index_cast %add3A_602 : i32 to index
          %get3A_626 = arith.constant 16 : index
          %get3A_627 = tpu.vector_load %arg7[%get3A_624, %get3A_625, %get3A_626] {strides = array<i32>} : memref<2x512x32xf32, #tpu.memory_space<vmem>>, vector<16xf32>,
          %sub3A_628 = arith.subf %get3A_622, %get3A_627 : vector<16xf32>
          %mul3A_629 = vector.broadcast %select_n3A_598 : f32 to vector<16xf32>
          %mul3A_630 = arith.mulf %mul3A_629, %sub3A_628 : vector<16xf32>
          %add3A_631 = arith.addf %get3A_627, %mul3A_630 : vector<16xf32>
          %swap3A_632 = arith.constant 0 : i32
          %swap3A_633 = arith.index_cast %swap3A_632 : i32 to index
          %swap3A_634 = arith.index_cast %add3A_602 : i32 to index
          %swap3A_635 = arith.constant 16 : index
          %swap3A_636 = tpu.vector_load %arg7[%swap3A_633, %swap3A_634, %swap3A_635] {strides = array<i32>} : memref<2x512x32xf32, #tpu.memory_space<vmem>>, vector<16xf32>,
          tpu.vector_store %arg7[%swap3A_633, %swap3A_634, %swap3A_635], %add3A_631 {strides = array<i32>} : memref<2x512x32xf32, #tpu.memory_space<vmem>>, vector<16xf32>,
          %slice3A_637 = vector.extract_strided_slice %get3A_405 {offsets = [5], sizes = [1], strides = [1]} : vector<16xi32> to vector<1xi32>
          %squeeze3A_638 = vector.extract %slice3A_637[0] : i32 from vector<1xi32>
          %lt3A_639 = arith.constant 100 : i32
          %lt3A_640 = arith.cmpi slt, %squeeze3A_638, %lt3A_639 : i32
          %jit3A_641 = arith.constant 0 : i32
          %select_n3A_642 = arith.select %lt3A_640, %squeeze3A_638, %jit3A_641 : i32
          %jit3A_643 = arith.constant 1.000000e+00 : f32
          %jit3A_644 = arith.constant 0.000000e+00 : f32
          %select_n3A_645 = arith.select %lt3A_640, %jit3A_643, %jit3A_644 : f32
          %mul3A_646 = arith.constant 16 : i32
          %mul3A_647 = arith.muli %scan3A_400, %mul3A_646 : i32
          %add3A_648 = arith.constant 5 : i32
          %add3A_649 = arith.addi %mul3A_647, %add3A_648 : i32
          %get3A_650 = arith.index_cast %select_n3A_642 : i32 to index
          %get3A_651 = arith.constant 0 : index
          %get3A_652 = tpu.vector_load %arg8[%get3A_650, %get3A_651] {strides = array<i32>} : memref<100x32xf32, #tpu.memory_space<vmem>>, vector<16xf32>,
          %get3A_653 = arith.constant 0 : i32
          %get3A_654 = arith.index_cast %get3A_653 : i32 to index
          %get3A_655 = arith.index_cast %add3A_649 : i32 to index
          %get3A_656 = arith.constant 0 : index
          %get3A_657 = tpu.vector_load %arg7[%get3A_654, %get3A_655, %get3A_656] {strides = array<i32>} : memref<2x512x32xf32, #tpu.memory_space<vmem>>, vector<16xf32>,
          %sub3A_658 = arith.subf %get3A_652, %get3A_657 : vector<16xf32>
          %mul3A_659 = vector.broadcast %select_n3A_645 : f32 to vector<16xf32>
          %mul3A_660 = arith.mulf %mul3A_659, %sub3A_658 : vector<16xf32>
          %add3A_661 = arith.addf %get3A_657, %mul3A_660 : vector<16xf32>
          %swap3A_662 = arith.constant 0 : i32
          %swap3A_663 = arith.index_cast %swap3A_662 : i32 to index
          %swap3A_664 = arith.index_cast %add3A_649 : i32 to index
          %swap3A_665 = arith.constant 0 : index
          %swap3A_666 = tpu.vector_load %arg7[%swap3A_663, %swap3A_664, %swap3A_665] {strides = array<i32>} : memref<2x512x32xf32, #tpu.memory_space<vmem>>, vector<16xf32>,
          tpu.vector_store %arg7[%swap3A_663, %swap3A_664, %swap3A_665], %add3A_661 {strides = array<i32>} : memref<2x512x32xf32, #tpu.memory_space<vmem>>, vector<16xf32>,
          %get3A_667 = arith.index_cast %select_n3A_642 : i32 to index
          %get3A_668 = arith.constant 16 : index
          %get3A_669 = tpu.vector_load %arg8[%get3A_667, %get3A_668] {strides = array<i32>} : memref<100x32xf32, #tpu.memory_space<vmem>>, vector<16xf32>,
          %get3A_670 = arith.constant 0 : i32
          %get3A_671 = arith.index_cast %get3A_670 : i32 to index
          %get3A_672 = arith.index_cast %add3A_649 : i32 to index
          %get3A_673 = arith.constant 16 : index
          %get3A_674 = tpu.vector_load %arg7[%get3A_671, %get3A_672, %get3A_673] {strides = array<i32>} : memref<2x512x32xf32, #tpu.memory_space<vmem>>, vector<16xf32>,
          %sub3A_675 = arith.subf %get3A_669, %get3A_674 : vector<16xf32>
          %mul3A_676 = vector.broadcast %select_n3A_645 : f32 to vector<16xf32>
          %mul3A_677 = arith.mulf %mul3A_676, %sub3A_675 : vector<16xf32>
          %add3A_678 = arith.addf %get3A_674, %mul3A_677 : vector<16xf32>
          %swap3A_679 = arith.constant 0 : i32
          %swap3A_680 = arith.index_cast %swap3A_679 : i32 to index
          %swap3A_681 = arith.index_cast %add3A_649 : i32 to index
          %swap3A_682 = arith.constant 16 : index
          %swap3A_683 = tpu.vector_load %arg7[%swap3A_680, %swap3A_681, %swap3A_682] {strides = array<i32>} : memref<2x512x32xf32, #tpu.memory_space<vmem>>, vector<16xf32>,
          tpu.vector_store %arg7[%swap3A_680, %swap3A_681, %swap3A_682], %add3A_678 {strides = array<i32>} : memref<2x512x32xf32, #tpu.memory_space<vmem>>, vector<16xf32>,
          %slice3A_684 = vector.extract_strided_slice %get3A_405 {offsets = [6], sizes = [1], strides = [1]} : vector<16xi32> to vector<1xi32>
          %squeeze3A_685 = vector.extract %slice3A_684[0] : i32 from vector<1xi32>
          %lt3A_686 = arith.constant 100 : i32
          %lt3A_687 = arith.cmpi slt, %squeeze3A_685, %lt3A_686 : i32
          %jit3A_688 = arith.constant 0 : i32
          %select_n3A_689 = arith.select %lt3A_687, %squeeze3A_685, %jit3A_688 : i32
          %jit3A_690 = arith.constant 1.000000e+00 : f32
          %jit3A_691 = arith.constant 0.000000e+00 : f32
          %select_n3A_692 = arith.select %lt3A_687, %jit3A_690, %jit3A_691 : f32
          %mul3A_693 = arith.constant 16 : i32
          %mul3A_694 = arith.muli %scan3A_400, %mul3A_693 : i32
          %add3A_695 = arith.constant 6 : i32
          %add3A_696 = arith.addi %mul3A_694, %add3A_695 : i32
          %get3A_697 = arith.index_cast %select_n3A_689 : i32 to index
          %get3A_698 = arith.constant 0 : index
          %get3A_699 = tpu.vector_load %arg8[%get3A_697, %get3A_698] {strides = array<i32>} : memref<100x32xf32, #tpu.memory_space<vmem>>, vector<16xf32>,
          %get3A_700 = arith.constant 0 : i32
          %get3A_701 = arith.index_cast %get3A_700 : i32 to index
          %get3A_702 = arith.index_cast %add3A_696 : i32 to index
          %get3A_703 = arith.constant 0 : index
          %get3A_704 = tpu.vector_load %arg7[%get3A_701, %get3A_702, %get3A_703] {strides = array<i32>} : memref<2x512x32xf32, #tpu.memory_space<vmem>>, vector<16xf32>,
          %sub3A_705 = arith.subf %get3A_699, %get3A_704 : vector<16xf32>
          %mul3A_706 = vector.broadcast %select_n3A_692 : f32 to vector<16xf32>
          %mul3A_707 = arith.mulf %mul3A_706, %sub3A_705 : vector<16xf32>
          %add3A_708 = arith.addf %get3A_704, %mul3A_707 : vector<16xf32>
          %swap3A_709 = arith.constant 0 : i32
          %swap3A_710 = arith.index_cast %swap3A_709 : i32 to index
          %swap3A_711 = arith.index_cast %add3A_696 : i32 to index
          %swap3A_712 = arith.constant 0 : index
          %swap3A_713 = tpu.vector_load %arg7[%swap3A_710, %swap3A_711, %swap3A_712] {strides = array<i32>} : memref<2x512x32xf32, #tpu.memory_space<vmem>>, vector<16xf32>,
          tpu.vector_store %arg7[%swap3A_710, %swap3A_711, %swap3A_712], %add3A_708 {strides = array<i32>} : memref<2x512x32xf32, #tpu.memory_space<vmem>>, vector<16xf32>,
          %get3A_714 = arith.index_cast %select_n3A_689 : i32 to index
          %get3A_715 = arith.constant 16 : index
          %get3A_716 = tpu.vector_load %arg8[%get3A_714, %get3A_715] {strides = array<i32>} : memref<100x32xf32, #tpu.memory_space<vmem>>, vector<16xf32>,
          %get3A_717 = arith.constant 0 : i32
          %get3A_718 = arith.index_cast %get3A_717 : i32 to index
          %get3A_719 = arith.index_cast %add3A_696 : i32 to index
          %get3A_720 = arith.constant 16 : index
          %get3A_721 = tpu.vector_load %arg7[%get3A_718, %get3A_719, %get3A_720] {strides = array<i32>} : memref<2x512x32xf32, #tpu.memory_space<vmem>>, vector<16xf32>,
          %sub3A_722 = arith.subf %get3A_716, %get3A_721 : vector<16xf32>
          %mul3A_723 = vector.broadcast %select_n3A_692 : f32 to vector<16xf32>
          %mul3A_724 = arith.mulf %mul3A_723, %sub3A_722 : vector<16xf32>
          %add3A_725 = arith.addf %get3A_721, %mul3A_724 : vector<16xf32>
          %swap3A_726 = arith.constant 0 : i32
          %swap3A_727 = arith.index_cast %swap3A_726 : i32 to index
          %swap3A_728 = arith.index_cast %add3A_696 : i32 to index
          %swap3A_729 = arith.constant 16 : index
          %swap3A_730 = tpu.vector_load %arg7[%swap3A_727, %swap3A_728, %swap3A_729] {strides = array<i32>} : memref<2x512x32xf32, #tpu.memory_space<vmem>>, vector<16xf32>,
          tpu.vector_store %arg7[%swap3A_727, %swap3A_728, %swap3A_729], %add3A_725 {strides = array<i32>} : memref<2x512x32xf32, #tpu.memory_space<vmem>>, vector<16xf32>,
          %slice3A_731 = vector.extract_strided_slice %get3A_405 {offsets = [7], sizes = [1], strides = [1]} : vector<16xi32> to vector<1xi32>
          %squeeze3A_732 = vector.extract %slice3A_731[0] : i32 from vector<1xi32>
          %lt3A_733 = arith.constant 100 : i32
          %lt3A_734 = arith.cmpi slt, %squeeze3A_732, %lt3A_733 : i32
          %jit3A_735 = arith.constant 0 : i32
          %select_n3A_736 = arith.select %lt3A_734, %squeeze3A_732, %jit3A_735 : i32
          %jit3A_737 = arith.constant 1.000000e+00 : f32
          %jit3A_738 = arith.constant 0.000000e+00 : f32
          %select_n3A_739 = arith.select %lt3A_734, %jit3A_737, %jit3A_738 : f32
          %mul3A_740 = arith.constant 16 : i32
          %mul3A_741 = arith.muli %scan3A_400, %mul3A_740 : i32
          %add3A_742 = arith.constant 7 : i32
          %add3A_743 = arith.addi %mul3A_741, %add3A_742 : i32
          %get3A_744 = arith.index_cast %select_n3A_736 : i32 to index
          %get3A_745 = arith.constant 0 : index
          %get3A_746 = tpu.vector_load %arg8[%get3A_744, %get3A_745] {strides = array<i32>} : memref<100x32xf32, #tpu.memory_space<vmem>>, vector<16xf32>,
          %get3A_747 = arith.constant 0 : i32
          %get3A_748 = arith.index_cast %get3A_747 : i32 to index
          %get3A_749 = arith.index_cast %add3A_743 : i32 to index
          %get3A_750 = arith.constant 0 : index
          %get3A_751 = tpu.vector_load %arg7[%get3A_748, %get3A_749, %get3A_750] {strides = array<i32>} : memref<2x512x32xf32, #tpu.memory_space<vmem>>, vector<16xf32>,
          %sub3A_752 = arith.subf %get3A_746, %get3A_751 : vector<16xf32>
          %mul3A_753 = vector.broadcast %select_n3A_739 : f32 to vector<16xf32>
          %mul3A_754 = arith.mulf %mul3A_753, %sub3A_752 : vector<16xf32>
          %add3A_755 = arith.addf %get3A_751, %mul3A_754 : vector<16xf32>
          %swap3A_756 = arith.constant 0 : i32
          %swap3A_757 = arith.index_cast %swap3A_756 : i32 to index
          %swap3A_758 = arith.index_cast %add3A_743 : i32 to index
          %swap3A_759 = arith.constant 0 : index
          %swap3A_760 = tpu.vector_load %arg7[%swap3A_757, %swap3A_758, %swap3A_759] {strides = array<i32>} : memref<2x512x32xf32, #tpu.memory_space<vmem>>, vector<16xf32>,
          tpu.vector_store %arg7[%swap3A_757, %swap3A_758, %swap3A_759], %add3A_755 {strides = array<i32>} : memref<2x512x32xf32, #tpu.memory_space<vmem>>, vector<16xf32>,
          %get3A_761 = arith.index_cast %select_n3A_736 : i32 to index
          %get3A_762 = arith.constant 16 : index
          %get3A_763 = tpu.vector_load %arg8[%get3A_761, %get3A_762] {strides = array<i32>} : memref<100x32xf32, #tpu.memory_space<vmem>>, vector<16xf32>,
          %get3A_764 = arith.constant 0 : i32
          %get3A_765 = arith.index_cast %get3A_764 : i32 to index
          %get3A_766 = arith.index_cast %add3A_743 : i32 to index
          %get3A_767 = arith.constant 16 : index
          %get3A_768 = tpu.vector_load %arg7[%get3A_765, %get3A_766, %get3A_767] {strides = array<i32>} : memref<2x512x32xf32, #tpu.memory_space<vmem>>, vector<16xf32>,
          %sub3A_769 = arith.subf %get3A_763, %get3A_768 : vector<16xf32>
          %mul3A_770 = vector.broadcast %select_n3A_739 : f32 to vector<16xf32>
          %mul3A_771 = arith.mulf %mul3A_770, %sub3A_769 : vector<16xf32>
          %add3A_772 = arith.addf %get3A_768, %mul3A_771 : vector<16xf32>
          %swap3A_773 = arith.constant 0 : i32
          %swap3A_774 = arith.index_cast %swap3A_773 : i32 to index
          %swap3A_775 = arith.index_cast %add3A_743 : i32 to index
          %swap3A_776 = arith.constant 16 : index
          %swap3A_777 = tpu.vector_load %arg7[%swap3A_774, %swap3A_775, %swap3A_776] {strides = array<i32>} : memref<2x512x32xf32, #tpu.memory_space<vmem>>, vector<16xf32>,
          tpu.vector_store %arg7[%swap3A_774, %swap3A_775, %swap3A_776], %add3A_772 {strides = array<i32>} : memref<2x512x32xf32, #tpu.memory_space<vmem>>, vector<16xf32>,
          %slice3A_778 = vector.extract_strided_slice %get3A_405 {offsets = [8], sizes = [1], strides = [1]} : vector<16xi32> to vector<1xi32>
          %squeeze3A_779 = vector.extract %slice3A_778[0] : i32 from vector<1xi32>
          %lt3A_780 = arith.constant 100 : i32
          %lt3A_781 = arith.cmpi slt, %squeeze3A_779, %lt3A_780 : i32
          %jit3A_782 = arith.constant 0 : i32
          %select_n3A_783 = arith.select %lt3A_781, %squeeze3A_779, %jit3A_782 : i32
          %jit3A_784 = arith.constant 1.000000e+00 : f32
          %jit3A_785 = arith.constant 0.000000e+00 : f32
          %select_n3A_786 = arith.select %lt3A_781, %jit3A_784, %jit3A_785 : f32
          %mul3A_787 = arith.constant 16 : i32
          %mul3A_788 = arith.muli %scan3A_400, %mul3A_787 : i32
          %add3A_789 = arith.constant 8 : i32
          %add3A_790 = arith.addi %mul3A_788, %add3A_789 : i32
          %get3A_791 = arith.index_cast %select_n3A_783 : i32 to index
          %get3A_792 = arith.constant 0 : index
          %get3A_793 = tpu.vector_load %arg8[%get3A_791, %get3A_792] {strides = array<i32>} : memref<100x32xf32, #tpu.memory_space<vmem>>, vector<16xf32>,
          %get3A_794 = arith.constant 0 : i32
          %get3A_795 = arith.index_cast %get3A_794 : i32 to index
          %get3A_796 = arith.index_cast %add3A_790 : i32 to index
          %get3A_797 = arith.constant 0 : index
          %get3A_798 = tpu.vector_load %arg7[%get3A_795, %get3A_796, %get3A_797] {strides = array<i32>} : memref<2x512x32xf32, #tpu.memory_space<vmem>>, vector<16xf32>,
          %sub3A_799 = arith.subf %get3A_793, %get3A_798 : vector<16xf32>
          %mul3A_800 = vector.broadcast %select_n3A_786 : f32 to vector<16xf32>
          %mul3A_801 = arith.mulf %mul3A_800, %sub3A_799 : vector<16xf32>
          %add3A_802 = arith.addf %get3A_798, %mul3A_801 : vector<16xf32>
          %swap3A_803 = arith.constant 0 : i32
          %swap3A_804 = arith.index_cast %swap3A_803 : i32 to index
          %swap3A_805 = arith.index_cast %add3A_790 : i32 to index
          %swap3A_806 = arith.constant 0 : index
          %swap3A_807 = tpu.vector_load %arg7[%swap3A_804, %swap3A_805, %swap3A_806] {strides = array<i32>} : memref<2x512x32xf32, #tpu.memory_space<vmem>>, vector<16xf32>,
          tpu.vector_store %arg7[%swap3A_804, %swap3A_805, %swap3A_806], %add3A_802 {strides = array<i32>} : memref<2x512x32xf32, #tpu.memory_space<vmem>>, vector<16xf32>,
          %get3A_808 = arith.index_cast %select_n3A_783 : i32 to index
          %get3A_809 = arith.constant 16 : index
          %get3A_810 = tpu.vector_load %arg8[%get3A_808, %get3A_809] {strides = array<i32>} : memref<100x32xf32, #tpu.memory_space<vmem>>, vector<16xf32>,
          %get3A_811 = arith.constant 0 : i32
          %get3A_812 = arith.index_cast %get3A_811 : i32 to index
          %get3A_813 = arith.index_cast %add3A_790 : i32 to index
          %get3A_814 = arith.constant 16 : index
          %get3A_815 = tpu.vector_load %arg7[%get3A_812, %get3A_813, %get3A_814] {strides = array<i32>} : memref<2x512x32xf32, #tpu.memory_space<vmem>>, vector<16xf32>,
          %sub3A_816 = arith.subf %get3A_810, %get3A_815 : vector<16xf32>
          %mul3A_817 = vector.broadcast %select_n3A_786 : f32 to vector<16xf32>
          %mul3A_818 = arith.mulf %mul3A_817, %sub3A_816 : vector<16xf32>
          %add3A_819 = arith.addf %get3A_815, %mul3A_818 : vector<16xf32>
          %swap3A_820 = arith.constant 0 : i32
          %swap3A_821 = arith.index_cast %swap3A_820 : i32 to index
          %swap3A_822 = arith.index_cast %add3A_790 : i32 to index
          %swap3A_823 = arith.constant 16 : index
          %swap3A_824 = tpu.vector_load %arg7[%swap3A_821, %swap3A_822, %swap3A_823] {strides = array<i32>} : memref<2x512x32xf32, #tpu.memory_space<vmem>>, vector<16xf32>,
          tpu.vector_store %arg7[%swap3A_821, %swap3A_822, %swap3A_823], %add3A_819 {strides = array<i32>} : memref<2x512x32xf32, #tpu.memory_space<vmem>>, vector<16xf32>,
          %slice3A_825 = vector.extract_strided_slice %get3A_405 {offsets = [9], sizes = [1], strides = [1]} : vector<16xi32> to vector<1xi32>
          %squeeze3A_826 = vector.extract %slice3A_825[0] : i32 from vector<1xi32>
          %lt3A_827 = arith.constant 100 : i32
          %lt3A_828 = arith.cmpi slt, %squeeze3A_826, %lt3A_827 : i32
          %jit3A_829 = arith.constant 0 : i32
          %select_n3A_830 = arith.select %lt3A_828, %squeeze3A_826, %jit3A_829 : i32
          %jit3A_831 = arith.constant 1.000000e+00 : f32
          %jit3A_832 = arith.constant 0.000000e+00 : f32
          %select_n3A_833 = arith.select %lt3A_828, %jit3A_831, %jit3A_832 : f32
          %mul3A_834 = arith.constant 16 : i32
          %mul3A_835 = arith.muli %scan3A_400, %mul3A_834 : i32
          %add3A_836 = arith.constant 9 : i32
          %add3A_837 = arith.addi %mul3A_835, %add3A_836 : i32
          %get3A_838 = arith.index_cast %select_n3A_830 : i32 to index
          %get3A_839 = arith.constant 0 : index
          %get3A_840 = tpu.vector_load %arg8[%get3A_838, %get3A_839] {strides = array<i32>} : memref<100x32xf32, #tpu.memory_space<vmem>>, vector<16xf32>,
          %get3A_841 = arith.constant 0 : i32
          %get3A_842 = arith.index_cast %get3A_841 : i32 to index
          %get3A_843 = arith.index_cast %add3A_837 : i32 to index
          %get3A_844 = arith.constant 0 : index
          %get3A_845 = tpu.vector_load %arg7[%get3A_842, %get3A_843, %get3A_844] {strides = array<i32>} : memref<2x512x32xf32, #tpu.memory_space<vmem>>, vector<16xf32>,
          %sub3A_846 = arith.subf %get3A_840, %get3A_845 : vector<16xf32>
          %mul3A_847 = vector.broadcast %select_n3A_833 : f32 to vector<16xf32>
          %mul3A_848 = arith.mulf %mul3A_847, %sub3A_846 : vector<16xf32>
          %add3A_849 = arith.addf %get3A_845, %mul3A_848 : vector<16xf32>
          %swap3A_850 = arith.constant 0 : i32
          %swap3A_851 = arith.index_cast %swap3A_850 : i32 to index
          %swap3A_852 = arith.index_cast %add3A_837 : i32 to index
          %swap3A_853 = arith.constant 0 : index
          %swap3A_854 = tpu.vector_load %arg7[%swap3A_851, %swap3A_852, %swap3A_853] {strides = array<i32>} : memref<2x512x32xf32, #tpu.memory_space<vmem>>, vector<16xf32>,
          tpu.vector_store %arg7[%swap3A_851, %swap3A_852, %swap3A_853], %add3A_849 {strides = array<i32>} : memref<2x512x32xf32, #tpu.memory_space<vmem>>, vector<16xf32>,
          %get3A_855 = arith.index_cast %select_n3A_830 : i32 to index
          %get3A_856 = arith.constant 16 : index
          %get3A_857 = tpu.vector_load %arg8[%get3A_855, %get3A_856] {strides = array<i32>} : memref<100x32xf32, #tpu.memory_space<vmem>>, vector<16xf32>,
          %get3A_858 = arith.constant 0 : i32
          %get3A_859 = arith.index_cast %get3A_858 : i32 to index
          %get3A_860 = arith.index_cast %add3A_837 : i32 to index
          %get3A_861 = arith.constant 16 : index
          %get3A_862 = tpu.vector_load %arg7[%get3A_859, %get3A_860, %get3A_861] {strides = array<i32>} : memref<2x512x32xf32, #tpu.memory_space<vmem>>, vector<16xf32>,
          %sub3A_863 = arith.subf %get3A_857, %get3A_862 : vector<16xf32>
          %mul3A_864 = vector.broadcast %select_n3A_833 : f32 to vector<16xf32>
          %mul3A_865 = arith.mulf %mul3A_864, %sub3A_863 : vector<16xf32>
          %add3A_866 = arith.addf %get3A_862, %mul3A_865 : vector<16xf32>
          %swap3A_867 = arith.constant 0 : i32
          %swap3A_868 = arith.index_cast %swap3A_867 : i32 to index
          %swap3A_869 = arith.index_cast %add3A_837 : i32 to index
          %swap3A_870 = arith.constant 16 : index
          %swap3A_871 = tpu.vector_load %arg7[%swap3A_868, %swap3A_869, %swap3A_870] {strides = array<i32>} : memref<2x512x32xf32, #tpu.memory_space<vmem>>, vector<16xf32>,
          tpu.vector_store %arg7[%swap3A_868, %swap3A_869, %swap3A_870], %add3A_866 {strides = array<i32>} : memref<2x512x32xf32, #tpu.memory_space<vmem>>, vector<16xf32>,
          %slice3A_872 = vector.extract_strided_slice %get3A_405 {offsets = [10], sizes = [1], strides = [1]} : vector<16xi32> to vector<1xi32>
          %squeeze3A_873 = vector.extract %slice3A_872[0] : i32 from vector<1xi32>
          %lt3A_874 = arith.constant 100 : i32
          %lt3A_875 = arith.cmpi slt, %squeeze3A_873, %lt3A_874 : i32
          %jit3A_876 = arith.constant 0 : i32
          %select_n3A_877 = arith.select %lt3A_875, %squeeze3A_873, %jit3A_876 : i32
          %jit3A_878 = arith.constant 1.000000e+00 : f32
          %jit3A_879 = arith.constant 0.000000e+00 : f32
          %select_n3A_880 = arith.select %lt3A_875, %jit3A_878, %jit3A_879 : f32
          %mul3A_881 = arith.constant 16 : i32
          %mul3A_882 = arith.muli %scan3A_400, %mul3A_881 : i32
          %add3A_883 = arith.constant 10 : i32
          %add3A_884 = arith.addi %mul3A_882, %add3A_883 : i32
          %get3A_885 = arith.index_cast %select_n3A_877 : i32 to index
          %get3A_886 = arith.constant 0 : index
          %get3A_887 = tpu.vector_load %arg8[%get3A_885, %get3A_886] {strides = array<i32>} : memref<100x32xf32, #tpu.memory_space<vmem>>, vector<16xf32>,
          %get3A_888 = arith.constant 0 : i32
          %get3A_889 = arith.index_cast %get3A_888 : i32 to index
          %get3A_890 = arith.index_cast %add3A_884 : i32 to index
          %get3A_891 = arith.constant 0 : index
          %get3A_892 = tpu.vector_load %arg7[%get3A_889, %get3A_890, %get3A_891] {strides = array<i32>} : memref<2x512x32xf32, #tpu.memory_space<vmem>>, vector<16xf32>,
          %sub3A_893 = arith.subf %get3A_887, %get3A_892 : vector<16xf32>
          %mul3A_894 = vector.broadcast %select_n3A_880 : f32 to vector<16xf32>
          %mul3A_895 = arith.mulf %mul3A_894, %sub3A_893 : vector<16xf32>
          %add3A_896 = arith.addf %get3A_892, %mul3A_895 : vector<16xf32>
          %swap3A_897 = arith.constant 0 : i32
          %swap3A_898 = arith.index_cast %swap3A_897 : i32 to index
          %swap3A_899 = arith.index_cast %add3A_884 : i32 to index
          %swap3A_900 = arith.constant 0 : index
          %swap3A_901 = tpu.vector_load %arg7[%swap3A_898, %swap3A_899, %swap3A_900] {strides = array<i32>} : memref<2x512x32xf32, #tpu.memory_space<vmem>>, vector<16xf32>,
          tpu.vector_store %arg7[%swap3A_898, %swap3A_899, %swap3A_900], %add3A_896 {strides = array<i32>} : memref<2x512x32xf32, #tpu.memory_space<vmem>>, vector<16xf32>,
          %get3A_902 = arith.index_cast %select_n3A_877 : i32 to index
          %get3A_903 = arith.constant 16 : index
          %get3A_904 = tpu.vector_load %arg8[%get3A_902, %get3A_903] {strides = array<i32>} : memref<100x32xf32, #tpu.memory_space<vmem>>, vector<16xf32>,
          %get3A_905 = arith.constant 0 : i32
          %get3A_906 = arith.index_cast %get3A_905 : i32 to index
          %get3A_907 = arith.index_cast %add3A_884 : i32 to index
          %get3A_908 = arith.constant 16 : index
          %get3A_909 = tpu.vector_load %arg7[%get3A_906, %get3A_907, %get3A_908] {strides = array<i32>} : memref<2x512x32xf32, #tpu.memory_space<vmem>>, vector<16xf32>,
          %sub3A_910 = arith.subf %get3A_904, %get3A_909 : vector<16xf32>
          %mul3A_911 = vector.broadcast %select_n3A_880 : f32 to vector<16xf32>
          %mul3A_912 = arith.mulf %mul3A_911, %sub3A_910 : vector<16xf32>
          %add3A_913 = arith.addf %get3A_909, %mul3A_912 : vector<16xf32>
          %swap3A_914 = arith.constant 0 : i32
          %swap3A_915 = arith.index_cast %swap3A_914 : i32 to index
          %swap3A_916 = arith.index_cast %add3A_884 : i32 to index
          %swap3A_917 = arith.constant 16 : index
          %swap3A_918 = tpu.vector_load %arg7[%swap3A_915, %swap3A_916, %swap3A_917] {strides = array<i32>} : memref<2x512x32xf32, #tpu.memory_space<vmem>>, vector<16xf32>,
          tpu.vector_store %arg7[%swap3A_915, %swap3A_916, %swap3A_917], %add3A_913 {strides = array<i32>} : memref<2x512x32xf32, #tpu.memory_space<vmem>>, vector<16xf32>,
          %slice3A_919 = vector.extract_strided_slice %get3A_405 {offsets = [11], sizes = [1], strides = [1]} : vector<16xi32> to vector<1xi32>
          %squeeze3A_920 = vector.extract %slice3A_919[0] : i32 from vector<1xi32>
          %lt3A_921 = arith.constant 100 : i32
          %lt3A_922 = arith.cmpi slt, %squeeze3A_920, %lt3A_921 : i32
          %jit3A_923 = arith.constant 0 : i32
          %select_n3A_924 = arith.select %lt3A_922, %squeeze3A_920, %jit3A_923 : i32
          %jit3A_925 = arith.constant 1.000000e+00 : f32
          %jit3A_926 = arith.constant 0.000000e+00 : f32
          %select_n3A_927 = arith.select %lt3A_922, %jit3A_925, %jit3A_926 : f32
          %mul3A_928 = arith.constant 16 : i32
          %mul3A_929 = arith.muli %scan3A_400, %mul3A_928 : i32
          %add3A_930 = arith.constant 11 : i32
          %add3A_931 = arith.addi %mul3A_929, %add3A_930 : i32
          %get3A_932 = arith.index_cast %select_n3A_924 : i32 to index
          %get3A_933 = arith.constant 0 : index
          %get3A_934 = tpu.vector_load %arg8[%get3A_932, %get3A_933] {strides = array<i32>} : memref<100x32xf32, #tpu.memory_space<vmem>>, vector<16xf32>,
          %get3A_935 = arith.constant 0 : i32
          %get3A_936 = arith.index_cast %get3A_935 : i32 to index
          %get3A_937 = arith.index_cast %add3A_931 : i32 to index
          %get3A_938 = arith.constant 0 : index
          %get3A_939 = tpu.vector_load %arg7[%get3A_936, %get3A_937, %get3A_938] {strides = array<i32>} : memref<2x512x32xf32, #tpu.memory_space<vmem>>, vector<16xf32>,
          %sub3A_940 = arith.subf %get3A_934, %get3A_939 : vector<16xf32>
          %mul3A_941 = vector.broadcast %select_n3A_927 : f32 to vector<16xf32>
          %mul3A_942 = arith.mulf %mul3A_941, %sub3A_940 : vector<16xf32>
          %add3A_943 = arith.addf %get3A_939, %mul3A_942 : vector<16xf32>
          %swap3A_944 = arith.constant 0 : i32
          %swap3A_945 = arith.index_cast %swap3A_944 : i32 to index
          %swap3A_946 = arith.index_cast %add3A_931 : i32 to index
          %swap3A_947 = arith.constant 0 : index
          %swap3A_948 = tpu.vector_load %arg7[%swap3A_945, %swap3A_946, %swap3A_947] {strides = array<i32>} : memref<2x512x32xf32, #tpu.memory_space<vmem>>, vector<16xf32>,
          tpu.vector_store %arg7[%swap3A_945, %swap3A_946, %swap3A_947], %add3A_943 {strides = array<i32>} : memref<2x512x32xf32, #tpu.memory_space<vmem>>, vector<16xf32>,
          %get3A_949 = arith.index_cast %select_n3A_924 : i32 to index
          %get3A_950 = arith.constant 16 : index
          %get3A_951 = tpu.vector_load %arg8[%get3A_949, %get3A_950] {strides = array<i32>} : memref<100x32xf32, #tpu.memory_space<vmem>>, vector<16xf32>,
          %get3A_952 = arith.constant 0 : i32
          %get3A_953 = arith.index_cast %get3A_952 : i32 to index
          %get3A_954 = arith.index_cast %add3A_931 : i32 to index
          %get3A_955 = arith.constant 16 : index
          %get3A_956 = tpu.vector_load %arg7[%get3A_953, %get3A_954, %get3A_955] {strides = array<i32>} : memref<2x512x32xf32, #tpu.memory_space<vmem>>, vector<16xf32>,
          %sub3A_957 = arith.subf %get3A_951, %get3A_956 : vector<16xf32>
          %mul3A_958 = vector.broadcast %select_n3A_927 : f32 to vector<16xf32>
          %mul3A_959 = arith.mulf %mul3A_958, %sub3A_957 : vector<16xf32>
          %add3A_960 = arith.addf %get3A_956, %mul3A_959 : vector<16xf32>
          %swap3A_961 = arith.constant 0 : i32
          %swap3A_962 = arith.index_cast %swap3A_961 : i32 to index
          %swap3A_963 = arith.index_cast %add3A_931 : i32 to index
          %swap3A_964 = arith.constant 16 : index
          %swap3A_965 = tpu.vector_load %arg7[%swap3A_962, %swap3A_963, %swap3A_964] {strides = array<i32>} : memref<2x512x32xf32, #tpu.memory_space<vmem>>, vector<16xf32>,
          tpu.vector_store %arg7[%swap3A_962, %swap3A_963, %swap3A_964], %add3A_960 {strides = array<i32>} : memref<2x512x32xf32, #tpu.memory_space<vmem>>, vector<16xf32>,
          %slice3A_966 = vector.extract_strided_slice %get3A_405 {offsets = [12], sizes = [1], strides = [1]} : vector<16xi32> to vector<1xi32>
          %squeeze3A_967 = vector.extract %slice3A_966[0] : i32 from vector<1xi32>
          %lt3A_968 = arith.constant 100 : i32
          %lt3A_969 = arith.cmpi slt, %squeeze3A_967, %lt3A_968 : i32
          %jit3A_970 = arith.constant 0 : i32
          %select_n3A_971 = arith.select %lt3A_969, %squeeze3A_967, %jit3A_970 : i32
          %jit3A_972 = arith.constant 1.000000e+00 : f32
          %jit3A_973 = arith.constant 0.000000e+00 : f32
          %select_n3A_974 = arith.select %lt3A_969, %jit3A_972, %jit3A_973 : f32
          %mul3A_975 = arith.constant 16 : i32
          %mul3A_976 = arith.muli %scan3A_400, %mul3A_975 : i32
          %add3A_977 = arith.constant 12 : i32
          %add3A_978 = arith.addi %mul3A_976, %add3A_977 : i32
          %get3A_979 = arith.index_cast %select_n3A_971 : i32 to index
          %get3A_980 = arith.constant 0 : index
          %get3A_981 = tpu.vector_load %arg8[%get3A_979, %get3A_980] {strides = array<i32>} : memref<100x32xf32, #tpu.memory_space<vmem>>, vector<16xf32>,
          %get3A_982 = arith.constant 0 : i32
          %get3A_983 = arith.index_cast %get3A_982 : i32 to index
          %get3A_984 = arith.index_cast %add3A_978 : i32 to index
          %get3A_985 = arith.constant 0 : index
          %get3A_986 = tpu.vector_load %arg7[%get3A_983, %get3A_984, %get3A_985] {strides = array<i32>} : memref<2x512x32xf32, #tpu.memory_space<vmem>>, vector<16xf32>,
          %sub3A_987 = arith.subf %get3A_981, %get3A_986 : vector<16xf32>
          %mul3A_988 = vector.broadcast %select_n3A_974 : f32 to vector<16xf32>
          %mul3A_989 = arith.mulf %mul3A_988, %sub3A_987 : vector<16xf32>
          %add3A_990 = arith.addf %get3A_986, %mul3A_989 : vector<16xf32>
          %swap3A_991 = arith.constant 0 : i32
          %swap3A_992 = arith.index_cast %swap3A_991 : i32 to index
          %swap3A_993 = arith.index_cast %add3A_978 : i32 to index
          %swap3A_994 = arith.constant 0 : index
          %swap3A_995 = tpu.vector_load %arg7[%swap3A_992, %swap3A_993, %swap3A_994] {strides = array<i32>} : memref<2x512x32xf32, #tpu.memory_space<vmem>>, vector<16xf32>,
          tpu.vector_store %arg7[%swap3A_992, %swap3A_993, %swap3A_994], %add3A_990 {strides = array<i32>} : memref<2x512x32xf32, #tpu.memory_space<vmem>>, vector<16xf32>,
          %get3A_996 = arith.index_cast %select_n3A_971 : i32 to index
          %get3A_997 = arith.constant 16 : index
          %get3A_998 = tpu.vector_load %arg8[%get3A_996, %get3A_997] {strides = array<i32>} : memref<100x32xf32, #tpu.memory_space<vmem>>, vector<16xf32>,
          %get3A_999 = arith.constant 0 : i32
          %get3A_1000 = arith.index_cast %get3A_999 : i32 to index
          %get3A_1001 = arith.index_cast %add3A_978 : i32 to index
          %get3A_1002 = arith.constant 16 : index
          %get3A_1003 = tpu.vector_load %arg7[%get3A_1000, %get3A_1001, %get3A_1002] {strides = array<i32>} : memref<2x512x32xf32, #tpu.memory_space<vmem>>, vector<16xf32>,
          %sub3A_1004 = arith.subf %get3A_998, %get3A_1003 : vector<16xf32>
          %mul3A_1005 = vector.broadcast %select_n3A_974 : f32 to vector<16xf32>
          %mul3A_1006 = arith.mulf %mul3A_1005, %sub3A_1004 : vector<16xf32>
          %add3A_1007 = arith.addf %get3A_1003, %mul3A_1006 : vector<16xf32>
          %swap3A_1008 = arith.constant 0 : i32
          %swap3A_1009 = arith.index_cast %swap3A_1008 : i32 to index
          %swap3A_1010 = arith.index_cast %add3A_978 : i32 to index
          %swap3A_1011 = arith.constant 16 : index
          %swap3A_1012 = tpu.vector_load %arg7[%swap3A_1009, %swap3A_1010, %swap3A_1011] {strides = array<i32>} : memref<2x512x32xf32, #tpu.memory_space<vmem>>, vector<16xf32>,
          tpu.vector_store %arg7[%swap3A_1009, %swap3A_1010, %swap3A_1011], %add3A_1007 {strides = array<i32>} : memref<2x512x32xf32, #tpu.memory_space<vmem>>, vector<16xf32>,
          %slice3A_1013 = vector.extract_strided_slice %get3A_405 {offsets = [13], sizes = [1], strides = [1]} : vector<16xi32> to vector<1xi32>
          %squeeze3A_1014 = vector.extract %slice3A_1013[0] : i32 from vector<1xi32>
          %lt3A_1015 = arith.constant 100 : i32
          %lt3A_1016 = arith.cmpi slt, %squeeze3A_1014, %lt3A_1015 : i32
          %jit3A_1017 = arith.constant 0 : i32
          %select_n3A_1018 = arith.select %lt3A_1016, %squeeze3A_1014, %jit3A_1017 : i32
          %jit3A_1019 = arith.constant 1.000000e+00 : f32
          %jit3A_1020 = arith.constant 0.000000e+00 : f32
          %select_n3A_1021 = arith.select %lt3A_1016, %jit3A_1019, %jit3A_1020 : f32
          %mul3A_1022 = arith.constant 16 : i32
          %mul3A_1023 = arith.muli %scan3A_400, %mul3A_1022 : i32
          %add3A_1024 = arith.constant 13 : i32
          %add3A_1025 = arith.addi %mul3A_1023, %add3A_1024 : i32
          %get3A_1026 = arith.index_cast %select_n3A_1018 : i32 to index
          %get3A_1027 = arith.constant 0 : index
          %get3A_1028 = tpu.vector_load %arg8[%get3A_1026, %get3A_1027] {strides = array<i32>} : memref<100x32xf32, #tpu.memory_space<vmem>>, vector<16xf32>,
          %get3A_1029 = arith.constant 0 : i32
          %get3A_1030 = arith.index_cast %get3A_1029 : i32 to index
          %get3A_1031 = arith.index_cast %add3A_1025 : i32 to index
          %get3A_1032 = arith.constant 0 : index
          %get3A_1033 = tpu.vector_load %arg7[%get3A_1030, %get3A_1031, %get3A_1032] {strides = array<i32>} : memref<2x512x32xf32, #tpu.memory_space<vmem>>, vector<16xf32>,
          %sub3A_1034 = arith.subf %get3A_1028, %get3A_1033 : vector<16xf32>
          %mul3A_1035 = vector.broadcast %select_n3A_1021 : f32 to vector<16xf32>
          %mul3A_1036 = arith.mulf %mul3A_1035, %sub3A_1034 : vector<16xf32>
          %add3A_1037 = arith.addf %get3A_1033, %mul3A_1036 : vector<16xf32>
          %swap3A_1038 = arith.constant 0 : i32
          %swap3A_1039 = arith.index_cast %swap3A_1038 : i32 to index
          %swap3A_1040 = arith.index_cast %add3A_1025 : i32 to index
          %swap3A_1041 = arith.constant 0 : index
          %swap3A_1042 = tpu.vector_load %arg7[%swap3A_1039, %swap3A_1040, %swap3A_1041] {strides = array<i32>} : memref<2x512x32xf32, #tpu.memory_space<vmem>>, vector<16xf32>,
          tpu.vector_store %arg7[%swap3A_1039, %swap3A_1040, %swap3A_1041], %add3A_1037 {strides = array<i32>} : memref<2x512x32xf32, #tpu.memory_space<vmem>>, vector<16xf32>,
          %get3A_1043 = arith.index_cast %select_n3A_1018 : i32 to index
          %get3A_1044 = arith.constant 16 : index
          %get3A_1045 = tpu.vector_load %arg8[%get3A_1043, %get3A_1044] {strides = array<i32>} : memref<100x32xf32, #tpu.memory_space<vmem>>, vector<16xf32>,
          %get3A_1046 = arith.constant 0 : i32
          %get3A_1047 = arith.index_cast %get3A_1046 : i32 to index
          %get3A_1048 = arith.index_cast %add3A_1025 : i32 to index
          %get3A_1049 = arith.constant 16 : index
          %get3A_1050 = tpu.vector_load %arg7[%get3A_1047, %get3A_1048, %get3A_1049] {strides = array<i32>} : memref<2x512x32xf32, #tpu.memory_space<vmem>>, vector<16xf32>,
          %sub3A_1051 = arith.subf %get3A_1045, %get3A_1050 : vector<16xf32>
          %mul3A_1052 = vector.broadcast %select_n3A_1021 : f32 to vector<16xf32>
          %mul3A_1053 = arith.mulf %mul3A_1052, %sub3A_1051 : vector<16xf32>
          %add3A_1054 = arith.addf %get3A_1050, %mul3A_1053 : vector<16xf32>
          %swap3A_1055 = arith.constant 0 : i32
          %swap3A_1056 = arith.index_cast %swap3A_1055 : i32 to index
          %swap3A_1057 = arith.index_cast %add3A_1025 : i32 to index
          %swap3A_1058 = arith.constant 16 : index
          %swap3A_1059 = tpu.vector_load %arg7[%swap3A_1056, %swap3A_1057, %swap3A_1058] {strides = array<i32>} : memref<2x512x32xf32, #tpu.memory_space<vmem>>, vector<16xf32>,
          tpu.vector_store %arg7[%swap3A_1056, %swap3A_1057, %swap3A_1058], %add3A_1054 {strides = array<i32>} : memref<2x512x32xf32, #tpu.memory_space<vmem>>, vector<16xf32>,
          %slice3A_1060 = vector.extract_strided_slice %get3A_405 {offsets = [14], sizes = [1], strides = [1]} : vector<16xi32> to vector<1xi32>
          %squeeze3A_1061 = vector.extract %slice3A_1060[0] : i32 from vector<1xi32>
          %lt3A_1062 = arith.constant 100 : i32
          %lt3A_1063 = arith.cmpi slt, %squeeze3A_1061, %lt3A_1062 : i32
          %jit3A_1064 = arith.constant 0 : i32
          %select_n3A_1065 = arith.select %lt3A_1063, %squeeze3A_1061, %jit3A_1064 : i32
          %jit3A_1066 = arith.constant 1.000000e+00 : f32
          %jit3A_1067 = arith.constant 0.000000e+00 : f32
          %select_n3A_1068 = arith.select %lt3A_1063, %jit3A_1066, %jit3A_1067 : f32
          %mul3A_1069 = arith.constant 16 : i32
          %mul3A_1070 = arith.muli %scan3A_400, %mul3A_1069 : i32
          %add3A_1071 = arith.constant 14 : i32
          %add3A_1072 = arith.addi %mul3A_1070, %add3A_1071 : i32
          %get3A_1073 = arith.index_cast %select_n3A_1065 : i32 to index
          %get3A_1074 = arith.constant 0 : index
          %get3A_1075 = tpu.vector_load %arg8[%get3A_1073, %get3A_1074] {strides = array<i32>} : memref<100x32xf32, #tpu.memory_space<vmem>>, vector<16xf32>,
          %get3A_1076 = arith.constant 0 : i32
          %get3A_1077 = arith.index_cast %get3A_1076 : i32 to index
          %get3A_1078 = arith.index_cast %add3A_1072 : i32 to index
          %get3A_1079 = arith.constant 0 : index
          %get3A_1080 = tpu.vector_load %arg7[%get3A_1077, %get3A_1078, %get3A_1079] {strides = array<i32>} : memref<2x512x32xf32, #tpu.memory_space<vmem>>, vector<16xf32>,
          %sub3A_1081 = arith.subf %get3A_1075, %get3A_1080 : vector<16xf32>
          %mul3A_1082 = vector.broadcast %select_n3A_1068 : f32 to vector<16xf32>
          %mul3A_1083 = arith.mulf %mul3A_1082, %sub3A_1081 : vector<16xf32>
          %add3A_1084 = arith.addf %get3A_1080, %mul3A_1083 : vector<16xf32>
          %swap3A_1085 = arith.constant 0 : i32
          %swap3A_1086 = arith.index_cast %swap3A_1085 : i32 to index
          %swap3A_1087 = arith.index_cast %add3A_1072 : i32 to index
          %swap3A_1088 = arith.constant 0 : index
          %swap3A_1089 = tpu.vector_load %arg7[%swap3A_1086, %swap3A_1087, %swap3A_1088] {strides = array<i32>} : memref<2x512x32xf32, #tpu.memory_space<vmem>>, vector<16xf32>,
          tpu.vector_store %arg7[%swap3A_1086, %swap3A_1087, %swap3A_1088], %add3A_1084 {strides = array<i32>} : memref<2x512x32xf32, #tpu.memory_space<vmem>>, vector<16xf32>,
          %get3A_1090 = arith.index_cast %select_n3A_1065 : i32 to index
          %get3A_1091 = arith.constant 16 : index
          %get3A_1092 = tpu.vector_load %arg8[%get3A_1090, %get3A_1091] {strides = array<i32>} : memref<100x32xf32, #tpu.memory_space<vmem>>, vector<16xf32>,
          %get3A_1093 = arith.constant 0 : i32
          %get3A_1094 = arith.index_cast %get3A_1093 : i32 to index
          %get3A_1095 = arith.index_cast %add3A_1072 : i32 to index
          %get3A_1096 = arith.constant 16 : index
          %get3A_1097 = tpu.vector_load %arg7[%get3A_1094, %get3A_1095, %get3A_1096] {strides = array<i32>} : memref<2x512x32xf32, #tpu.memory_space<vmem>>, vector<16xf32>,
          %sub3A_1098 = arith.subf %get3A_1092, %get3A_1097 : vector<16xf32>
          %mul3A_1099 = vector.broadcast %select_n3A_1068 : f32 to vector<16xf32>
          %mul3A_1100 = arith.mulf %mul3A_1099, %sub3A_1098 : vector<16xf32>
          %add3A_1101 = arith.addf %get3A_1097, %mul3A_1100 : vector<16xf32>
          %swap3A_1102 = arith.constant 0 : i32
          %swap3A_1103 = arith.index_cast %swap3A_1102 : i32 to index
          %swap3A_1104 = arith.index_cast %add3A_1072 : i32 to index
          %swap3A_1105 = arith.constant 16 : index
          %swap3A_1106 = tpu.vector_load %arg7[%swap3A_1103, %swap3A_1104, %swap3A_1105] {strides = array<i32>} : memref<2x512x32xf32, #tpu.memory_space<vmem>>, vector<16xf32>,
          tpu.vector_store %arg7[%swap3A_1103, %swap3A_1104, %swap3A_1105], %add3A_1101 {strides = array<i32>} : memref<2x512x32xf32, #tpu.memory_space<vmem>>, vector<16xf32>,
          %slice3A_1107 = vector.extract_strided_slice %get3A_405 {offsets = [15], sizes = [1], strides = [1]} : vector<16xi32> to vector<1xi32>
          %squeeze3A_1108 = vector.extract %slice3A_1107[0] : i32 from vector<1xi32>
          %lt3A_1109 = arith.constant 100 : i32
          %lt3A_1110 = arith.cmpi slt, %squeeze3A_1108, %lt3A_1109 : i32
          %jit3A_1111 = arith.constant 0 : i32
          %select_n3A_1112 = arith.select %lt3A_1110, %squeeze3A_1108, %jit3A_1111 : i32
          %jit3A_1113 = arith.constant 1.000000e+00 : f32
          %jit3A_1114 = arith.constant 0.000000e+00 : f32
          %select_n3A_1115 = arith.select %lt3A_1110, %jit3A_1113, %jit3A_1114 : f32
          %mul3A_1116 = arith.constant 16 : i32
          %mul3A_1117 = arith.muli %scan3A_400, %mul3A_1116 : i32
          %add3A_1118 = arith.constant 15 : i32
          %add3A_1119 = arith.addi %mul3A_1117, %add3A_1118 : i32
          %get3A_1120 = arith.index_cast %select_n3A_1112 : i32 to index
          %get3A_1121 = arith.constant 0 : index
          %get3A_1122 = tpu.vector_load %arg8[%get3A_1120, %get3A_1121] {strides = array<i32>} : memref<100x32xf32, #tpu.memory_space<vmem>>, vector<16xf32>,
          %get3A_1123 = arith.constant 0 : i32
          %get3A_1124 = arith.index_cast %get3A_1123 : i32 to index
          %get3A_1125 = arith.index_cast %add3A_1119 : i32 to index
          %get3A_1126 = arith.constant 0 : index
          %get3A_1127 = tpu.vector_load %arg7[%get3A_1124, %get3A_1125, %get3A_1126] {strides = array<i32>} : memref<2x512x32xf32, #tpu.memory_space<vmem>>, vector<16xf32>,
          %sub3A_1128 = arith.subf %get3A_1122, %get3A_1127 : vector<16xf32>
          %mul3A_1129 = vector.broadcast %select_n3A_1115 : f32 to vector<16xf32>
          %mul3A_1130 = arith.mulf %mul3A_1129, %sub3A_1128 : vector<16xf32>
          %add3A_1131 = arith.addf %get3A_1127, %mul3A_1130 : vector<16xf32>
          %swap3A_1132 = arith.constant 0 : i32
          %swap3A_1133 = arith.index_cast %swap3A_1132 : i32 to index
          %swap3A_1134 = arith.index_cast %add3A_1119 : i32 to index
          %swap3A_1135 = arith.constant 0 : index
          %swap3A_1136 = tpu.vector_load %arg7[%swap3A_1133, %swap3A_1134, %swap3A_1135] {strides = array<i32>} : memref<2x512x32xf32, #tpu.memory_space<vmem>>, vector<16xf32>,
          tpu.vector_store %arg7[%swap3A_1133, %swap3A_1134, %swap3A_1135], %add3A_1131 {strides = array<i32>} : memref<2x512x32xf32, #tpu.memory_space<vmem>>, vector<16xf32>,
          %get3A_1137 = arith.index_cast %select_n3A_1112 : i32 to index
          %get3A_1138 = arith.constant 16 : index
          %get3A_1139 = tpu.vector_load %arg8[%get3A_1137, %get3A_1138] {strides = array<i32>} : memref<100x32xf32, #tpu.memory_space<vmem>>, vector<16xf32>,
          %get3A_1140 = arith.constant 0 : i32
          %get3A_1141 = arith.index_cast %get3A_1140 : i32 to index
          %get3A_1142 = arith.index_cast %add3A_1119 : i32 to index
          %get3A_1143 = arith.constant 16 : index
          %get3A_1144 = tpu.vector_load %arg7[%get3A_1141, %get3A_1142, %get3A_1143] {strides = array<i32>} : memref<2x512x32xf32, #tpu.memory_space<vmem>>, vector<16xf32>,
          %sub3A_1145 = arith.subf %get3A_1139, %get3A_1144 : vector<16xf32>
          %mul3A_1146 = vector.broadcast %select_n3A_1115 : f32 to vector<16xf32>
          %mul3A_1147 = arith.mulf %mul3A_1146, %sub3A_1145 : vector<16xf32>
          %add3A_1148 = arith.addf %get3A_1144, %mul3A_1147 : vector<16xf32>
          %swap3A_1149 = arith.constant 0 : i32
          %swap3A_1150 = arith.index_cast %swap3A_1149 : i32 to index
          %swap3A_1151 = arith.index_cast %add3A_1119 : i32 to index
          %swap3A_1152 = arith.constant 16 : index
          %swap3A_1153 = tpu.vector_load %arg7[%swap3A_1150, %swap3A_1151, %swap3A_1152] {strides = array<i32>} : memref<2x512x32xf32, #tpu.memory_space<vmem>>, vector<16xf32>,
          tpu.vector_store %arg7[%swap3A_1150, %swap3A_1151, %swap3A_1152], %add3A_1148 {strides = array<i32>} : memref<2x512x32xf32, #tpu.memory_space<vmem>>, vector<16xf32>,
        }
        %scan3A_399 = arith.constant 32 : i32
      } else {
      }
      %mul3A_229 = arith.constant 512 : i32
      %mul3A_230 = arith.muli %add3A_121, %mul3A_229 : i32
      %add3A_231 = arith.addi %mul3A_2, %mul3A_230 : i32
      %dma_start3A_232 = arith.constant 0 : i32
      %dma_start3A_233 = arith.constant 0 : i32
      %dma_start3A_234 = arith.constant 0 : i32
      %dma_start3A_235 = tpu.memref_slice %arg7[%dma_start3A_232, %dma_start3A_233, %dma_start3A_234] : memref<2x512x32xf32, #tpu.memory_space<vmem>> -> memref<1x512x32xf32, #tpu.memory_space<vmem>>
      %dma_start3A_236 = tpu.memref_squeeze %dma_start3A_235 : memref<1x512x32xf32, #tpu.memory_space<vmem>> -> memref<512x32xf32, #tpu.memory_space<vmem>>
      %dma_start3A_237 = arith.constant 0 : i32
      %dma_start3A_238 = tpu.memref_slice %arg5[%add3A_231, %dma_start3A_237] : memref<819200x32xf32, #tpu.memory_space<hbm>> -> memref<512x32xf32, #tpu.memory_space<hbm>>
      %dma_start3A_239 = arith.constant 0 : i32
      %dma_start3A_240 = tpu.memref_slice %arg5[%add3A_231, %dma_start3A_239] : memref<819200x32xf32, #tpu.memory_space<hbm>> -> memref<512x32xf32, #tpu.memory_space<hbm>>
      %dma_start3A_241 = arith.constant 0 : i32
      %dma_start3A_242 = arith.constant 0 : i32
      %dma_start3A_243 = tpu.memref_slice %arg7[%dma_start3A_232, %dma_start3A_241, %dma_start3A_242] : memref<2x512x32xf32, #tpu.memory_space<vmem>> -> memref<1x512x32xf32, #tpu.memory_space<vmem>>
      %dma_start3A_244 = tpu.memref_squeeze %dma_start3A_243 : memref<1x512x32xf32, #tpu.memory_space<vmem>> -> memref<512x32xf32, #tpu.memory_space<vmem>>
      tpu.enqueue_dma source(%dma_start3A_244 : memref<512x32xf32, #tpu.memory_space<vmem>>) target(%dma_start3A_240 : memref<512x32xf32, #tpu.memory_space<hbm>>) target_semaphore(%arg13 : memref<!tpu.dma_semaphore, #tpu.memory_space<semaphore_mem>>)
      %add3A_245 = arith.constant 2 : i32
      %add3A_246 = arith.addi %add3A_121, %add3A_245 : i32
      %lt3A_247 = arith.constant 50 : i32
      %lt3A_248 = arith.cmpi slt, %add3A_246, %lt3A_247 : i32
      %convert_element_type3A_249 = arith.extui %lt3A_248 : i1 to i32
      %cond3A_250 = arith.constant 0 : i32
      %cond3A_251 = arith.cmpi ne, %convert_element_type3A_249, %cond3A_250 : i32
      scf.if %cond3A_251 {
        %add3A_394 = arith.constant 2 : i32
        %add3A_395 = arith.addi %add3A_121, %add3A_394 : i32
        %mul3A_396 = arith.constant 512 : i32
        %mul3A_397 = arith.muli %add3A_395, %mul3A_396 : i32
        %add3A_398 = arith.addi %mul3A_2, %mul3A_397 : i32
        %dma_start3A_399 = arith.constant 0 : i32
        %dma_start3A_400 = arith.constant 0 : i32
        %dma_start3A_401 = tpu.memref_slice %arg6[%dma_start3A_399, %dma_start3A_400] : memref<2x512xi32, #tpu.memory_space<vmem>> -> memref<1x512xi32, #tpu.memory_space<vmem>>
        %dma_start3A_402 = tpu.memref_squeeze %dma_start3A_401 : memref<1x512xi32, #tpu.memory_space<vmem>> -> memref<512xi32, #tpu.memory_space<vmem>>
        %dma_start3A_403 = tpu.memref_slice %arg2[%add3A_398] : memref<819200xi32, #tpu.memory_space<hbm>> -> memref<512xi32, #tpu.memory_space<hbm>>
        %dma_start3A_404 = arith.constant 0 : i32
        %dma_start3A_405 = tpu.memref_slice %arg6[%dma_start3A_399, %dma_start3A_404] : memref<2x512xi32, #tpu.memory_space<vmem>> -> memref<1x512xi32, #tpu.memory_space<vmem>>
        %dma_start3A_406 = tpu.memref_squeeze %dma_start3A_405 : memref<1x512xi32, #tpu.memory_space<vmem>> -> memref<512xi32, #tpu.memory_space<vmem>>
        %dma_start3A_407 = tpu.memref_slice %arg2[%add3A_398] : memref<819200xi32, #tpu.memory_space<hbm>> -> memref<512xi32, #tpu.memory_space<hbm>>
        tpu.enqueue_dma source(%dma_start3A_407 : memref<512xi32, #tpu.memory_space<hbm>>) target(%dma_start3A_406 : memref<512xi32, #tpu.memory_space<vmem>>) target_semaphore(%arg9 : memref<!tpu.dma_semaphore, #tpu.memory_space<semaphore_mem>>)
      } else {
      }
      %mul3A_252 = arith.constant 2 : i32
      %mul3A_253 = arith.muli %scan3A_117, %mul3A_252 : i32
      %add3A_254 = arith.constant 1 : i32
      %add3A_255 = arith.addi %mul3A_253, %add3A_254 : i32
      %add3A_256 = arith.constant 1 : i32
      %add3A_257 = arith.addi %add3A_255, %add3A_256 : i32
      %lt3A_258 = arith.constant 50 : i32
      %lt3A_259 = arith.cmpi slt, %add3A_257, %lt3A_258 : i32
      %convert_element_type3A_260 = arith.extui %lt3A_259 : i1 to i32
      %cond3A_261 = arith.constant 0 : i32
      %cond3A_262 = arith.cmpi ne, %convert_element_type3A_260, %cond3A_261 : i32
      scf.if %cond3A_262 {
        %add3A_394 = arith.constant 1 : i32
        %add3A_395 = arith.addi %add3A_255, %add3A_394 : i32
        %mul3A_396 = arith.constant 512 : i32
        %mul3A_397 = arith.muli %add3A_395, %mul3A_396 : i32
        %add3A_398 = arith.addi %mul3A_2, %mul3A_397 : i32
        %dma_wait3A_399 = arith.constant 0 : i32
        %dma_wait3A_400 = arith.constant 0 : i32
        %dma_wait3A_401 = tpu.memref_slice %arg6[%dma_wait3A_399, %dma_wait3A_400] : memref<2x512xi32, #tpu.memory_space<vmem>> -> memref<1x512xi32, #tpu.memory_space<vmem>>
        %dma_wait3A_402 = tpu.memref_squeeze %dma_wait3A_401 : memref<1x512xi32, #tpu.memory_space<vmem>> -> memref<512xi32, #tpu.memory_space<vmem>>
        %dma_wait3A_403 = tpu.memref_slice %arg2[%add3A_398] : memref<819200xi32, #tpu.memory_space<hbm>> -> memref<512xi32, #tpu.memory_space<hbm>>
        %dma_wait3A_404 = arith.constant 0 : i32
        %dma_wait3A_405 = tpu.memref_slice %arg6[%dma_wait3A_399, %dma_wait3A_404] : memref<2x512xi32, #tpu.memory_space<vmem>> -> memref<1x512xi32, #tpu.memory_space<vmem>>
        %dma_wait3A_406 = tpu.memref_squeeze %dma_wait3A_405 : memref<1x512xi32, #tpu.memory_space<vmem>> -> memref<512xi32, #tpu.memory_space<vmem>>
        %dma_wait3A_407 = tpu.memref_slice %arg2[%add3A_398] : memref<819200xi32, #tpu.memory_space<hbm>> -> memref<512xi32, #tpu.memory_space<hbm>>
        tpu.wait_dma2 semaphore(%arg9 : memref<!tpu.dma_semaphore, #tpu.memory_space<semaphore_mem>>) src(%dma_wait3A_407 : memref<512xi32, #tpu.memory_space<hbm>>) dst(%dma_wait3A_406 : memref<512xi32, #tpu.memory_space<vmem>>)
        %ge3A = arith.constant 1 : i32
        %ge3A_408 = arith.cmpi sge, %add3A_255, %ge3A : i32
        %convert_element_type3A_409 = arith.extui %ge3A_408 : i1 to i32
        %cond3A_410 = arith.constant 0 : i32
        %cond3A_411 = arith.cmpi ne, %convert_element_type3A_409, %cond3A_410 : i32
        scf.if %cond3A_411 {
          %sub3A = arith.constant 1 : i32
          %sub3A_460 = arith.subi %add3A_255, %sub3A : i32
          %mul3A_461 = arith.constant 512 : i32
          %mul3A_462 = arith.muli %sub3A_460, %mul3A_461 : i32
          %add3A_463 = arith.addi %mul3A_2, %mul3A_462 : i32
          %dma_wait3A_464 = arith.constant 0 : i32
          %dma_wait3A_465 = arith.constant 0 : i32
          %dma_wait3A_466 = arith.constant 0 : i32
          %dma_wait3A_467 = tpu.memref_slice %arg7[%dma_wait3A_464, %dma_wait3A_465, %dma_wait3A_466] : memref<2x512x32xf32, #tpu.memory_space<vmem>> -> memref<1x512x32xf32, #tpu.memory_space<vmem>>
          %dma_wait3A_468 = tpu.memref_squeeze %dma_wait3A_467 : memref<1x512x32xf32, #tpu.memory_space<vmem>> -> memref<512x32xf32, #tpu.memory_space<vmem>>
          %dma_wait3A_469 = arith.constant 0 : i32
          %dma_wait3A_470 = tpu.memref_slice %arg5[%add3A_463, %dma_wait3A_469] : memref<819200x32xf32, #tpu.memory_space<hbm>> -> memref<512x32xf32, #tpu.memory_space<hbm>>
          %dma_wait3A_471 = arith.constant 0 : i32
          %dma_wait3A_472 = tpu.memref_slice %arg5[%add3A_463, %dma_wait3A_471] : memref<819200x32xf32, #tpu.memory_space<hbm>> -> memref<512x32xf32, #tpu.memory_space<hbm>>
          %dma_wait3A_473 = arith.constant 0 : i32
          %dma_wait3A_474 = arith.constant 0 : i32
          %dma_wait3A_475 = tpu.memref_slice %arg7[%dma_wait3A_464, %dma_wait3A_473, %dma_wait3A_474] : memref<2x512x32xf32, #tpu.memory_space<vmem>> -> memref<1x512x32xf32, #tpu.memory_space<vmem>>
          %dma_wait3A_476 = tpu.memref_squeeze %dma_wait3A_475 : memref<1x512x32xf32, #tpu.memory_space<vmem>> -> memref<512x32xf32, #tpu.memory_space<vmem>>
          tpu.wait_dma2 semaphore(%arg13 : memref<!tpu.dma_semaphore, #tpu.memory_space<semaphore_mem>>) src(%dma_wait3A_476 : memref<512x32xf32, #tpu.memory_space<vmem>>) dst(%dma_wait3A_472 : memref<512x32xf32, #tpu.memory_space<hbm>>)
        } else {
        }
        %dma_start3A_412 = arith.constant 0 : i32
        %dma_start3A_413 = arith.constant 0 : i32
        %dma_start3A_414 = arith.constant 0 : i32
        %dma_start3A_415 = arith.constant 0 : i32
        %dma_start3A_416 = tpu.memref_slice %arg7[%dma_start3A_413, %dma_start3A_414, %dma_start3A_415] : memref<2x512x32xf32, #tpu.memory_space<vmem>> -> memref<1x128x32xf32, #tpu.memory_space<vmem>>
        %dma_start3A_417 = tpu.memref_squeeze %dma_start3A_416 : memref<1x128x32xf32, #tpu.memory_space<vmem>> -> memref<128x32xf32, #tpu.memory_space<vmem>>
        %dma_start3A_418 = arith.constant 0 : i32
        %dma_start3A_419 = tpu.memref_slice %arg6[%dma_start3A_412, %dma_start3A_418] : memref<2x512xi32, #tpu.memory_space<vmem>> -> memref<1x128xi32, #tpu.memory_space<vmem>>
        %dma_start3A_420 = tpu.memref_squeeze %dma_start3A_419 : memref<1x128xi32, #tpu.memory_space<vmem>> -> memref<128xi32, #tpu.memory_space<vmem>>
        %dma_start3A_421 = arith.constant 0 : i32
        %dma_start3A_422 = arith.constant 0 : i32
        %dma_start3A_423 = tpu.memref_slice %arg3[%dma_start3A_421, %dma_start3A_422] : memref<1000000x32xf32, #tpu.memory_space<hbm>> -> memref<1000000x32xf32, #tpu.memory_space<hbm>>
        tpu.enqueue_indirect_dma source(%dma_start3A_423 : memref<1000000x32xf32, #tpu.memory_space<hbm>>) target(%dma_start3A_417 : memref<128x32xf32, #tpu.memory_space<vmem>>) offsets(%dma_start3A_420 : memref<128xi32, #tpu.memory_space<vmem>>) semaphore(%arg11 : memref<!tpu.dma_semaphore, #tpu.memory_space<semaphore_mem>>)
        %dma_start3A_424 = arith.constant 0 : i32
        %dma_start3A_425 = arith.constant 0 : i32
        %dma_start3A_426 = arith.constant 128 : i32
        %dma_start3A_427 = arith.constant 0 : i32
        %dma_start3A_428 = tpu.memref_slice %arg7[%dma_start3A_425, %dma_start3A_426, %dma_start3A_427] : memref<2x512x32xf32, #tpu.memory_space<vmem>> -> memref<1x128x32xf32, #tpu.memory_space<vmem>>
        %dma_start3A_429 = tpu.memref_squeeze %dma_start3A_428 : memref<1x128x32xf32, #tpu.memory_space<vmem>> -> memref<128x32xf32, #tpu.memory_space<vmem>>
        %dma_start3A_430 = arith.constant 128 : i32
        %dma_start3A_431 = tpu.memref_slice %arg6[%dma_start3A_424, %dma_start3A_430] : memref<2x512xi32, #tpu.memory_space<vmem>> -> memref<1x128xi32, #tpu.memory_space<vmem>>
        %dma_start3A_432 = tpu.memref_squeeze %dma_start3A_431 : memref<1x128xi32, #tpu.memory_space<vmem>> -> memref<128xi32, #tpu.memory_space<vmem>>
        %dma_start3A_433 = arith.constant 0 : i32
        %dma_start3A_434 = arith.constant 0 : i32
        %dma_start3A_435 = tpu.memref_slice %arg3[%dma_start3A_433, %dma_start3A_434] : memref<1000000x32xf32, #tpu.memory_space<hbm>> -> memref<1000000x32xf32, #tpu.memory_space<hbm>>
        tpu.enqueue_indirect_dma source(%dma_start3A_435 : memref<1000000x32xf32, #tpu.memory_space<hbm>>) target(%dma_start3A_429 : memref<128x32xf32, #tpu.memory_space<vmem>>) offsets(%dma_start3A_432 : memref<128xi32, #tpu.memory_space<vmem>>) semaphore(%arg11 : memref<!tpu.dma_semaphore, #tpu.memory_space<semaphore_mem>>)
        %dma_start3A_436 = arith.constant 0 : i32
        %dma_start3A_437 = arith.constant 0 : i32
        %dma_start3A_438 = arith.constant 256 : i32
        %dma_start3A_439 = arith.constant 0 : i32
        %dma_start3A_440 = tpu.memref_slice %arg7[%dma_start3A_437, %dma_start3A_438, %dma_start3A_439] : memref<2x512x32xf32, #tpu.memory_space<vmem>> -> memref<1x128x32xf32, #tpu.memory_space<vmem>>
        %dma_start3A_441 = tpu.memref_squeeze %dma_start3A_440 : memref<1x128x32xf32, #tpu.memory_space<vmem>> -> memref<128x32xf32, #tpu.memory_space<vmem>>
        %dma_start3A_442 = arith.constant 256 : i32
        %dma_start3A_443 = tpu.memref_slice %arg6[%dma_start3A_436, %dma_start3A_442] : memref<2x512xi32, #tpu.memory_space<vmem>> -> memref<1x128xi32, #tpu.memory_space<vmem>>
        %dma_start3A_444 = tpu.memref_squeeze %dma_start3A_443 : memref<1x128xi32, #tpu.memory_space<vmem>> -> memref<128xi32, #tpu.memory_space<vmem>>
        %dma_start3A_445 = arith.constant 0 : i32
        %dma_start3A_446 = arith.constant 0 : i32
        %dma_start3A_447 = tpu.memref_slice %arg3[%dma_start3A_445, %dma_start3A_446] : memref<1000000x32xf32, #tpu.memory_space<hbm>> -> memref<1000000x32xf32, #tpu.memory_space<hbm>>
        tpu.enqueue_indirect_dma source(%dma_start3A_447 : memref<1000000x32xf32, #tpu.memory_space<hbm>>) target(%dma_start3A_441 : memref<128x32xf32, #tpu.memory_space<vmem>>) offsets(%dma_start3A_444 : memref<128xi32, #tpu.memory_space<vmem>>) semaphore(%arg11 : memref<!tpu.dma_semaphore, #tpu.memory_space<semaphore_mem>>)
        %dma_start3A_448 = arith.constant 0 : i32
        %dma_start3A_449 = arith.constant 0 : i32
        %dma_start3A_450 = arith.constant 384 : i32
        %dma_start3A_451 = arith.constant 0 : i32
        %dma_start3A_452 = tpu.memref_slice %arg7[%dma_start3A_449, %dma_start3A_450, %dma_start3A_451] : memref<2x512x32xf32, #tpu.memory_space<vmem>> -> memref<1x128x32xf32, #tpu.memory_space<vmem>>
        %dma_start3A_453 = tpu.memref_squeeze %dma_start3A_452 : memref<1x128x32xf32, #tpu.memory_space<vmem>> -> memref<128x32xf32, #tpu.memory_space<vmem>>
        %dma_start3A_454 = arith.constant 384 : i32
        %dma_start3A_455 = tpu.memref_slice %arg6[%dma_start3A_448, %dma_start3A_454] : memref<2x512xi32, #tpu.memory_space<vmem>> -> memref<1x128xi32, #tpu.memory_space<vmem>>
        %dma_start3A_456 = tpu.memref_squeeze %dma_start3A_455 : memref<1x128xi32, #tpu.memory_space<vmem>> -> memref<128xi32, #tpu.memory_space<vmem>>
        %dma_start3A_457 = arith.constant 0 : i32
        %dma_start3A_458 = arith.constant 0 : i32
        %dma_start3A_459 = tpu.memref_slice %arg3[%dma_start3A_457, %dma_start3A_458] : memref<1000000x32xf32, #tpu.memory_space<hbm>> -> memref<1000000x32xf32, #tpu.memory_space<hbm>>
        tpu.enqueue_indirect_dma source(%dma_start3A_459 : memref<1000000x32xf32, #tpu.memory_space<hbm>>) target(%dma_start3A_453 : memref<128x32xf32, #tpu.memory_space<vmem>>) offsets(%dma_start3A_456 : memref<128xi32, #tpu.memory_space<vmem>>) semaphore(%arg11 : memref<!tpu.dma_semaphore, #tpu.memory_space<semaphore_mem>>)
      } else {
      }
      %broadcast_in_dim3A_263 = arith.constant 0 : i32
      %broadcast_in_dim3A_264 = vector.broadcast %broadcast_in_dim3A_263 : i32 to vector<16xi32>
      %scan3A_265 = arith.constant 0 : i32
      %scan3A_266 = arith.constant 32 : i32
      %scan3A_267 = arith.addi %scan3A_265, %scan3A_266 : i32
      %scan3A_268 = arith.constant 1 : i32
      %scan3A_269 = scf.for %scan3A_394 = %scan3A_265 to %scan3A_267 step %scan3A_268 iter_args(%scan3A_395 = %broadcast_in_dim3A_264) -> (vector<16xi32>)  : i32 {
        %mul3A_396 = arith.constant 16 : i32
        %mul3A_397 = arith.muli %scan3A_394, %mul3A_396 : i32
        %get3A = arith.constant 1 : i32
        %get3A_398 = arith.index_cast %get3A : i32 to index
        %get3A_399 = arith.index_cast %mul3A_397 : i32 to index
        %get3A_400 = tpu.vector_load %arg6[%get3A_398, %get3A_399] {strides = array<i32>} : memref<2x512xi32, #tpu.memory_space<vmem>>, vector<16xi32>,
        %sub3A = arith.constant 100 : i32
        %sub3A_401 = vector.broadcast %sub3A : i32 to vector<16xi32>
        %sub3A_402 = arith.subi %get3A_400, %sub3A_401 : vector<16xi32>
        %shift_right_arithmetic3A = arith.constant 31 : i32
        %shift_right_arithmetic3A_403 = vector.broadcast %shift_right_arithmetic3A : i32 to vector<16xi32>
        %shift_right_arithmetic3A_404 = arith.shrsi %sub3A_402, %shift_right_arithmetic3A_403 : vector<16xi32>
        %or3A_405 = arith.ori %scan3A_395, %shift_right_arithmetic3A_404 : vector<16xi32>
        scf.yield %or3A_405 : vector<16xi32>
      }
      %scan3A_270 = arith.constant 32 : i32
      %slice3A_271 = vector.extract_strided_slice %scan3A_269 {offsets = [0], sizes = [1], strides = [1]} : vector<16xi32> to vector<1xi32>
      %squeeze3A_272 = vector.extract %slice3A_271[0] : i32 from vector<1xi32>
      %slice3A_273 = vector.extract_strided_slice %scan3A_269 {offsets = [1], sizes = [1], strides = [1]} : vector<16xi32> to vector<1xi32>
      %squeeze3A_274 = vector.extract %slice3A_273[0] : i32 from vector<1xi32>
      %or3A_275 = arith.ori %squeeze3A_272, %squeeze3A_274 : i32
      %slice3A_276 = vector.extract_strided_slice %scan3A_269 {offsets = [2], sizes = [1], strides = [1]} : vector<16xi32> to vector<1xi32>
      %squeeze3A_277 = vector.extract %slice3A_276[0] : i32 from vector<1xi32>
      %or3A_278 = arith.ori %or3A_275, %squeeze3A_277 : i32
      %slice3A_279 = vector.extract_strided_slice %scan3A_269 {offsets = [3], sizes = [1], strides = [1]} : vector<16xi32> to vector<1xi32>
      %squeeze3A_280 = vector.extract %slice3A_279[0] : i32 from vector<1xi32>
      %or3A_281 = arith.ori %or3A_278, %squeeze3A_280 : i32
      %slice3A_282 = vector.extract_strided_slice %scan3A_269 {offsets = [4], sizes = [1], strides = [1]} : vector<16xi32> to vector<1xi32>
      %squeeze3A_283 = vector.extract %slice3A_282[0] : i32 from vector<1xi32>
      %or3A_284 = arith.ori %or3A_281, %squeeze3A_283 : i32
      %slice3A_285 = vector.extract_strided_slice %scan3A_269 {offsets = [5], sizes = [1], strides = [1]} : vector<16xi32> to vector<1xi32>
      %squeeze3A_286 = vector.extract %slice3A_285[0] : i32 from vector<1xi32>
      %or3A_287 = arith.ori %or3A_284, %squeeze3A_286 : i32
      %slice3A_288 = vector.extract_strided_slice %scan3A_269 {offsets = [6], sizes = [1], strides = [1]} : vector<16xi32> to vector<1xi32>
      %squeeze3A_289 = vector.extract %slice3A_288[0] : i32 from vector<1xi32>
      %or3A_290 = arith.ori %or3A_287, %squeeze3A_289 : i32
      %slice3A_291 = vector.extract_strided_slice %scan3A_269 {offsets = [7], sizes = [1], strides = [1]} : vector<16xi32> to vector<1xi32>
      %squeeze3A_292 = vector.extract %slice3A_291[0] : i32 from vector<1xi32>
      %or3A_293 = arith.ori %or3A_290, %squeeze3A_292 : i32
      %slice3A_294 = vector.extract_strided_slice %scan3A_269 {offsets = [8], sizes = [1], strides = [1]} : vector<16xi32> to vector<1xi32>
      %squeeze3A_295 = vector.extract %slice3A_294[0] : i32 from vector<1xi32>
      %or3A_296 = arith.ori %or3A_293, %squeeze3A_295 : i32
      %slice3A_297 = vector.extract_strided_slice %scan3A_269 {offsets = [9], sizes = [1], strides = [1]} : vector<16xi32> to vector<1xi32>
      %squeeze3A_298 = vector.extract %slice3A_297[0] : i32 from vector<1xi32>
      %or3A_299 = arith.ori %or3A_296, %squeeze3A_298 : i32
      %slice3A_300 = vector.extract_strided_slice %scan3A_269 {offsets = [10], sizes = [1], strides = [1]} : vector<16xi32> to vector<1xi32>
      %squeeze3A_301 = vector.extract %slice3A_300[0] : i32 from vector<1xi32>
      %or3A_302 = arith.ori %or3A_299, %squeeze3A_301 : i32
      %slice3A_303 = vector.extract_strided_slice %scan3A_269 {offsets = [11], sizes = [1], strides = [1]} : vector<16xi32> to vector<1xi32>
      %squeeze3A_304 = vector.extract %slice3A_303[0] : i32 from vector<1xi32>
      %or3A_305 = arith.ori %or3A_302, %squeeze3A_304 : i32
      %slice3A_306 = vector.extract_strided_slice %scan3A_269 {offsets = [12], sizes = [1], strides = [1]} : vector<16xi32> to vector<1xi32>
      %squeeze3A_307 = vector.extract %slice3A_306[0] : i32 from vector<1xi32>
      %or3A_308 = arith.ori %or3A_305, %squeeze3A_307 : i32
      %slice3A_309 = vector.extract_strided_slice %scan3A_269 {offsets = [13], sizes = [1], strides = [1]} : vector<16xi32> to vector<1xi32>
      %squeeze3A_310 = vector.extract %slice3A_309[0] : i32 from vector<1xi32>
      %or3A_311 = arith.ori %or3A_308, %squeeze3A_310 : i32
      %slice3A_312 = vector.extract_strided_slice %scan3A_269 {offsets = [14], sizes = [1], strides = [1]} : vector<16xi32> to vector<1xi32>
      %squeeze3A_313 = vector.extract %slice3A_312[0] : i32 from vector<1xi32>
      %or3A_314 = arith.ori %or3A_311, %squeeze3A_313 : i32
      %slice3A_315 = vector.extract_strided_slice %scan3A_269 {offsets = [15], sizes = [1], strides = [1]} : vector<16xi32> to vector<1xi32>
      %squeeze3A_316 = vector.extract %slice3A_315[0] : i32 from vector<1xi32>
      %or3A_317 = arith.ori %or3A_314, %squeeze3A_316 : i32
      %dma_wait3A_318 = arith.constant 1 : i32
      %dma_wait3A_319 = arith.constant 1 : i32
      %dma_wait3A_320 = arith.constant 0 : i32
      %dma_wait3A_321 = arith.constant 0 : i32
      %dma_wait3A_322 = tpu.memref_slice %arg7[%dma_wait3A_319, %dma_wait3A_320, %dma_wait3A_321] : memref<2x512x32xf32, #tpu.memory_space<vmem>> -> memref<1x128x32xf32, #tpu.memory_space<vmem>>
      %dma_wait3A_323 = tpu.memref_squeeze %dma_wait3A_322 : memref<1x128x32xf32, #tpu.memory_space<vmem>> -> memref<128x32xf32, #tpu.memory_space<vmem>>
      %dma_wait3A_324 = arith.constant 0 : i32
      %dma_wait3A_325 = tpu.memref_slice %arg6[%dma_wait3A_318, %dma_wait3A_324] : memref<2x512xi32, #tpu.memory_space<vmem>> -> memref<1x128xi32, #tpu.memory_space<vmem>>
      %dma_wait3A_326 = tpu.memref_squeeze %dma_wait3A_325 : memref<1x128xi32, #tpu.memory_space<vmem>> -> memref<128xi32, #tpu.memory_space<vmem>>
      %dma_wait3A_327 = arith.constant 0 : i32
      %dma_wait3A_328 = arith.constant 0 : i32
      %dma_wait3A_329 = tpu.memref_slice %arg3[%dma_wait3A_327, %dma_wait3A_328] : memref<1000000x32xf32, #tpu.memory_space<hbm>> -> memref<1000000x32xf32, #tpu.memory_space<hbm>>
      tpu.wait_indirect_dma semaphore(%arg12 : memref<!tpu.dma_semaphore, #tpu.memory_space<semaphore_mem>>) src(%dma_wait3A_329 : memref<1000000x32xf32, #tpu.memory_space<hbm>>) dst(%dma_wait3A_323 : memref<128x32xf32, #tpu.memory_space<vmem>>)
      %dma_wait3A_330 = arith.constant 1 : i32
      %dma_wait3A_331 = arith.constant 1 : i32
      %dma_wait3A_332 = arith.constant 128 : i32
      %dma_wait3A_333 = arith.constant 0 : i32
      %dma_wait3A_334 = tpu.memref_slice %arg7[%dma_wait3A_331, %dma_wait3A_332, %dma_wait3A_333] : memref<2x512x32xf32, #tpu.memory_space<vmem>> -> memref<1x128x32xf32, #tpu.memory_space<vmem>>
      %dma_wait3A_335 = tpu.memref_squeeze %dma_wait3A_334 : memref<1x128x32xf32, #tpu.memory_space<vmem>> -> memref<128x32xf32, #tpu.memory_space<vmem>>
      %dma_wait3A_336 = arith.constant 128 : i32
      %dma_wait3A_337 = tpu.memref_slice %arg6[%dma_wait3A_330, %dma_wait3A_336] : memref<2x512xi32, #tpu.memory_space<vmem>> -> memref<1x128xi32, #tpu.memory_space<vmem>>
      %dma_wait3A_338 = tpu.memref_squeeze %dma_wait3A_337 : memref<1x128xi32, #tpu.memory_space<vmem>> -> memref<128xi32, #tpu.memory_space<vmem>>
      %dma_wait3A_339 = arith.constant 0 : i32
      %dma_wait3A_340 = arith.constant 0 : i32
      %dma_wait3A_341 = tpu.memref_slice %arg3[%dma_wait3A_339, %dma_wait3A_340] : memref<1000000x32xf32, #tpu.memory_space<hbm>> -> memref<1000000x32xf32, #tpu.memory_space<hbm>>
      tpu.wait_indirect_dma semaphore(%arg12 : memref<!tpu.dma_semaphore, #tpu.memory_space<semaphore_mem>>) src(%dma_wait3A_341 : memref<1000000x32xf32, #tpu.memory_space<hbm>>) dst(%dma_wait3A_335 : memref<128x32xf32, #tpu.memory_space<vmem>>)
      %dma_wait3A_342 = arith.constant 1 : i32
      %dma_wait3A_343 = arith.constant 1 : i32
      %dma_wait3A_344 = arith.constant 256 : i32
      %dma_wait3A_345 = arith.constant 0 : i32
      %dma_wait3A_346 = tpu.memref_slice %arg7[%dma_wait3A_343, %dma_wait3A_344, %dma_wait3A_345] : memref<2x512x32xf32, #tpu.memory_space<vmem>> -> memref<1x128x32xf32, #tpu.memory_space<vmem>>
      %dma_wait3A_347 = tpu.memref_squeeze %dma_wait3A_346 : memref<1x128x32xf32, #tpu.memory_space<vmem>> -> memref<128x32xf32, #tpu.memory_space<vmem>>
      %dma_wait3A_348 = arith.constant 256 : i32
      %dma_wait3A_349 = tpu.memref_slice %arg6[%dma_wait3A_342, %dma_wait3A_348] : memref<2x512xi32, #tpu.memory_space<vmem>> -> memref<1x128xi32, #tpu.memory_space<vmem>>
      %dma_wait3A_350 = tpu.memref_squeeze %dma_wait3A_349 : memref<1x128xi32, #tpu.memory_space<vmem>> -> memref<128xi32, #tpu.memory_space<vmem>>
      %dma_wait3A_351 = arith.constant 0 : i32
      %dma_wait3A_352 = arith.constant 0 : i32
      %dma_wait3A_353 = tpu.memref_slice %arg3[%dma_wait3A_351, %dma_wait3A_352] : memref<1000000x32xf32, #tpu.memory_space<hbm>> -> memref<1000000x32xf32, #tpu.memory_space<hbm>>
      tpu.wait_indirect_dma semaphore(%arg12 : memref<!tpu.dma_semaphore, #tpu.memory_space<semaphore_mem>>) src(%dma_wait3A_353 : memref<1000000x32xf32, #tpu.memory_space<hbm>>) dst(%dma_wait3A_347 : memref<128x32xf32, #tpu.memory_space<vmem>>)
      %dma_wait3A_354 = arith.constant 1 : i32
      %dma_wait3A_355 = arith.constant 1 : i32
      %dma_wait3A_356 = arith.constant 384 : i32
      %dma_wait3A_357 = arith.constant 0 : i32
      %dma_wait3A_358 = tpu.memref_slice %arg7[%dma_wait3A_355, %dma_wait3A_356, %dma_wait3A_357] : memref<2x512x32xf32, #tpu.memory_space<vmem>> -> memref<1x128x32xf32, #tpu.memory_space<vmem>>
      %dma_wait3A_359 = tpu.memref_squeeze %dma_wait3A_358 : memref<1x128x32xf32, #tpu.memory_space<vmem>> -> memref<128x32xf32, #tpu.memory_space<vmem>>
      %dma_wait3A_360 = arith.constant 384 : i32
      %dma_wait3A_361 = tpu.memref_slice %arg6[%dma_wait3A_354, %dma_wait3A_360] : memref<2x512xi32, #tpu.memory_space<vmem>> -> memref<1x128xi32, #tpu.memory_space<vmem>>
      %dma_wait3A_362 = tpu.memref_squeeze %dma_wait3A_361 : memref<1x128xi32, #tpu.memory_space<vmem>> -> memref<128xi32, #tpu.memory_space<vmem>>
      %dma_wait3A_363 = arith.constant 0 : i32
      %dma_wait3A_364 = arith.constant 0 : i32
      %dma_wait3A_365 = tpu.memref_slice %arg3[%dma_wait3A_363, %dma_wait3A_364] : memref<1000000x32xf32, #tpu.memory_space<hbm>> -> memref<1000000x32xf32, #tpu.memory_space<hbm>>
      tpu.wait_indirect_dma semaphore(%arg12 : memref<!tpu.dma_semaphore, #tpu.memory_space<semaphore_mem>>) src(%dma_wait3A_365 : memref<1000000x32xf32, #tpu.memory_space<hbm>>) dst(%dma_wait3A_359 : memref<128x32xf32, #tpu.memory_space<vmem>>)
      %ne3A_366 = arith.constant 0 : i32
      %ne3A_367 = arith.cmpi ne, %or3A_317, %ne3A_366 : i32
      %convert_element_type3A_368 = arith.extui %ne3A_367 : i1 to i32
      %cond3A_369 = arith.constant 0 : i32
      %cond3A_370 = arith.cmpi ne, %convert_element_type3A_368, %cond3A_369 : i32
      scf.if %cond3A_370 {
        %scan3A_394 = arith.constant 0 : i32
        %scan3A_395 = arith.constant 0 : i32
        %scan3A_396 = arith.constant 32 : i32
        %scan3A_397 = arith.addi %scan3A_395, %scan3A_396 : i32
        %scan3A_398 = arith.constant 1 : i32
        scf.for %scan3A_400 = %scan3A_395 to %scan3A_397 step %scan3A_398  : i32 {
          %mul3A_401 = arith.constant 16 : i32
          %mul3A_402 = arith.muli %scan3A_400, %mul3A_401 : i32
          %get3A = arith.constant 1 : i32
          %get3A_403 = arith.index_cast %get3A : i32 to index
          %get3A_404 = arith.index_cast %mul3A_402 : i32 to index
          %get3A_405 = tpu.vector_load %arg6[%get3A_403, %get3A_404] {strides = array<i32>} : memref<2x512xi32, #tpu.memory_space<vmem>>, vector<16xi32>,
          %slice3A_406 = vector.extract_strided_slice %get3A_405 {offsets = [0], sizes = [1], strides = [1]} : vector<16xi32> to vector<1xi32>
          %squeeze3A_407 = vector.extract %slice3A_406[0] : i32 from vector<1xi32>
          %lt3A_408 = arith.constant 100 : i32
          %lt3A_409 = arith.cmpi slt, %squeeze3A_407, %lt3A_408 : i32
          %jit3A = arith.constant 0 : i32
          %select_n3A = arith.select %lt3A_409, %squeeze3A_407, %jit3A : i32
          %jit3A_410 = arith.constant 1.000000e+00 : f32
          %jit3A_411 = arith.constant 0.000000e+00 : f32
          %select_n3A_412 = arith.select %lt3A_409, %jit3A_410, %jit3A_411 : f32
          %mul3A_413 = arith.constant 16 : i32
          %mul3A_414 = arith.muli %scan3A_400, %mul3A_413 : i32
          %add3A_415 = arith.constant 0 : i32
          %add3A_416 = arith.addi %mul3A_414, %add3A_415 : i32
          %get3A_417 = arith.index_cast %select_n3A : i32 to index
          %get3A_418 = arith.constant 0 : index
          %get3A_419 = tpu.vector_load %arg8[%get3A_417, %get3A_418] {strides = array<i32>} : memref<100x32xf32, #tpu.memory_space<vmem>>, vector<16xf32>,
          %get3A_420 = arith.constant 1 : i32
          %get3A_421 = arith.index_cast %get3A_420 : i32 to index
          %get3A_422 = arith.index_cast %add3A_416 : i32 to index
          %get3A_423 = arith.constant 0 : index
          %get3A_424 = tpu.vector_load %arg7[%get3A_421, %get3A_422, %get3A_423] {strides = array<i32>} : memref<2x512x32xf32, #tpu.memory_space<vmem>>, vector<16xf32>,
          %sub3A = arith.subf %get3A_419, %get3A_424 : vector<16xf32>
          %mul3A_425 = vector.broadcast %select_n3A_412 : f32 to vector<16xf32>
          %mul3A_426 = arith.mulf %mul3A_425, %sub3A : vector<16xf32>
          %add3A_427 = arith.addf %get3A_424, %mul3A_426 : vector<16xf32>
          %swap3A = arith.constant 1 : i32
          %swap3A_428 = arith.index_cast %swap3A : i32 to index
          %swap3A_429 = arith.index_cast %add3A_416 : i32 to index
          %swap3A_430 = arith.constant 0 : index
          %swap3A_431 = tpu.vector_load %arg7[%swap3A_428, %swap3A_429, %swap3A_430] {strides = array<i32>} : memref<2x512x32xf32, #tpu.memory_space<vmem>>, vector<16xf32>,
          tpu.vector_store %arg7[%swap3A_428, %swap3A_429, %swap3A_430], %add3A_427 {strides = array<i32>} : memref<2x512x32xf32, #tpu.memory_space<vmem>>, vector<16xf32>,
          %get3A_432 = arith.index_cast %select_n3A : i32 to index
          %get3A_433 = arith.constant 16 : index
          %get3A_434 = tpu.vector_load %arg8[%get3A_432, %get3A_433] {strides = array<i32>} : memref<100x32xf32, #tpu.memory_space<vmem>>, vector<16xf32>,
          %get3A_435 = arith.constant 1 : i32
          %get3A_436 = arith.index_cast %get3A_435 : i32 to index
          %get3A_437 = arith.index_cast %add3A_416 : i32 to index
          %get3A_438 = arith.constant 16 : index
          %get3A_439 = tpu.vector_load %arg7[%get3A_436, %get3A_437, %get3A_438] {strides = array<i32>} : memref<2x512x32xf32, #tpu.memory_space<vmem>>, vector<16xf32>,
          %sub3A_440 = arith.subf %get3A_434, %get3A_439 : vector<16xf32>
          %mul3A_441 = vector.broadcast %select_n3A_412 : f32 to vector<16xf32>
          %mul3A_442 = arith.mulf %mul3A_441, %sub3A_440 : vector<16xf32>
          %add3A_443 = arith.addf %get3A_439, %mul3A_442 : vector<16xf32>
          %swap3A_444 = arith.constant 1 : i32
          %swap3A_445 = arith.index_cast %swap3A_444 : i32 to index
          %swap3A_446 = arith.index_cast %add3A_416 : i32 to index
          %swap3A_447 = arith.constant 16 : index
          %swap3A_448 = tpu.vector_load %arg7[%swap3A_445, %swap3A_446, %swap3A_447] {strides = array<i32>} : memref<2x512x32xf32, #tpu.memory_space<vmem>>, vector<16xf32>,
          tpu.vector_store %arg7[%swap3A_445, %swap3A_446, %swap3A_447], %add3A_443 {strides = array<i32>} : memref<2x512x32xf32, #tpu.memory_space<vmem>>, vector<16xf32>,
          %slice3A_449 = vector.extract_strided_slice %get3A_405 {offsets = [1], sizes = [1], strides = [1]} : vector<16xi32> to vector<1xi32>
          %squeeze3A_450 = vector.extract %slice3A_449[0] : i32 from vector<1xi32>
          %lt3A_451 = arith.constant 100 : i32
          %lt3A_452 = arith.cmpi slt, %squeeze3A_450, %lt3A_451 : i32
          %jit3A_453 = arith.constant 0 : i32
          %select_n3A_454 = arith.select %lt3A_452, %squeeze3A_450, %jit3A_453 : i32
          %jit3A_455 = arith.constant 1.000000e+00 : f32
          %jit3A_456 = arith.constant 0.000000e+00 : f32
          %select_n3A_457 = arith.select %lt3A_452, %jit3A_455, %jit3A_456 : f32
          %mul3A_458 = arith.constant 16 : i32
          %mul3A_459 = arith.muli %scan3A_400, %mul3A_458 : i32
          %add3A_460 = arith.constant 1 : i32
          %add3A_461 = arith.addi %mul3A_459, %add3A_460 : i32
          %get3A_462 = arith.index_cast %select_n3A_454 : i32 to index
          %get3A_463 = arith.constant 0 : index
          %get3A_464 = tpu.vector_load %arg8[%get3A_462, %get3A_463] {strides = array<i32>} : memref<100x32xf32, #tpu.memory_space<vmem>>, vector<16xf32>,
          %get3A_465 = arith.constant 1 : i32
          %get3A_466 = arith.index_cast %get3A_465 : i32 to index
          %get3A_467 = arith.index_cast %add3A_461 : i32 to index
          %get3A_468 = arith.constant 0 : index
          %get3A_469 = tpu.vector_load %arg7[%get3A_466, %get3A_467, %get3A_468] {strides = array<i32>} : memref<2x512x32xf32, #tpu.memory_space<vmem>>, vector<16xf32>,
          %sub3A_470 = arith.subf %get3A_464, %get3A_469 : vector<16xf32>
          %mul3A_471 = vector.broadcast %select_n3A_457 : f32 to vector<16xf32>
          %mul3A_472 = arith.mulf %mul3A_471, %sub3A_470 : vector<16xf32>
          %add3A_473 = arith.addf %get3A_469, %mul3A_472 : vector<16xf32>
          %swap3A_474 = arith.constant 1 : i32
          %swap3A_475 = arith.index_cast %swap3A_474 : i32 to index
          %swap3A_476 = arith.index_cast %add3A_461 : i32 to index
          %swap3A_477 = arith.constant 0 : index
          %swap3A_478 = tpu.vector_load %arg7[%swap3A_475, %swap3A_476, %swap3A_477] {strides = array<i32>} : memref<2x512x32xf32, #tpu.memory_space<vmem>>, vector<16xf32>,
          tpu.vector_store %arg7[%swap3A_475, %swap3A_476, %swap3A_477], %add3A_473 {strides = array<i32>} : memref<2x512x32xf32, #tpu.memory_space<vmem>>, vector<16xf32>,
          %get3A_479 = arith.index_cast %select_n3A_454 : i32 to index
          %get3A_480 = arith.constant 16 : index
          %get3A_481 = tpu.vector_load %arg8[%get3A_479, %get3A_480] {strides = array<i32>} : memref<100x32xf32, #tpu.memory_space<vmem>>, vector<16xf32>,
          %get3A_482 = arith.constant 1 : i32
          %get3A_483 = arith.index_cast %get3A_482 : i32 to index
          %get3A_484 = arith.index_cast %add3A_461 : i32 to index
          %get3A_485 = arith.constant 16 : index
          %get3A_486 = tpu.vector_load %arg7[%get3A_483, %get3A_484, %get3A_485] {strides = array<i32>} : memref<2x512x32xf32, #tpu.memory_space<vmem>>, vector<16xf32>,
          %sub3A_487 = arith.subf %get3A_481, %get3A_486 : vector<16xf32>
          %mul3A_488 = vector.broadcast %select_n3A_457 : f32 to vector<16xf32>
          %mul3A_489 = arith.mulf %mul3A_488, %sub3A_487 : vector<16xf32>
          %add3A_490 = arith.addf %get3A_486, %mul3A_489 : vector<16xf32>
          %swap3A_491 = arith.constant 1 : i32
          %swap3A_492 = arith.index_cast %swap3A_491 : i32 to index
          %swap3A_493 = arith.index_cast %add3A_461 : i32 to index
          %swap3A_494 = arith.constant 16 : index
          %swap3A_495 = tpu.vector_load %arg7[%swap3A_492, %swap3A_493, %swap3A_494] {strides = array<i32>} : memref<2x512x32xf32, #tpu.memory_space<vmem>>, vector<16xf32>,
          tpu.vector_store %arg7[%swap3A_492, %swap3A_493, %swap3A_494], %add3A_490 {strides = array<i32>} : memref<2x512x32xf32, #tpu.memory_space<vmem>>, vector<16xf32>,
          %slice3A_496 = vector.extract_strided_slice %get3A_405 {offsets = [2], sizes = [1], strides = [1]} : vector<16xi32> to vector<1xi32>
          %squeeze3A_497 = vector.extract %slice3A_496[0] : i32 from vector<1xi32>
          %lt3A_498 = arith.constant 100 : i32
          %lt3A_499 = arith.cmpi slt, %squeeze3A_497, %lt3A_498 : i32
          %jit3A_500 = arith.constant 0 : i32
          %select_n3A_501 = arith.select %lt3A_499, %squeeze3A_497, %jit3A_500 : i32
          %jit3A_502 = arith.constant 1.000000e+00 : f32
          %jit3A_503 = arith.constant 0.000000e+00 : f32
          %select_n3A_504 = arith.select %lt3A_499, %jit3A_502, %jit3A_503 : f32
          %mul3A_505 = arith.constant 16 : i32
          %mul3A_506 = arith.muli %scan3A_400, %mul3A_505 : i32
          %add3A_507 = arith.constant 2 : i32
          %add3A_508 = arith.addi %mul3A_506, %add3A_507 : i32
          %get3A_509 = arith.index_cast %select_n3A_501 : i32 to index
          %get3A_510 = arith.constant 0 : index
          %get3A_511 = tpu.vector_load %arg8[%get3A_509, %get3A_510] {strides = array<i32>} : memref<100x32xf32, #tpu.memory_space<vmem>>, vector<16xf32>,
          %get3A_512 = arith.constant 1 : i32
          %get3A_513 = arith.index_cast %get3A_512 : i32 to index
          %get3A_514 = arith.index_cast %add3A_508 : i32 to index
          %get3A_515 = arith.constant 0 : index
          %get3A_516 = tpu.vector_load %arg7[%get3A_513, %get3A_514, %get3A_515] {strides = array<i32>} : memref<2x512x32xf32, #tpu.memory_space<vmem>>, vector<16xf32>,
          %sub3A_517 = arith.subf %get3A_511, %get3A_516 : vector<16xf32>
          %mul3A_518 = vector.broadcast %select_n3A_504 : f32 to vector<16xf32>
          %mul3A_519 = arith.mulf %mul3A_518, %sub3A_517 : vector<16xf32>
          %add3A_520 = arith.addf %get3A_516, %mul3A_519 : vector<16xf32>
          %swap3A_521 = arith.constant 1 : i32
          %swap3A_522 = arith.index_cast %swap3A_521 : i32 to index
          %swap3A_523 = arith.index_cast %add3A_508 : i32 to index
          %swap3A_524 = arith.constant 0 : index
          %swap3A_525 = tpu.vector_load %arg7[%swap3A_522, %swap3A_523, %swap3A_524] {strides = array<i32>} : memref<2x512x32xf32, #tpu.memory_space<vmem>>, vector<16xf32>,
          tpu.vector_store %arg7[%swap3A_522, %swap3A_523, %swap3A_524], %add3A_520 {strides = array<i32>} : memref<2x512x32xf32, #tpu.memory_space<vmem>>, vector<16xf32>,
          %get3A_526 = arith.index_cast %select_n3A_501 : i32 to index
          %get3A_527 = arith.constant 16 : index
          %get3A_528 = tpu.vector_load %arg8[%get3A_526, %get3A_527] {strides = array<i32>} : memref<100x32xf32, #tpu.memory_space<vmem>>, vector<16xf32>,
          %get3A_529 = arith.constant 1 : i32
          %get3A_530 = arith.index_cast %get3A_529 : i32 to index
          %get3A_531 = arith.index_cast %add3A_508 : i32 to index
          %get3A_532 = arith.constant 16 : index
          %get3A_533 = tpu.vector_load %arg7[%get3A_530, %get3A_531, %get3A_532] {strides = array<i32>} : memref<2x512x32xf32, #tpu.memory_space<vmem>>, vector<16xf32>,
          %sub3A_534 = arith.subf %get3A_528, %get3A_533 : vector<16xf32>
          %mul3A_535 = vector.broadcast %select_n3A_504 : f32 to vector<16xf32>
          %mul3A_536 = arith.mulf %mul3A_535, %sub3A_534 : vector<16xf32>
          %add3A_537 = arith.addf %get3A_533, %mul3A_536 : vector<16xf32>
          %swap3A_538 = arith.constant 1 : i32
          %swap3A_539 = arith.index_cast %swap3A_538 : i32 to index
          %swap3A_540 = arith.index_cast %add3A_508 : i32 to index
          %swap3A_541 = arith.constant 16 : index
          %swap3A_542 = tpu.vector_load %arg7[%swap3A_539, %swap3A_540, %swap3A_541] {strides = array<i32>} : memref<2x512x32xf32, #tpu.memory_space<vmem>>, vector<16xf32>,
          tpu.vector_store %arg7[%swap3A_539, %swap3A_540, %swap3A_541], %add3A_537 {strides = array<i32>} : memref<2x512x32xf32, #tpu.memory_space<vmem>>, vector<16xf32>,
          %slice3A_543 = vector.extract_strided_slice %get3A_405 {offsets = [3], sizes = [1], strides = [1]} : vector<16xi32> to vector<1xi32>
          %squeeze3A_544 = vector.extract %slice3A_543[0] : i32 from vector<1xi32>
          %lt3A_545 = arith.constant 100 : i32
          %lt3A_546 = arith.cmpi slt, %squeeze3A_544, %lt3A_545 : i32
          %jit3A_547 = arith.constant 0 : i32
          %select_n3A_548 = arith.select %lt3A_546, %squeeze3A_544, %jit3A_547 : i32
          %jit3A_549 = arith.constant 1.000000e+00 : f32
          %jit3A_550 = arith.constant 0.000000e+00 : f32
          %select_n3A_551 = arith.select %lt3A_546, %jit3A_549, %jit3A_550 : f32
          %mul3A_552 = arith.constant 16 : i32
          %mul3A_553 = arith.muli %scan3A_400, %mul3A_552 : i32
          %add3A_554 = arith.constant 3 : i32
          %add3A_555 = arith.addi %mul3A_553, %add3A_554 : i32
          %get3A_556 = arith.index_cast %select_n3A_548 : i32 to index
          %get3A_557 = arith.constant 0 : index
          %get3A_558 = tpu.vector_load %arg8[%get3A_556, %get3A_557] {strides = array<i32>} : memref<100x32xf32, #tpu.memory_space<vmem>>, vector<16xf32>,
          %get3A_559 = arith.constant 1 : i32
          %get3A_560 = arith.index_cast %get3A_559 : i32 to index
          %get3A_561 = arith.index_cast %add3A_555 : i32 to index
          %get3A_562 = arith.constant 0 : index
          %get3A_563 = tpu.vector_load %arg7[%get3A_560, %get3A_561, %get3A_562] {strides = array<i32>} : memref<2x512x32xf32, #tpu.memory_space<vmem>>, vector<16xf32>,
          %sub3A_564 = arith.subf %get3A_558, %get3A_563 : vector<16xf32>
          %mul3A_565 = vector.broadcast %select_n3A_551 : f32 to vector<16xf32>
          %mul3A_566 = arith.mulf %mul3A_565, %sub3A_564 : vector<16xf32>
          %add3A_567 = arith.addf %get3A_563, %mul3A_566 : vector<16xf32>
          %swap3A_568 = arith.constant 1 : i32
          %swap3A_569 = arith.index_cast %swap3A_568 : i32 to index
          %swap3A_570 = arith.index_cast %add3A_555 : i32 to index
          %swap3A_571 = arith.constant 0 : index
          %swap3A_572 = tpu.vector_load %arg7[%swap3A_569, %swap3A_570, %swap3A_571] {strides = array<i32>} : memref<2x512x32xf32, #tpu.memory_space<vmem>>, vector<16xf32>,
          tpu.vector_store %arg7[%swap3A_569, %swap3A_570, %swap3A_571], %add3A_567 {strides = array<i32>} : memref<2x512x32xf32, #tpu.memory_space<vmem>>, vector<16xf32>,
          %get3A_573 = arith.index_cast %select_n3A_548 : i32 to index
          %get3A_574 = arith.constant 16 : index
          %get3A_575 = tpu.vector_load %arg8[%get3A_573, %get3A_574] {strides = array<i32>} : memref<100x32xf32, #tpu.memory_space<vmem>>, vector<16xf32>,
          %get3A_576 = arith.constant 1 : i32
          %get3A_577 = arith.index_cast %get3A_576 : i32 to index
          %get3A_578 = arith.index_cast %add3A_555 : i32 to index
          %get3A_579 = arith.constant 16 : index
          %get3A_580 = tpu.vector_load %arg7[%get3A_577, %get3A_578, %get3A_579] {strides = array<i32>} : memref<2x512x32xf32, #tpu.memory_space<vmem>>, vector<16xf32>,
          %sub3A_581 = arith.subf %get3A_575, %get3A_580 : vector<16xf32>
          %mul3A_582 = vector.broadcast %select_n3A_551 : f32 to vector<16xf32>
          %mul3A_583 = arith.mulf %mul3A_582, %sub3A_581 : vector<16xf32>
          %add3A_584 = arith.addf %get3A_580, %mul3A_583 : vector<16xf32>
          %swap3A_585 = arith.constant 1 : i32
          %swap3A_586 = arith.index_cast %swap3A_585 : i32 to index
          %swap3A_587 = arith.index_cast %add3A_555 : i32 to index
          %swap3A_588 = arith.constant 16 : index
          %swap3A_589 = tpu.vector_load %arg7[%swap3A_586, %swap3A_587, %swap3A_588] {strides = array<i32>} : memref<2x512x32xf32, #tpu.memory_space<vmem>>, vector<16xf32>,
          tpu.vector_store %arg7[%swap3A_586, %swap3A_587, %swap3A_588], %add3A_584 {strides = array<i32>} : memref<2x512x32xf32, #tpu.memory_space<vmem>>, vector<16xf32>,
          %slice3A_590 = vector.extract_strided_slice %get3A_405 {offsets = [4], sizes = [1], strides = [1]} : vector<16xi32> to vector<1xi32>
          %squeeze3A_591 = vector.extract %slice3A_590[0] : i32 from vector<1xi32>
          %lt3A_592 = arith.constant 100 : i32
          %lt3A_593 = arith.cmpi slt, %squeeze3A_591, %lt3A_592 : i32
          %jit3A_594 = arith.constant 0 : i32
          %select_n3A_595 = arith.select %lt3A_593, %squeeze3A_591, %jit3A_594 : i32
          %jit3A_596 = arith.constant 1.000000e+00 : f32
          %jit3A_597 = arith.constant 0.000000e+00 : f32
          %select_n3A_598 = arith.select %lt3A_593, %jit3A_596, %jit3A_597 : f32
          %mul3A_599 = arith.constant 16 : i32
          %mul3A_600 = arith.muli %scan3A_400, %mul3A_599 : i32
          %add3A_601 = arith.constant 4 : i32
          %add3A_602 = arith.addi %mul3A_600, %add3A_601 : i32
          %get3A_603 = arith.index_cast %select_n3A_595 : i32 to index
          %get3A_604 = arith.constant 0 : index
          %get3A_605 = tpu.vector_load %arg8[%get3A_603, %get3A_604] {strides = array<i32>} : memref<100x32xf32, #tpu.memory_space<vmem>>, vector<16xf32>,
          %get3A_606 = arith.constant 1 : i32
          %get3A_607 = arith.index_cast %get3A_606 : i32 to index
          %get3A_608 = arith.index_cast %add3A_602 : i32 to index
          %get3A_609 = arith.constant 0 : index
          %get3A_610 = tpu.vector_load %arg7[%get3A_607, %get3A_608, %get3A_609] {strides = array<i32>} : memref<2x512x32xf32, #tpu.memory_space<vmem>>, vector<16xf32>,
          %sub3A_611 = arith.subf %get3A_605, %get3A_610 : vector<16xf32>
          %mul3A_612 = vector.broadcast %select_n3A_598 : f32 to vector<16xf32>
          %mul3A_613 = arith.mulf %mul3A_612, %sub3A_611 : vector<16xf32>
          %add3A_614 = arith.addf %get3A_610, %mul3A_613 : vector<16xf32>
          %swap3A_615 = arith.constant 1 : i32
          %swap3A_616 = arith.index_cast %swap3A_615 : i32 to index
          %swap3A_617 = arith.index_cast %add3A_602 : i32 to index
          %swap3A_618 = arith.constant 0 : index
          %swap3A_619 = tpu.vector_load %arg7[%swap3A_616, %swap3A_617, %swap3A_618] {strides = array<i32>} : memref<2x512x32xf32, #tpu.memory_space<vmem>>, vector<16xf32>,
          tpu.vector_store %arg7[%swap3A_616, %swap3A_617, %swap3A_618], %add3A_614 {strides = array<i32>} : memref<2x512x32xf32, #tpu.memory_space<vmem>>, vector<16xf32>,
          %get3A_620 = arith.index_cast %select_n3A_595 : i32 to index
          %get3A_621 = arith.constant 16 : index
          %get3A_622 = tpu.vector_load %arg8[%get3A_620, %get3A_621] {strides = array<i32>} : memref<100x32xf32, #tpu.memory_space<vmem>>, vector<16xf32>,
          %get3A_623 = arith.constant 1 : i32
          %get3A_624 = arith.index_cast %get3A_623 : i32 to index
          %get3A_625 = arith.index_cast %add3A_602 : i32 to index
          %get3A_626 = arith.constant 16 : index
          %get3A_627 = tpu.vector_load %arg7[%get3A_624, %get3A_625, %get3A_626] {strides = array<i32>} : memref<2x512x32xf32, #tpu.memory_space<vmem>>, vector<16xf32>,
          %sub3A_628 = arith.subf %get3A_622, %get3A_627 : vector<16xf32>
          %mul3A_629 = vector.broadcast %select_n3A_598 : f32 to vector<16xf32>
          %mul3A_630 = arith.mulf %mul3A_629, %sub3A_628 : vector<16xf32>
          %add3A_631 = arith.addf %get3A_627, %mul3A_630 : vector<16xf32>
          %swap3A_632 = arith.constant 1 : i32
          %swap3A_633 = arith.index_cast %swap3A_632 : i32 to index
          %swap3A_634 = arith.index_cast %add3A_602 : i32 to index
          %swap3A_635 = arith.constant 16 : index
          %swap3A_636 = tpu.vector_load %arg7[%swap3A_633, %swap3A_634, %swap3A_635] {strides = array<i32>} : memref<2x512x32xf32, #tpu.memory_space<vmem>>, vector<16xf32>,
          tpu.vector_store %arg7[%swap3A_633, %swap3A_634, %swap3A_635], %add3A_631 {strides = array<i32>} : memref<2x512x32xf32, #tpu.memory_space<vmem>>, vector<16xf32>,
          %slice3A_637 = vector.extract_strided_slice %get3A_405 {offsets = [5], sizes = [1], strides = [1]} : vector<16xi32> to vector<1xi32>
          %squeeze3A_638 = vector.extract %slice3A_637[0] : i32 from vector<1xi32>
          %lt3A_639 = arith.constant 100 : i32
          %lt3A_640 = arith.cmpi slt, %squeeze3A_638, %lt3A_639 : i32
          %jit3A_641 = arith.constant 0 : i32
          %select_n3A_642 = arith.select %lt3A_640, %squeeze3A_638, %jit3A_641 : i32
          %jit3A_643 = arith.constant 1.000000e+00 : f32
          %jit3A_644 = arith.constant 0.000000e+00 : f32
          %select_n3A_645 = arith.select %lt3A_640, %jit3A_643, %jit3A_644 : f32
          %mul3A_646 = arith.constant 16 : i32
          %mul3A_647 = arith.muli %scan3A_400, %mul3A_646 : i32
          %add3A_648 = arith.constant 5 : i32
          %add3A_649 = arith.addi %mul3A_647, %add3A_648 : i32
          %get3A_650 = arith.index_cast %select_n3A_642 : i32 to index
          %get3A_651 = arith.constant 0 : index
          %get3A_652 = tpu.vector_load %arg8[%get3A_650, %get3A_651] {strides = array<i32>} : memref<100x32xf32, #tpu.memory_space<vmem>>, vector<16xf32>,
          %get3A_653 = arith.constant 1 : i32
          %get3A_654 = arith.index_cast %get3A_653 : i32 to index
          %get3A_655 = arith.index_cast %add3A_649 : i32 to index
          %get3A_656 = arith.constant 0 : index
          %get3A_657 = tpu.vector_load %arg7[%get3A_654, %get3A_655, %get3A_656] {strides = array<i32>} : memref<2x512x32xf32, #tpu.memory_space<vmem>>, vector<16xf32>,
          %sub3A_658 = arith.subf %get3A_652, %get3A_657 : vector<16xf32>
          %mul3A_659 = vector.broadcast %select_n3A_645 : f32 to vector<16xf32>
          %mul3A_660 = arith.mulf %mul3A_659, %sub3A_658 : vector<16xf32>
          %add3A_661 = arith.addf %get3A_657, %mul3A_660 : vector<16xf32>
          %swap3A_662 = arith.constant 1 : i32
          %swap3A_663 = arith.index_cast %swap3A_662 : i32 to index
          %swap3A_664 = arith.index_cast %add3A_649 : i32 to index
          %swap3A_665 = arith.constant 0 : index
          %swap3A_666 = tpu.vector_load %arg7[%swap3A_663, %swap3A_664, %swap3A_665] {strides = array<i32>} : memref<2x512x32xf32, #tpu.memory_space<vmem>>, vector<16xf32>,
          tpu.vector_store %arg7[%swap3A_663, %swap3A_664, %swap3A_665], %add3A_661 {strides = array<i32>} : memref<2x512x32xf32, #tpu.memory_space<vmem>>, vector<16xf32>,
          %get3A_667 = arith.index_cast %select_n3A_642 : i32 to index
          %get3A_668 = arith.constant 16 : index
          %get3A_669 = tpu.vector_load %arg8[%get3A_667, %get3A_668] {strides = array<i32>} : memref<100x32xf32, #tpu.memory_space<vmem>>, vector<16xf32>,
          %get3A_670 = arith.constant 1 : i32
          %get3A_671 = arith.index_cast %get3A_670 : i32 to index
          %get3A_672 = arith.index_cast %add3A_649 : i32 to index
          %get3A_673 = arith.constant 16 : index
          %get3A_674 = tpu.vector_load %arg7[%get3A_671, %get3A_672, %get3A_673] {strides = array<i32>} : memref<2x512x32xf32, #tpu.memory_space<vmem>>, vector<16xf32>,
          %sub3A_675 = arith.subf %get3A_669, %get3A_674 : vector<16xf32>
          %mul3A_676 = vector.broadcast %select_n3A_645 : f32 to vector<16xf32>
          %mul3A_677 = arith.mulf %mul3A_676, %sub3A_675 : vector<16xf32>
          %add3A_678 = arith.addf %get3A_674, %mul3A_677 : vector<16xf32>
          %swap3A_679 = arith.constant 1 : i32
          %swap3A_680 = arith.index_cast %swap3A_679 : i32 to index
          %swap3A_681 = arith.index_cast %add3A_649 : i32 to index
          %swap3A_682 = arith.constant 16 : index
          %swap3A_683 = tpu.vector_load %arg7[%swap3A_680, %swap3A_681, %swap3A_682] {strides = array<i32>} : memref<2x512x32xf32, #tpu.memory_space<vmem>>, vector<16xf32>,
          tpu.vector_store %arg7[%swap3A_680, %swap3A_681, %swap3A_682], %add3A_678 {strides = array<i32>} : memref<2x512x32xf32, #tpu.memory_space<vmem>>, vector<16xf32>,
          %slice3A_684 = vector.extract_strided_slice %get3A_405 {offsets = [6], sizes = [1], strides = [1]} : vector<16xi32> to vector<1xi32>
          %squeeze3A_685 = vector.extract %slice3A_684[0] : i32 from vector<1xi32>
          %lt3A_686 = arith.constant 100 : i32
          %lt3A_687 = arith.cmpi slt, %squeeze3A_685, %lt3A_686 : i32
          %jit3A_688 = arith.constant 0 : i32
          %select_n3A_689 = arith.select %lt3A_687, %squeeze3A_685, %jit3A_688 : i32
          %jit3A_690 = arith.constant 1.000000e+00 : f32
          %jit3A_691 = arith.constant 0.000000e+00 : f32
          %select_n3A_692 = arith.select %lt3A_687, %jit3A_690, %jit3A_691 : f32
          %mul3A_693 = arith.constant 16 : i32
          %mul3A_694 = arith.muli %scan3A_400, %mul3A_693 : i32
          %add3A_695 = arith.constant 6 : i32
          %add3A_696 = arith.addi %mul3A_694, %add3A_695 : i32
          %get3A_697 = arith.index_cast %select_n3A_689 : i32 to index
          %get3A_698 = arith.constant 0 : index
          %get3A_699 = tpu.vector_load %arg8[%get3A_697, %get3A_698] {strides = array<i32>} : memref<100x32xf32, #tpu.memory_space<vmem>>, vector<16xf32>,
          %get3A_700 = arith.constant 1 : i32
          %get3A_701 = arith.index_cast %get3A_700 : i32 to index
          %get3A_702 = arith.index_cast %add3A_696 : i32 to index
          %get3A_703 = arith.constant 0 : index
          %get3A_704 = tpu.vector_load %arg7[%get3A_701, %get3A_702, %get3A_703] {strides = array<i32>} : memref<2x512x32xf32, #tpu.memory_space<vmem>>, vector<16xf32>,
          %sub3A_705 = arith.subf %get3A_699, %get3A_704 : vector<16xf32>
          %mul3A_706 = vector.broadcast %select_n3A_692 : f32 to vector<16xf32>
          %mul3A_707 = arith.mulf %mul3A_706, %sub3A_705 : vector<16xf32>
          %add3A_708 = arith.addf %get3A_704, %mul3A_707 : vector<16xf32>
          %swap3A_709 = arith.constant 1 : i32
          %swap3A_710 = arith.index_cast %swap3A_709 : i32 to index
          %swap3A_711 = arith.index_cast %add3A_696 : i32 to index
          %swap3A_712 = arith.constant 0 : index
          %swap3A_713 = tpu.vector_load %arg7[%swap3A_710, %swap3A_711, %swap3A_712] {strides = array<i32>} : memref<2x512x32xf32, #tpu.memory_space<vmem>>, vector<16xf32>,
          tpu.vector_store %arg7[%swap3A_710, %swap3A_711, %swap3A_712], %add3A_708 {strides = array<i32>} : memref<2x512x32xf32, #tpu.memory_space<vmem>>, vector<16xf32>,
          %get3A_714 = arith.index_cast %select_n3A_689 : i32 to index
          %get3A_715 = arith.constant 16 : index
          %get3A_716 = tpu.vector_load %arg8[%get3A_714, %get3A_715] {strides = array<i32>} : memref<100x32xf32, #tpu.memory_space<vmem>>, vector<16xf32>,
          %get3A_717 = arith.constant 1 : i32
          %get3A_718 = arith.index_cast %get3A_717 : i32 to index
          %get3A_719 = arith.index_cast %add3A_696 : i32 to index
          %get3A_720 = arith.constant 16 : index
          %get3A_721 = tpu.vector_load %arg7[%get3A_718, %get3A_719, %get3A_720] {strides = array<i32>} : memref<2x512x32xf32, #tpu.memory_space<vmem>>, vector<16xf32>,
          %sub3A_722 = arith.subf %get3A_716, %get3A_721 : vector<16xf32>
          %mul3A_723 = vector.broadcast %select_n3A_692 : f32 to vector<16xf32>
          %mul3A_724 = arith.mulf %mul3A_723, %sub3A_722 : vector<16xf32>
          %add3A_725 = arith.addf %get3A_721, %mul3A_724 : vector<16xf32>
          %swap3A_726 = arith.constant 1 : i32
          %swap3A_727 = arith.index_cast %swap3A_726 : i32 to index
          %swap3A_728 = arith.index_cast %add3A_696 : i32 to index
          %swap3A_729 = arith.constant 16 : index
          %swap3A_730 = tpu.vector_load %arg7[%swap3A_727, %swap3A_728, %swap3A_729] {strides = array<i32>} : memref<2x512x32xf32, #tpu.memory_space<vmem>>, vector<16xf32>,
          tpu.vector_store %arg7[%swap3A_727, %swap3A_728, %swap3A_729], %add3A_725 {strides = array<i32>} : memref<2x512x32xf32, #tpu.memory_space<vmem>>, vector<16xf32>,
          %slice3A_731 = vector.extract_strided_slice %get3A_405 {offsets = [7], sizes = [1], strides = [1]} : vector<16xi32> to vector<1xi32>
          %squeeze3A_732 = vector.extract %slice3A_731[0] : i32 from vector<1xi32>
          %lt3A_733 = arith.constant 100 : i32
          %lt3A_734 = arith.cmpi slt, %squeeze3A_732, %lt3A_733 : i32
          %jit3A_735 = arith.constant 0 : i32
          %select_n3A_736 = arith.select %lt3A_734, %squeeze3A_732, %jit3A_735 : i32
          %jit3A_737 = arith.constant 1.000000e+00 : f32
          %jit3A_738 = arith.constant 0.000000e+00 : f32
          %select_n3A_739 = arith.select %lt3A_734, %jit3A_737, %jit3A_738 : f32
          %mul3A_740 = arith.constant 16 : i32
          %mul3A_741 = arith.muli %scan3A_400, %mul3A_740 : i32
          %add3A_742 = arith.constant 7 : i32
          %add3A_743 = arith.addi %mul3A_741, %add3A_742 : i32
          %get3A_744 = arith.index_cast %select_n3A_736 : i32 to index
          %get3A_745 = arith.constant 0 : index
          %get3A_746 = tpu.vector_load %arg8[%get3A_744, %get3A_745] {strides = array<i32>} : memref<100x32xf32, #tpu.memory_space<vmem>>, vector<16xf32>,
          %get3A_747 = arith.constant 1 : i32
          %get3A_748 = arith.index_cast %get3A_747 : i32 to index
          %get3A_749 = arith.index_cast %add3A_743 : i32 to index
          %get3A_750 = arith.constant 0 : index
          %get3A_751 = tpu.vector_load %arg7[%get3A_748, %get3A_749, %get3A_750] {strides = array<i32>} : memref<2x512x32xf32, #tpu.memory_space<vmem>>, vector<16xf32>,
          %sub3A_752 = arith.subf %get3A_746, %get3A_751 : vector<16xf32>
          %mul3A_753 = vector.broadcast %select_n3A_739 : f32 to vector<16xf32>
          %mul3A_754 = arith.mulf %mul3A_753, %sub3A_752 : vector<16xf32>
          %add3A_755 = arith.addf %get3A_751, %mul3A_754 : vector<16xf32>
          %swap3A_756 = arith.constant 1 : i32
          %swap3A_757 = arith.index_cast %swap3A_756 : i32 to index
          %swap3A_758 = arith.index_cast %add3A_743 : i32 to index
          %swap3A_759 = arith.constant 0 : index
          %swap3A_760 = tpu.vector_load %arg7[%swap3A_757, %swap3A_758, %swap3A_759] {strides = array<i32>} : memref<2x512x32xf32, #tpu.memory_space<vmem>>, vector<16xf32>,
          tpu.vector_store %arg7[%swap3A_757, %swap3A_758, %swap3A_759], %add3A_755 {strides = array<i32>} : memref<2x512x32xf32, #tpu.memory_space<vmem>>, vector<16xf32>,
          %get3A_761 = arith.index_cast %select_n3A_736 : i32 to index
          %get3A_762 = arith.constant 16 : index
          %get3A_763 = tpu.vector_load %arg8[%get3A_761, %get3A_762] {strides = array<i32>} : memref<100x32xf32, #tpu.memory_space<vmem>>, vector<16xf32>,
          %get3A_764 = arith.constant 1 : i32
          %get3A_765 = arith.index_cast %get3A_764 : i32 to index
          %get3A_766 = arith.index_cast %add3A_743 : i32 to index
          %get3A_767 = arith.constant 16 : index
          %get3A_768 = tpu.vector_load %arg7[%get3A_765, %get3A_766, %get3A_767] {strides = array<i32>} : memref<2x512x32xf32, #tpu.memory_space<vmem>>, vector<16xf32>,
          %sub3A_769 = arith.subf %get3A_763, %get3A_768 : vector<16xf32>
          %mul3A_770 = vector.broadcast %select_n3A_739 : f32 to vector<16xf32>
          %mul3A_771 = arith.mulf %mul3A_770, %sub3A_769 : vector<16xf32>
          %add3A_772 = arith.addf %get3A_768, %mul3A_771 : vector<16xf32>
          %swap3A_773 = arith.constant 1 : i32
          %swap3A_774 = arith.index_cast %swap3A_773 : i32 to index
          %swap3A_775 = arith.index_cast %add3A_743 : i32 to index
          %swap3A_776 = arith.constant 16 : index
          %swap3A_777 = tpu.vector_load %arg7[%swap3A_774, %swap3A_775, %swap3A_776] {strides = array<i32>} : memref<2x512x32xf32, #tpu.memory_space<vmem>>, vector<16xf32>,
          tpu.vector_store %arg7[%swap3A_774, %swap3A_775, %swap3A_776], %add3A_772 {strides = array<i32>} : memref<2x512x32xf32, #tpu.memory_space<vmem>>, vector<16xf32>,
          %slice3A_778 = vector.extract_strided_slice %get3A_405 {offsets = [8], sizes = [1], strides = [1]} : vector<16xi32> to vector<1xi32>
          %squeeze3A_779 = vector.extract %slice3A_778[0] : i32 from vector<1xi32>
          %lt3A_780 = arith.constant 100 : i32
          %lt3A_781 = arith.cmpi slt, %squeeze3A_779, %lt3A_780 : i32
          %jit3A_782 = arith.constant 0 : i32
          %select_n3A_783 = arith.select %lt3A_781, %squeeze3A_779, %jit3A_782 : i32
          %jit3A_784 = arith.constant 1.000000e+00 : f32
          %jit3A_785 = arith.constant 0.000000e+00 : f32
          %select_n3A_786 = arith.select %lt3A_781, %jit3A_784, %jit3A_785 : f32
          %mul3A_787 = arith.constant 16 : i32
          %mul3A_788 = arith.muli %scan3A_400, %mul3A_787 : i32
          %add3A_789 = arith.constant 8 : i32
          %add3A_790 = arith.addi %mul3A_788, %add3A_789 : i32
          %get3A_791 = arith.index_cast %select_n3A_783 : i32 to index
          %get3A_792 = arith.constant 0 : index
          %get3A_793 = tpu.vector_load %arg8[%get3A_791, %get3A_792] {strides = array<i32>} : memref<100x32xf32, #tpu.memory_space<vmem>>, vector<16xf32>,
          %get3A_794 = arith.constant 1 : i32
          %get3A_795 = arith.index_cast %get3A_794 : i32 to index
          %get3A_796 = arith.index_cast %add3A_790 : i32 to index
          %get3A_797 = arith.constant 0 : index
          %get3A_798 = tpu.vector_load %arg7[%get3A_795, %get3A_796, %get3A_797] {strides = array<i32>} : memref<2x512x32xf32, #tpu.memory_space<vmem>>, vector<16xf32>,
          %sub3A_799 = arith.subf %get3A_793, %get3A_798 : vector<16xf32>
          %mul3A_800 = vector.broadcast %select_n3A_786 : f32 to vector<16xf32>
          %mul3A_801 = arith.mulf %mul3A_800, %sub3A_799 : vector<16xf32>
          %add3A_802 = arith.addf %get3A_798, %mul3A_801 : vector<16xf32>
          %swap3A_803 = arith.constant 1 : i32
          %swap3A_804 = arith.index_cast %swap3A_803 : i32 to index
          %swap3A_805 = arith.index_cast %add3A_790 : i32 to index
          %swap3A_806 = arith.constant 0 : index
          %swap3A_807 = tpu.vector_load %arg7[%swap3A_804, %swap3A_805, %swap3A_806] {strides = array<i32>} : memref<2x512x32xf32, #tpu.memory_space<vmem>>, vector<16xf32>,
          tpu.vector_store %arg7[%swap3A_804, %swap3A_805, %swap3A_806], %add3A_802 {strides = array<i32>} : memref<2x512x32xf32, #tpu.memory_space<vmem>>, vector<16xf32>,
          %get3A_808 = arith.index_cast %select_n3A_783 : i32 to index
          %get3A_809 = arith.constant 16 : index
          %get3A_810 = tpu.vector_load %arg8[%get3A_808, %get3A_809] {strides = array<i32>} : memref<100x32xf32, #tpu.memory_space<vmem>>, vector<16xf32>,
          %get3A_811 = arith.constant 1 : i32
          %get3A_812 = arith.index_cast %get3A_811 : i32 to index
          %get3A_813 = arith.index_cast %add3A_790 : i32 to index
          %get3A_814 = arith.constant 16 : index
          %get3A_815 = tpu.vector_load %arg7[%get3A_812, %get3A_813, %get3A_814] {strides = array<i32>} : memref<2x512x32xf32, #tpu.memory_space<vmem>>, vector<16xf32>,
          %sub3A_816 = arith.subf %get3A_810, %get3A_815 : vector<16xf32>
          %mul3A_817 = vector.broadcast %select_n3A_786 : f32 to vector<16xf32>
          %mul3A_818 = arith.mulf %mul3A_817, %sub3A_816 : vector<16xf32>
          %add3A_819 = arith.addf %get3A_815, %mul3A_818 : vector<16xf32>
          %swap3A_820 = arith.constant 1 : i32
          %swap3A_821 = arith.index_cast %swap3A_820 : i32 to index
          %swap3A_822 = arith.index_cast %add3A_790 : i32 to index
          %swap3A_823 = arith.constant 16 : index
          %swap3A_824 = tpu.vector_load %arg7[%swap3A_821, %swap3A_822, %swap3A_823] {strides = array<i32>} : memref<2x512x32xf32, #tpu.memory_space<vmem>>, vector<16xf32>,
          tpu.vector_store %arg7[%swap3A_821, %swap3A_822, %swap3A_823], %add3A_819 {strides = array<i32>} : memref<2x512x32xf32, #tpu.memory_space<vmem>>, vector<16xf32>,
          %slice3A_825 = vector.extract_strided_slice %get3A_405 {offsets = [9], sizes = [1], strides = [1]} : vector<16xi32> to vector<1xi32>
          %squeeze3A_826 = vector.extract %slice3A_825[0] : i32 from vector<1xi32>
          %lt3A_827 = arith.constant 100 : i32
          %lt3A_828 = arith.cmpi slt, %squeeze3A_826, %lt3A_827 : i32
          %jit3A_829 = arith.constant 0 : i32
          %select_n3A_830 = arith.select %lt3A_828, %squeeze3A_826, %jit3A_829 : i32
          %jit3A_831 = arith.constant 1.000000e+00 : f32
          %jit3A_832 = arith.constant 0.000000e+00 : f32
          %select_n3A_833 = arith.select %lt3A_828, %jit3A_831, %jit3A_832 : f32
          %mul3A_834 = arith.constant 16 : i32
          %mul3A_835 = arith.muli %scan3A_400, %mul3A_834 : i32
          %add3A_836 = arith.constant 9 : i32
          %add3A_837 = arith.addi %mul3A_835, %add3A_836 : i32
          %get3A_838 = arith.index_cast %select_n3A_830 : i32 to index
          %get3A_839 = arith.constant 0 : index
          %get3A_840 = tpu.vector_load %arg8[%get3A_838, %get3A_839] {strides = array<i32>} : memref<100x32xf32, #tpu.memory_space<vmem>>, vector<16xf32>,
          %get3A_841 = arith.constant 1 : i32
          %get3A_842 = arith.index_cast %get3A_841 : i32 to index
          %get3A_843 = arith.index_cast %add3A_837 : i32 to index
          %get3A_844 = arith.constant 0 : index
          %get3A_845 = tpu.vector_load %arg7[%get3A_842, %get3A_843, %get3A_844] {strides = array<i32>} : memref<2x512x32xf32, #tpu.memory_space<vmem>>, vector<16xf32>,
          %sub3A_846 = arith.subf %get3A_840, %get3A_845 : vector<16xf32>
          %mul3A_847 = vector.broadcast %select_n3A_833 : f32 to vector<16xf32>
          %mul3A_848 = arith.mulf %mul3A_847, %sub3A_846 : vector<16xf32>
          %add3A_849 = arith.addf %get3A_845, %mul3A_848 : vector<16xf32>
          %swap3A_850 = arith.constant 1 : i32
          %swap3A_851 = arith.index_cast %swap3A_850 : i32 to index
          %swap3A_852 = arith.index_cast %add3A_837 : i32 to index
          %swap3A_853 = arith.constant 0 : index
          %swap3A_854 = tpu.vector_load %arg7[%swap3A_851, %swap3A_852, %swap3A_853] {strides = array<i32>} : memref<2x512x32xf32, #tpu.memory_space<vmem>>, vector<16xf32>,
          tpu.vector_store %arg7[%swap3A_851, %swap3A_852, %swap3A_853], %add3A_849 {strides = array<i32>} : memref<2x512x32xf32, #tpu.memory_space<vmem>>, vector<16xf32>,
          %get3A_855 = arith.index_cast %select_n3A_830 : i32 to index
          %get3A_856 = arith.constant 16 : index
          %get3A_857 = tpu.vector_load %arg8[%get3A_855, %get3A_856] {strides = array<i32>} : memref<100x32xf32, #tpu.memory_space<vmem>>, vector<16xf32>,
          %get3A_858 = arith.constant 1 : i32
          %get3A_859 = arith.index_cast %get3A_858 : i32 to index
          %get3A_860 = arith.index_cast %add3A_837 : i32 to index
          %get3A_861 = arith.constant 16 : index
          %get3A_862 = tpu.vector_load %arg7[%get3A_859, %get3A_860, %get3A_861] {strides = array<i32>} : memref<2x512x32xf32, #tpu.memory_space<vmem>>, vector<16xf32>,
          %sub3A_863 = arith.subf %get3A_857, %get3A_862 : vector<16xf32>
          %mul3A_864 = vector.broadcast %select_n3A_833 : f32 to vector<16xf32>
          %mul3A_865 = arith.mulf %mul3A_864, %sub3A_863 : vector<16xf32>
          %add3A_866 = arith.addf %get3A_862, %mul3A_865 : vector<16xf32>
          %swap3A_867 = arith.constant 1 : i32
          %swap3A_868 = arith.index_cast %swap3A_867 : i32 to index
          %swap3A_869 = arith.index_cast %add3A_837 : i32 to index
          %swap3A_870 = arith.constant 16 : index
          %swap3A_871 = tpu.vector_load %arg7[%swap3A_868, %swap3A_869, %swap3A_870] {strides = array<i32>} : memref<2x512x32xf32, #tpu.memory_space<vmem>>, vector<16xf32>,
          tpu.vector_store %arg7[%swap3A_868, %swap3A_869, %swap3A_870], %add3A_866 {strides = array<i32>} : memref<2x512x32xf32, #tpu.memory_space<vmem>>, vector<16xf32>,
          %slice3A_872 = vector.extract_strided_slice %get3A_405 {offsets = [10], sizes = [1], strides = [1]} : vector<16xi32> to vector<1xi32>
          %squeeze3A_873 = vector.extract %slice3A_872[0] : i32 from vector<1xi32>
          %lt3A_874 = arith.constant 100 : i32
          %lt3A_875 = arith.cmpi slt, %squeeze3A_873, %lt3A_874 : i32
          %jit3A_876 = arith.constant 0 : i32
          %select_n3A_877 = arith.select %lt3A_875, %squeeze3A_873, %jit3A_876 : i32
          %jit3A_878 = arith.constant 1.000000e+00 : f32
          %jit3A_879 = arith.constant 0.000000e+00 : f32
          %select_n3A_880 = arith.select %lt3A_875, %jit3A_878, %jit3A_879 : f32
          %mul3A_881 = arith.constant 16 : i32
          %mul3A_882 = arith.muli %scan3A_400, %mul3A_881 : i32
          %add3A_883 = arith.constant 10 : i32
          %add3A_884 = arith.addi %mul3A_882, %add3A_883 : i32
          %get3A_885 = arith.index_cast %select_n3A_877 : i32 to index
          %get3A_886 = arith.constant 0 : index
          %get3A_887 = tpu.vector_load %arg8[%get3A_885, %get3A_886] {strides = array<i32>} : memref<100x32xf32, #tpu.memory_space<vmem>>, vector<16xf32>,
          %get3A_888 = arith.constant 1 : i32
          %get3A_889 = arith.index_cast %get3A_888 : i32 to index
          %get3A_890 = arith.index_cast %add3A_884 : i32 to index
          %get3A_891 = arith.constant 0 : index
          %get3A_892 = tpu.vector_load %arg7[%get3A_889, %get3A_890, %get3A_891] {strides = array<i32>} : memref<2x512x32xf32, #tpu.memory_space<vmem>>, vector<16xf32>,
          %sub3A_893 = arith.subf %get3A_887, %get3A_892 : vector<16xf32>
          %mul3A_894 = vector.broadcast %select_n3A_880 : f32 to vector<16xf32>
          %mul3A_895 = arith.mulf %mul3A_894, %sub3A_893 : vector<16xf32>
          %add3A_896 = arith.addf %get3A_892, %mul3A_895 : vector<16xf32>
          %swap3A_897 = arith.constant 1 : i32
          %swap3A_898 = arith.index_cast %swap3A_897 : i32 to index
          %swap3A_899 = arith.index_cast %add3A_884 : i32 to index
          %swap3A_900 = arith.constant 0 : index
          %swap3A_901 = tpu.vector_load %arg7[%swap3A_898, %swap3A_899, %swap3A_900] {strides = array<i32>} : memref<2x512x32xf32, #tpu.memory_space<vmem>>, vector<16xf32>,
          tpu.vector_store %arg7[%swap3A_898, %swap3A_899, %swap3A_900], %add3A_896 {strides = array<i32>} : memref<2x512x32xf32, #tpu.memory_space<vmem>>, vector<16xf32>,
          %get3A_902 = arith.index_cast %select_n3A_877 : i32 to index
          %get3A_903 = arith.constant 16 : index
          %get3A_904 = tpu.vector_load %arg8[%get3A_902, %get3A_903] {strides = array<i32>} : memref<100x32xf32, #tpu.memory_space<vmem>>, vector<16xf32>,
          %get3A_905 = arith.constant 1 : i32
          %get3A_906 = arith.index_cast %get3A_905 : i32 to index
          %get3A_907 = arith.index_cast %add3A_884 : i32 to index
          %get3A_908 = arith.constant 16 : index
          %get3A_909 = tpu.vector_load %arg7[%get3A_906, %get3A_907, %get3A_908] {strides = array<i32>} : memref<2x512x32xf32, #tpu.memory_space<vmem>>, vector<16xf32>,
          %sub3A_910 = arith.subf %get3A_904, %get3A_909 : vector<16xf32>
          %mul3A_911 = vector.broadcast %select_n3A_880 : f32 to vector<16xf32>
          %mul3A_912 = arith.mulf %mul3A_911, %sub3A_910 : vector<16xf32>
          %add3A_913 = arith.addf %get3A_909, %mul3A_912 : vector<16xf32>
          %swap3A_914 = arith.constant 1 : i32
          %swap3A_915 = arith.index_cast %swap3A_914 : i32 to index
          %swap3A_916 = arith.index_cast %add3A_884 : i32 to index
          %swap3A_917 = arith.constant 16 : index
          %swap3A_918 = tpu.vector_load %arg7[%swap3A_915, %swap3A_916, %swap3A_917] {strides = array<i32>} : memref<2x512x32xf32, #tpu.memory_space<vmem>>, vector<16xf32>,
          tpu.vector_store %arg7[%swap3A_915, %swap3A_916, %swap3A_917], %add3A_913 {strides = array<i32>} : memref<2x512x32xf32, #tpu.memory_space<vmem>>, vector<16xf32>,
          %slice3A_919 = vector.extract_strided_slice %get3A_405 {offsets = [11], sizes = [1], strides = [1]} : vector<16xi32> to vector<1xi32>
          %squeeze3A_920 = vector.extract %slice3A_919[0] : i32 from vector<1xi32>
          %lt3A_921 = arith.constant 100 : i32
          %lt3A_922 = arith.cmpi slt, %squeeze3A_920, %lt3A_921 : i32
          %jit3A_923 = arith.constant 0 : i32
          %select_n3A_924 = arith.select %lt3A_922, %squeeze3A_920, %jit3A_923 : i32
          %jit3A_925 = arith.constant 1.000000e+00 : f32
          %jit3A_926 = arith.constant 0.000000e+00 : f32
          %select_n3A_927 = arith.select %lt3A_922, %jit3A_925, %jit3A_926 : f32
          %mul3A_928 = arith.constant 16 : i32
          %mul3A_929 = arith.muli %scan3A_400, %mul3A_928 : i32
          %add3A_930 = arith.constant 11 : i32
          %add3A_931 = arith.addi %mul3A_929, %add3A_930 : i32
          %get3A_932 = arith.index_cast %select_n3A_924 : i32 to index
          %get3A_933 = arith.constant 0 : index
          %get3A_934 = tpu.vector_load %arg8[%get3A_932, %get3A_933] {strides = array<i32>} : memref<100x32xf32, #tpu.memory_space<vmem>>, vector<16xf32>,
          %get3A_935 = arith.constant 1 : i32
          %get3A_936 = arith.index_cast %get3A_935 : i32 to index
          %get3A_937 = arith.index_cast %add3A_931 : i32 to index
          %get3A_938 = arith.constant 0 : index
          %get3A_939 = tpu.vector_load %arg7[%get3A_936, %get3A_937, %get3A_938] {strides = array<i32>} : memref<2x512x32xf32, #tpu.memory_space<vmem>>, vector<16xf32>,
          %sub3A_940 = arith.subf %get3A_934, %get3A_939 : vector<16xf32>
          %mul3A_941 = vector.broadcast %select_n3A_927 : f32 to vector<16xf32>
          %mul3A_942 = arith.mulf %mul3A_941, %sub3A_940 : vector<16xf32>
          %add3A_943 = arith.addf %get3A_939, %mul3A_942 : vector<16xf32>
          %swap3A_944 = arith.constant 1 : i32
          %swap3A_945 = arith.index_cast %swap3A_944 : i32 to index
          %swap3A_946 = arith.index_cast %add3A_931 : i32 to index
          %swap3A_947 = arith.constant 0 : index
          %swap3A_948 = tpu.vector_load %arg7[%swap3A_945, %swap3A_946, %swap3A_947] {strides = array<i32>} : memref<2x512x32xf32, #tpu.memory_space<vmem>>, vector<16xf32>,
          tpu.vector_store %arg7[%swap3A_945, %swap3A_946, %swap3A_947], %add3A_943 {strides = array<i32>} : memref<2x512x32xf32, #tpu.memory_space<vmem>>, vector<16xf32>,
          %get3A_949 = arith.index_cast %select_n3A_924 : i32 to index
          %get3A_950 = arith.constant 16 : index
          %get3A_951 = tpu.vector_load %arg8[%get3A_949, %get3A_950] {strides = array<i32>} : memref<100x32xf32, #tpu.memory_space<vmem>>, vector<16xf32>,
          %get3A_952 = arith.constant 1 : i32
          %get3A_953 = arith.index_cast %get3A_952 : i32 to index
          %get3A_954 = arith.index_cast %add3A_931 : i32 to index
          %get3A_955 = arith.constant 16 : index
          %get3A_956 = tpu.vector_load %arg7[%get3A_953, %get3A_954, %get3A_955] {strides = array<i32>} : memref<2x512x32xf32, #tpu.memory_space<vmem>>, vector<16xf32>,
          %sub3A_957 = arith.subf %get3A_951, %get3A_956 : vector<16xf32>
          %mul3A_958 = vector.broadcast %select_n3A_927 : f32 to vector<16xf32>
          %mul3A_959 = arith.mulf %mul3A_958, %sub3A_957 : vector<16xf32>
          %add3A_960 = arith.addf %get3A_956, %mul3A_959 : vector<16xf32>
          %swap3A_961 = arith.constant 1 : i32
          %swap3A_962 = arith.index_cast %swap3A_961 : i32 to index
          %swap3A_963 = arith.index_cast %add3A_931 : i32 to index
          %swap3A_964 = arith.constant 16 : index
          %swap3A_965 = tpu.vector_load %arg7[%swap3A_962, %swap3A_963, %swap3A_964] {strides = array<i32>} : memref<2x512x32xf32, #tpu.memory_space<vmem>>, vector<16xf32>,
          tpu.vector_store %arg7[%swap3A_962, %swap3A_963, %swap3A_964], %add3A_960 {strides = array<i32>} : memref<2x512x32xf32, #tpu.memory_space<vmem>>, vector<16xf32>,
          %slice3A_966 = vector.extract_strided_slice %get3A_405 {offsets = [12], sizes = [1], strides = [1]} : vector<16xi32> to vector<1xi32>
          %squeeze3A_967 = vector.extract %slice3A_966[0] : i32 from vector<1xi32>
          %lt3A_968 = arith.constant 100 : i32
          %lt3A_969 = arith.cmpi slt, %squeeze3A_967, %lt3A_968 : i32
          %jit3A_970 = arith.constant 0 : i32
          %select_n3A_971 = arith.select %lt3A_969, %squeeze3A_967, %jit3A_970 : i32
          %jit3A_972 = arith.constant 1.000000e+00 : f32
          %jit3A_973 = arith.constant 0.000000e+00 : f32
          %select_n3A_974 = arith.select %lt3A_969, %jit3A_972, %jit3A_973 : f32
          %mul3A_975 = arith.constant 16 : i32
          %mul3A_976 = arith.muli %scan3A_400, %mul3A_975 : i32
          %add3A_977 = arith.constant 12 : i32
          %add3A_978 = arith.addi %mul3A_976, %add3A_977 : i32
          %get3A_979 = arith.index_cast %select_n3A_971 : i32 to index
          %get3A_980 = arith.constant 0 : index
          %get3A_981 = tpu.vector_load %arg8[%get3A_979, %get3A_980] {strides = array<i32>} : memref<100x32xf32, #tpu.memory_space<vmem>>, vector<16xf32>,
          %get3A_982 = arith.constant 1 : i32
          %get3A_983 = arith.index_cast %get3A_982 : i32 to index
          %get3A_984 = arith.index_cast %add3A_978 : i32 to index
          %get3A_985 = arith.constant 0 : index
          %get3A_986 = tpu.vector_load %arg7[%get3A_983, %get3A_984, %get3A_985] {strides = array<i32>} : memref<2x512x32xf32, #tpu.memory_space<vmem>>, vector<16xf32>,
          %sub3A_987 = arith.subf %get3A_981, %get3A_986 : vector<16xf32>
          %mul3A_988 = vector.broadcast %select_n3A_974 : f32 to vector<16xf32>
          %mul3A_989 = arith.mulf %mul3A_988, %sub3A_987 : vector<16xf32>
          %add3A_990 = arith.addf %get3A_986, %mul3A_989 : vector<16xf32>
          %swap3A_991 = arith.constant 1 : i32
          %swap3A_992 = arith.index_cast %swap3A_991 : i32 to index
          %swap3A_993 = arith.index_cast %add3A_978 : i32 to index
          %swap3A_994 = arith.constant 0 : index
          %swap3A_995 = tpu.vector_load %arg7[%swap3A_992, %swap3A_993, %swap3A_994] {strides = array<i32>} : memref<2x512x32xf32, #tpu.memory_space<vmem>>, vector<16xf32>,
          tpu.vector_store %arg7[%swap3A_992, %swap3A_993, %swap3A_994], %add3A_990 {strides = array<i32>} : memref<2x512x32xf32, #tpu.memory_space<vmem>>, vector<16xf32>,
          %get3A_996 = arith.index_cast %select_n3A_971 : i32 to index
          %get3A_997 = arith.constant 16 : index
          %get3A_998 = tpu.vector_load %arg8[%get3A_996, %get3A_997] {strides = array<i32>} : memref<100x32xf32, #tpu.memory_space<vmem>>, vector<16xf32>,
          %get3A_999 = arith.constant 1 : i32
          %get3A_1000 = arith.index_cast %get3A_999 : i32 to index
          %get3A_1001 = arith.index_cast %add3A_978 : i32 to index
          %get3A_1002 = arith.constant 16 : index
          %get3A_1003 = tpu.vector_load %arg7[%get3A_1000, %get3A_1001, %get3A_1002] {strides = array<i32>} : memref<2x512x32xf32, #tpu.memory_space<vmem>>, vector<16xf32>,
          %sub3A_1004 = arith.subf %get3A_998, %get3A_1003 : vector<16xf32>
          %mul3A_1005 = vector.broadcast %select_n3A_974 : f32 to vector<16xf32>
          %mul3A_1006 = arith.mulf %mul3A_1005, %sub3A_1004 : vector<16xf32>
          %add3A_1007 = arith.addf %get3A_1003, %mul3A_1006 : vector<16xf32>
          %swap3A_1008 = arith.constant 1 : i32
          %swap3A_1009 = arith.index_cast %swap3A_1008 : i32 to index
          %swap3A_1010 = arith.index_cast %add3A_978 : i32 to index
          %swap3A_1011 = arith.constant 16 : index
          %swap3A_1012 = tpu.vector_load %arg7[%swap3A_1009, %swap3A_1010, %swap3A_1011] {strides = array<i32>} : memref<2x512x32xf32, #tpu.memory_space<vmem>>, vector<16xf32>,
          tpu.vector_store %arg7[%swap3A_1009, %swap3A_1010, %swap3A_1011], %add3A_1007 {strides = array<i32>} : memref<2x512x32xf32, #tpu.memory_space<vmem>>, vector<16xf32>,
          %slice3A_1013 = vector.extract_strided_slice %get3A_405 {offsets = [13], sizes = [1], strides = [1]} : vector<16xi32> to vector<1xi32>
          %squeeze3A_1014 = vector.extract %slice3A_1013[0] : i32 from vector<1xi32>
          %lt3A_1015 = arith.constant 100 : i32
          %lt3A_1016 = arith.cmpi slt, %squeeze3A_1014, %lt3A_1015 : i32
          %jit3A_1017 = arith.constant 0 : i32
          %select_n3A_1018 = arith.select %lt3A_1016, %squeeze3A_1014, %jit3A_1017 : i32
          %jit3A_1019 = arith.constant 1.000000e+00 : f32
          %jit3A_1020 = arith.constant 0.000000e+00 : f32
          %select_n3A_1021 = arith.select %lt3A_1016, %jit3A_1019, %jit3A_1020 : f32
          %mul3A_1022 = arith.constant 16 : i32
          %mul3A_1023 = arith.muli %scan3A_400, %mul3A_1022 : i32
          %add3A_1024 = arith.constant 13 : i32
          %add3A_1025 = arith.addi %mul3A_1023, %add3A_1024 : i32
          %get3A_1026 = arith.index_cast %select_n3A_1018 : i32 to index
          %get3A_1027 = arith.constant 0 : index
          %get3A_1028 = tpu.vector_load %arg8[%get3A_1026, %get3A_1027] {strides = array<i32>} : memref<100x32xf32, #tpu.memory_space<vmem>>, vector<16xf32>,
          %get3A_1029 = arith.constant 1 : i32
          %get3A_1030 = arith.index_cast %get3A_1029 : i32 to index
          %get3A_1031 = arith.index_cast %add3A_1025 : i32 to index
          %get3A_1032 = arith.constant 0 : index
          %get3A_1033 = tpu.vector_load %arg7[%get3A_1030, %get3A_1031, %get3A_1032] {strides = array<i32>} : memref<2x512x32xf32, #tpu.memory_space<vmem>>, vector<16xf32>,
          %sub3A_1034 = arith.subf %get3A_1028, %get3A_1033 : vector<16xf32>
          %mul3A_1035 = vector.broadcast %select_n3A_1021 : f32 to vector<16xf32>
          %mul3A_1036 = arith.mulf %mul3A_1035, %sub3A_1034 : vector<16xf32>
          %add3A_1037 = arith.addf %get3A_1033, %mul3A_1036 : vector<16xf32>
          %swap3A_1038 = arith.constant 1 : i32
          %swap3A_1039 = arith.index_cast %swap3A_1038 : i32 to index
          %swap3A_1040 = arith.index_cast %add3A_1025 : i32 to index
          %swap3A_1041 = arith.constant 0 : index
          %swap3A_1042 = tpu.vector_load %arg7[%swap3A_1039, %swap3A_1040, %swap3A_1041] {strides = array<i32>} : memref<2x512x32xf32, #tpu.memory_space<vmem>>, vector<16xf32>,
          tpu.vector_store %arg7[%swap3A_1039, %swap3A_1040, %swap3A_1041], %add3A_1037 {strides = array<i32>} : memref<2x512x32xf32, #tpu.memory_space<vmem>>, vector<16xf32>,
          %get3A_1043 = arith.index_cast %select_n3A_1018 : i32 to index
          %get3A_1044 = arith.constant 16 : index
          %get3A_1045 = tpu.vector_load %arg8[%get3A_1043, %get3A_1044] {strides = array<i32>} : memref<100x32xf32, #tpu.memory_space<vmem>>, vector<16xf32>,
          %get3A_1046 = arith.constant 1 : i32
          %get3A_1047 = arith.index_cast %get3A_1046 : i32 to index
          %get3A_1048 = arith.index_cast %add3A_1025 : i32 to index
          %get3A_1049 = arith.constant 16 : index
          %get3A_1050 = tpu.vector_load %arg7[%get3A_1047, %get3A_1048, %get3A_1049] {strides = array<i32>} : memref<2x512x32xf32, #tpu.memory_space<vmem>>, vector<16xf32>,
          %sub3A_1051 = arith.subf %get3A_1045, %get3A_1050 : vector<16xf32>
          %mul3A_1052 = vector.broadcast %select_n3A_1021 : f32 to vector<16xf32>
          %mul3A_1053 = arith.mulf %mul3A_1052, %sub3A_1051 : vector<16xf32>
          %add3A_1054 = arith.addf %get3A_1050, %mul3A_1053 : vector<16xf32>
          %swap3A_1055 = arith.constant 1 : i32
          %swap3A_1056 = arith.index_cast %swap3A_1055 : i32 to index
          %swap3A_1057 = arith.index_cast %add3A_1025 : i32 to index
          %swap3A_1058 = arith.constant 16 : index
          %swap3A_1059 = tpu.vector_load %arg7[%swap3A_1056, %swap3A_1057, %swap3A_1058] {strides = array<i32>} : memref<2x512x32xf32, #tpu.memory_space<vmem>>, vector<16xf32>,
          tpu.vector_store %arg7[%swap3A_1056, %swap3A_1057, %swap3A_1058], %add3A_1054 {strides = array<i32>} : memref<2x512x32xf32, #tpu.memory_space<vmem>>, vector<16xf32>,
          %slice3A_1060 = vector.extract_strided_slice %get3A_405 {offsets = [14], sizes = [1], strides = [1]} : vector<16xi32> to vector<1xi32>
          %squeeze3A_1061 = vector.extract %slice3A_1060[0] : i32 from vector<1xi32>
          %lt3A_1062 = arith.constant 100 : i32
          %lt3A_1063 = arith.cmpi slt, %squeeze3A_1061, %lt3A_1062 : i32
          %jit3A_1064 = arith.constant 0 : i32
          %select_n3A_1065 = arith.select %lt3A_1063, %squeeze3A_1061, %jit3A_1064 : i32
          %jit3A_1066 = arith.constant 1.000000e+00 : f32
          %jit3A_1067 = arith.constant 0.000000e+00 : f32
          %select_n3A_1068 = arith.select %lt3A_1063, %jit3A_1066, %jit3A_1067 : f32
          %mul3A_1069 = arith.constant 16 : i32
          %mul3A_1070 = arith.muli %scan3A_400, %mul3A_1069 : i32
          %add3A_1071 = arith.constant 14 : i32
          %add3A_1072 = arith.addi %mul3A_1070, %add3A_1071 : i32
          %get3A_1073 = arith.index_cast %select_n3A_1065 : i32 to index
          %get3A_1074 = arith.constant 0 : index
          %get3A_1075 = tpu.vector_load %arg8[%get3A_1073, %get3A_1074] {strides = array<i32>} : memref<100x32xf32, #tpu.memory_space<vmem>>, vector<16xf32>,
          %get3A_1076 = arith.constant 1 : i32
          %get3A_1077 = arith.index_cast %get3A_1076 : i32 to index
          %get3A_1078 = arith.index_cast %add3A_1072 : i32 to index
          %get3A_1079 = arith.constant 0 : index
          %get3A_1080 = tpu.vector_load %arg7[%get3A_1077, %get3A_1078, %get3A_1079] {strides = array<i32>} : memref<2x512x32xf32, #tpu.memory_space<vmem>>, vector<16xf32>,
          %sub3A_1081 = arith.subf %get3A_1075, %get3A_1080 : vector<16xf32>
          %mul3A_1082 = vector.broadcast %select_n3A_1068 : f32 to vector<16xf32>
          %mul3A_1083 = arith.mulf %mul3A_1082, %sub3A_1081 : vector<16xf32>
          %add3A_1084 = arith.addf %get3A_1080, %mul3A_1083 : vector<16xf32>
          %swap3A_1085 = arith.constant 1 : i32
          %swap3A_1086 = arith.index_cast %swap3A_1085 : i32 to index
          %swap3A_1087 = arith.index_cast %add3A_1072 : i32 to index
          %swap3A_1088 = arith.constant 0 : index
          %swap3A_1089 = tpu.vector_load %arg7[%swap3A_1086, %swap3A_1087, %swap3A_1088] {strides = array<i32>} : memref<2x512x32xf32, #tpu.memory_space<vmem>>, vector<16xf32>,
          tpu.vector_store %arg7[%swap3A_1086, %swap3A_1087, %swap3A_1088], %add3A_1084 {strides = array<i32>} : memref<2x512x32xf32, #tpu.memory_space<vmem>>, vector<16xf32>,
          %get3A_1090 = arith.index_cast %select_n3A_1065 : i32 to index
          %get3A_1091 = arith.constant 16 : index
          %get3A_1092 = tpu.vector_load %arg8[%get3A_1090, %get3A_1091] {strides = array<i32>} : memref<100x32xf32, #tpu.memory_space<vmem>>, vector<16xf32>,
          %get3A_1093 = arith.constant 1 : i32
          %get3A_1094 = arith.index_cast %get3A_1093 : i32 to index
          %get3A_1095 = arith.index_cast %add3A_1072 : i32 to index
          %get3A_1096 = arith.constant 16 : index
          %get3A_1097 = tpu.vector_load %arg7[%get3A_1094, %get3A_1095, %get3A_1096] {strides = array<i32>} : memref<2x512x32xf32, #tpu.memory_space<vmem>>, vector<16xf32>,
          %sub3A_1098 = arith.subf %get3A_1092, %get3A_1097 : vector<16xf32>
          %mul3A_1099 = vector.broadcast %select_n3A_1068 : f32 to vector<16xf32>
          %mul3A_1100 = arith.mulf %mul3A_1099, %sub3A_1098 : vector<16xf32>
          %add3A_1101 = arith.addf %get3A_1097, %mul3A_1100 : vector<16xf32>
          %swap3A_1102 = arith.constant 1 : i32
          %swap3A_1103 = arith.index_cast %swap3A_1102 : i32 to index
          %swap3A_1104 = arith.index_cast %add3A_1072 : i32 to index
          %swap3A_1105 = arith.constant 16 : index
          %swap3A_1106 = tpu.vector_load %arg7[%swap3A_1103, %swap3A_1104, %swap3A_1105] {strides = array<i32>} : memref<2x512x32xf32, #tpu.memory_space<vmem>>, vector<16xf32>,
          tpu.vector_store %arg7[%swap3A_1103, %swap3A_1104, %swap3A_1105], %add3A_1101 {strides = array<i32>} : memref<2x512x32xf32, #tpu.memory_space<vmem>>, vector<16xf32>,
          %slice3A_1107 = vector.extract_strided_slice %get3A_405 {offsets = [15], sizes = [1], strides = [1]} : vector<16xi32> to vector<1xi32>
          %squeeze3A_1108 = vector.extract %slice3A_1107[0] : i32 from vector<1xi32>
          %lt3A_1109 = arith.constant 100 : i32
          %lt3A_1110 = arith.cmpi slt, %squeeze3A_1108, %lt3A_1109 : i32
          %jit3A_1111 = arith.constant 0 : i32
          %select_n3A_1112 = arith.select %lt3A_1110, %squeeze3A_1108, %jit3A_1111 : i32
          %jit3A_1113 = arith.constant 1.000000e+00 : f32
          %jit3A_1114 = arith.constant 0.000000e+00 : f32
          %select_n3A_1115 = arith.select %lt3A_1110, %jit3A_1113, %jit3A_1114 : f32
          %mul3A_1116 = arith.constant 16 : i32
          %mul3A_1117 = arith.muli %scan3A_400, %mul3A_1116 : i32
          %add3A_1118 = arith.constant 15 : i32
          %add3A_1119 = arith.addi %mul3A_1117, %add3A_1118 : i32
          %get3A_1120 = arith.index_cast %select_n3A_1112 : i32 to index
          %get3A_1121 = arith.constant 0 : index
          %get3A_1122 = tpu.vector_load %arg8[%get3A_1120, %get3A_1121] {strides = array<i32>} : memref<100x32xf32, #tpu.memory_space<vmem>>, vector<16xf32>,
          %get3A_1123 = arith.constant 1 : i32
          %get3A_1124 = arith.index_cast %get3A_1123 : i32 to index
          %get3A_1125 = arith.index_cast %add3A_1119 : i32 to index
          %get3A_1126 = arith.constant 0 : index
          %get3A_1127 = tpu.vector_load %arg7[%get3A_1124, %get3A_1125, %get3A_1126] {strides = array<i32>} : memref<2x512x32xf32, #tpu.memory_space<vmem>>, vector<16xf32>,
          %sub3A_1128 = arith.subf %get3A_1122, %get3A_1127 : vector<16xf32>
          %mul3A_1129 = vector.broadcast %select_n3A_1115 : f32 to vector<16xf32>
          %mul3A_1130 = arith.mulf %mul3A_1129, %sub3A_1128 : vector<16xf32>
          %add3A_1131 = arith.addf %get3A_1127, %mul3A_1130 : vector<16xf32>
          %swap3A_1132 = arith.constant 1 : i32
          %swap3A_1133 = arith.index_cast %swap3A_1132 : i32 to index
          %swap3A_1134 = arith.index_cast %add3A_1119 : i32 to index
          %swap3A_1135 = arith.constant 0 : index
          %swap3A_1136 = tpu.vector_load %arg7[%swap3A_1133, %swap3A_1134, %swap3A_1135] {strides = array<i32>} : memref<2x512x32xf32, #tpu.memory_space<vmem>>, vector<16xf32>,
          tpu.vector_store %arg7[%swap3A_1133, %swap3A_1134, %swap3A_1135], %add3A_1131 {strides = array<i32>} : memref<2x512x32xf32, #tpu.memory_space<vmem>>, vector<16xf32>,
          %get3A_1137 = arith.index_cast %select_n3A_1112 : i32 to index
          %get3A_1138 = arith.constant 16 : index
          %get3A_1139 = tpu.vector_load %arg8[%get3A_1137, %get3A_1138] {strides = array<i32>} : memref<100x32xf32, #tpu.memory_space<vmem>>, vector<16xf32>,
          %get3A_1140 = arith.constant 1 : i32
          %get3A_1141 = arith.index_cast %get3A_1140 : i32 to index
          %get3A_1142 = arith.index_cast %add3A_1119 : i32 to index
          %get3A_1143 = arith.constant 16 : index
          %get3A_1144 = tpu.vector_load %arg7[%get3A_1141, %get3A_1142, %get3A_1143] {strides = array<i32>} : memref<2x512x32xf32, #tpu.memory_space<vmem>>, vector<16xf32>,
          %sub3A_1145 = arith.subf %get3A_1139, %get3A_1144 : vector<16xf32>
          %mul3A_1146 = vector.broadcast %select_n3A_1115 : f32 to vector<16xf32>
          %mul3A_1147 = arith.mulf %mul3A_1146, %sub3A_1145 : vector<16xf32>
          %add3A_1148 = arith.addf %get3A_1144, %mul3A_1147 : vector<16xf32>
          %swap3A_1149 = arith.constant 1 : i32
          %swap3A_1150 = arith.index_cast %swap3A_1149 : i32 to index
          %swap3A_1151 = arith.index_cast %add3A_1119 : i32 to index
          %swap3A_1152 = arith.constant 16 : index
          %swap3A_1153 = tpu.vector_load %arg7[%swap3A_1150, %swap3A_1151, %swap3A_1152] {strides = array<i32>} : memref<2x512x32xf32, #tpu.memory_space<vmem>>, vector<16xf32>,
          tpu.vector_store %arg7[%swap3A_1150, %swap3A_1151, %swap3A_1152], %add3A_1148 {strides = array<i32>} : memref<2x512x32xf32, #tpu.memory_space<vmem>>, vector<16xf32>,
        }
        %scan3A_399 = arith.constant 32 : i32
      } else {
      }
      %mul3A_371 = arith.constant 512 : i32
      %mul3A_372 = arith.muli %add3A_255, %mul3A_371 : i32
      %add3A_373 = arith.addi %mul3A_2, %mul3A_372 : i32
      %dma_start3A_374 = arith.constant 1 : i32
      %dma_start3A_375 = arith.constant 0 : i32
      %dma_start3A_376 = arith.constant 0 : i32
      %dma_start3A_377 = tpu.memref_slice %arg7[%dma_start3A_374, %dma_start3A_375, %dma_start3A_376] : memref<2x512x32xf32, #tpu.memory_space<vmem>> -> memref<1x512x32xf32, #tpu.memory_space<vmem>>
      %dma_start3A_378 = tpu.memref_squeeze %dma_start3A_377 : memref<1x512x32xf32, #tpu.memory_space<vmem>> -> memref<512x32xf32, #tpu.memory_space<vmem>>
      %dma_start3A_379 = arith.constant 0 : i32
      %dma_start3A_380 = tpu.memref_slice %arg5[%add3A_373, %dma_start3A_379] : memref<819200x32xf32, #tpu.memory_space<hbm>> -> memref<512x32xf32, #tpu.memory_space<hbm>>
      %dma_start3A_381 = arith.constant 0 : i32
      %dma_start3A_382 = tpu.memref_slice %arg5[%add3A_373, %dma_start3A_381] : memref<819200x32xf32, #tpu.memory_space<hbm>> -> memref<512x32xf32, #tpu.memory_space<hbm>>
      %dma_start3A_383 = arith.constant 0 : i32
      %dma_start3A_384 = arith.constant 0 : i32
      %dma_start3A_385 = tpu.memref_slice %arg7[%dma_start3A_374, %dma_start3A_383, %dma_start3A_384] : memref<2x512x32xf32, #tpu.memory_space<vmem>> -> memref<1x512x32xf32, #tpu.memory_space<vmem>>
      %dma_start3A_386 = tpu.memref_squeeze %dma_start3A_385 : memref<1x512x32xf32, #tpu.memory_space<vmem>> -> memref<512x32xf32, #tpu.memory_space<vmem>>
      tpu.enqueue_dma source(%dma_start3A_386 : memref<512x32xf32, #tpu.memory_space<vmem>>) target(%dma_start3A_382 : memref<512x32xf32, #tpu.memory_space<hbm>>) target_semaphore(%arg14 : memref<!tpu.dma_semaphore, #tpu.memory_space<semaphore_mem>>)
      %add3A_387 = arith.constant 2 : i32
      %add3A_388 = arith.addi %add3A_255, %add3A_387 : i32
      %lt3A_389 = arith.constant 50 : i32
      %lt3A_390 = arith.cmpi slt, %add3A_388, %lt3A_389 : i32
      %convert_element_type3A_391 = arith.extui %lt3A_390 : i1 to i32
      %cond3A_392 = arith.constant 0 : i32
      %cond3A_393 = arith.cmpi ne, %convert_element_type3A_391, %cond3A_392 : i32
      scf.if %cond3A_393 {
        %add3A_394 = arith.constant 2 : i32
        %add3A_395 = arith.addi %add3A_255, %add3A_394 : i32
        %mul3A_396 = arith.constant 512 : i32
        %mul3A_397 = arith.muli %add3A_395, %mul3A_396 : i32
        %add3A_398 = arith.addi %mul3A_2, %mul3A_397 : i32
        %dma_start3A_399 = arith.constant 1 : i32
        %dma_start3A_400 = arith.constant 0 : i32
        %dma_start3A_401 = tpu.memref_slice %arg6[%dma_start3A_399, %dma_start3A_400] : memref<2x512xi32, #tpu.memory_space<vmem>> -> memref<1x512xi32, #tpu.memory_space<vmem>>
        %dma_start3A_402 = tpu.memref_squeeze %dma_start3A_401 : memref<1x512xi32, #tpu.memory_space<vmem>> -> memref<512xi32, #tpu.memory_space<vmem>>
        %dma_start3A_403 = tpu.memref_slice %arg2[%add3A_398] : memref<819200xi32, #tpu.memory_space<hbm>> -> memref<512xi32, #tpu.memory_space<hbm>>
        %dma_start3A_404 = arith.constant 0 : i32
        %dma_start3A_405 = tpu.memref_slice %arg6[%dma_start3A_399, %dma_start3A_404] : memref<2x512xi32, #tpu.memory_space<vmem>> -> memref<1x512xi32, #tpu.memory_space<vmem>>
        %dma_start3A_406 = tpu.memref_squeeze %dma_start3A_405 : memref<1x512xi32, #tpu.memory_space<vmem>> -> memref<512xi32, #tpu.memory_space<vmem>>
        %dma_start3A_407 = tpu.memref_slice %arg2[%add3A_398] : memref<819200xi32, #tpu.memory_space<hbm>> -> memref<512xi32, #tpu.memory_space<hbm>>
        tpu.enqueue_dma source(%dma_start3A_407 : memref<512xi32, #tpu.memory_space<hbm>>) target(%dma_start3A_406 : memref<512xi32, #tpu.memory_space<vmem>>) target_semaphore(%arg10 : memref<!tpu.dma_semaphore, #tpu.memory_space<semaphore_mem>>)
      } else {
      }
    }
    %scan3A_86 = arith.constant 25 : i32
    %add3A_87 = arith.constant 24576 : i32
    %add3A_88 = arith.addi %mul3A_2, %add3A_87 : i32
    %dma_wait3A_89 = arith.constant 0 : i32
    %dma_wait3A_90 = arith.constant 0 : i32
    %dma_wait3A_91 = arith.constant 0 : i32
    %dma_wait3A_92 = tpu.memref_slice %arg7[%dma_wait3A_89, %dma_wait3A_90, %dma_wait3A_91] : memref<2x512x32xf32, #tpu.memory_space<vmem>> -> memref<1x512x32xf32, #tpu.memory_space<vmem>>
    %dma_wait3A_93 = tpu.memref_squeeze %dma_wait3A_92 : memref<1x512x32xf32, #tpu.memory_space<vmem>> -> memref<512x32xf32, #tpu.memory_space<vmem>>
    %dma_wait3A_94 = arith.constant 0 : i32
    %dma_wait3A_95 = tpu.memref_slice %arg5[%add3A_88, %dma_wait3A_94] : memref<819200x32xf32, #tpu.memory_space<hbm>> -> memref<512x32xf32, #tpu.memory_space<hbm>>
    %dma_wait3A_96 = arith.constant 0 : i32
    %dma_wait3A_97 = tpu.memref_slice %arg5[%add3A_88, %dma_wait3A_96] : memref<819200x32xf32, #tpu.memory_space<hbm>> -> memref<512x32xf32, #tpu.memory_space<hbm>>
    %dma_wait3A_98 = arith.constant 0 : i32
    %dma_wait3A_99 = arith.constant 0 : i32
    %dma_wait3A_100 = tpu.memref_slice %arg7[%dma_wait3A_89, %dma_wait3A_98, %dma_wait3A_99] : memref<2x512x32xf32, #tpu.memory_space<vmem>> -> memref<1x512x32xf32, #tpu.memory_space<vmem>>
    %dma_wait3A_101 = tpu.memref_squeeze %dma_wait3A_100 : memref<1x512x32xf32, #tpu.memory_space<vmem>> -> memref<512x32xf32, #tpu.memory_space<vmem>>
    tpu.wait_dma2 semaphore(%arg13 : memref<!tpu.dma_semaphore, #tpu.memory_space<semaphore_mem>>) src(%dma_wait3A_101 : memref<512x32xf32, #tpu.memory_space<vmem>>) dst(%dma_wait3A_97 : memref<512x32xf32, #tpu.memory_space<hbm>>)
    %add3A_102 = arith.constant 25088 : i32
    %add3A_103 = arith.addi %mul3A_2, %add3A_102 : i32
    %dma_wait3A_104 = arith.constant 1 : i32
    %dma_wait3A_105 = arith.constant 0 : i32
    %dma_wait3A_106 = arith.constant 0 : i32
    %dma_wait3A_107 = tpu.memref_slice %arg7[%dma_wait3A_104, %dma_wait3A_105, %dma_wait3A_106] : memref<2x512x32xf32, #tpu.memory_space<vmem>> -> memref<1x512x32xf32, #tpu.memory_space<vmem>>
    %dma_wait3A_108 = tpu.memref_squeeze %dma_wait3A_107 : memref<1x512x32xf32, #tpu.memory_space<vmem>> -> memref<512x32xf32, #tpu.memory_space<vmem>>
    %dma_wait3A_109 = arith.constant 0 : i32
    %dma_wait3A_110 = tpu.memref_slice %arg5[%add3A_103, %dma_wait3A_109] : memref<819200x32xf32, #tpu.memory_space<hbm>> -> memref<512x32xf32, #tpu.memory_space<hbm>>
    %dma_wait3A_111 = arith.constant 0 : i32
    %dma_wait3A_112 = tpu.memref_slice %arg5[%add3A_103, %dma_wait3A_111] : memref<819200x32xf32, #tpu.memory_space<hbm>> -> memref<512x32xf32, #tpu.memory_space<hbm>>
    %dma_wait3A_113 = arith.constant 0 : i32
    %dma_wait3A_114 = arith.constant 0 : i32
    %dma_wait3A_115 = tpu.memref_slice %arg7[%dma_wait3A_104, %dma_wait3A_113, %dma_wait3A_114] : memref<2x512x32xf32, #tpu.memory_space<vmem>> -> memref<1x512x32xf32, #tpu.memory_space<vmem>>
    %dma_wait3A_116 = tpu.memref_squeeze %dma_wait3A_115 : memref<1x512x32xf32, #tpu.memory_space<vmem>> -> memref<512x32xf32, #tpu.memory_space<vmem>>
    tpu.wait_dma2 semaphore(%arg14 : memref<!tpu.dma_semaphore, #tpu.memory_space<semaphore_mem>>) src(%dma_wait3A_116 : memref<512x32xf32, #tpu.memory_space<vmem>>) dst(%dma_wait3A_112 : memref<512x32xf32, #tpu.memory_space<hbm>>)
    return
  }
}

</mosaic_0001>

<sc_bundles>
// kernel: kernel.3.cloned.1.call-start
scs
__scs_entry_jumppad:
0x0: {  	(pc) =	sbr.rel $0x88, $3  }
0x1: {  	(tag) =	ssettag $0x0;
	lr =	simm.s32 $0x1  }
0x2: {  	[smem:$0x3F9E] =	sst lr;
	_ =	strace $0xD0000000  }
0x3: {  	_ = 	snop  }
0x4: {  	_ = 	snop  }
0x5: {  	_ = 	snop  }
0x6: {  	_ = 	snop  }
0x7: {  	_ = 	snop  }
__scs_overlays_trampoline_lowered:
0x8: {  	[smem:$0x3FAD] =	sst s0  }
0x9: {  	[smem:$0x3FAE] =	sst s1  }
0xa: {  	[smem:$0x3FAF] =	sst s2  }
0xb: {  	[smem:$0x3FB0] =	sst s3  }
0xc: {  	[smem:$0x3FB1] =	sst s4  }
0xd: {  	[smem:$0x3FB2] =	sst s5  }
0xe: {  	[smem:$0x3FB3] =	sst s6  }
0xf: {  	[smem:$0x3FB4] =	sst s7  }
0x10: {  	[smem:$0x3FB5] =	sst s8  }
0x11: {  	[smem:$0x3FB6] =	sst s9;
	s0 =	simm.s32 @!p0 $0x0  }
0x12: {  	s1 =	sld [smem:$0x3F9C];
	s0 =	simm.s32 @p0 $0x1  }
0x13: {  	[smem:$0x3FB7] =	sst s0;
	s0 =	simm.s32 @!p1 $0x0  }
0x14: {  	s2 =	sld [smem:$0x3F9B];
	s0 =	simm.s32 @p1 $0x1  }
0x15: {  	[smem:$0x3FB8] =	sst s0;
	s0 =	simm.s32 @!p2 $0x0  }
0x16: {  	s3 =	sld [smem:$0x3FDB];
	s0 =	simm.s32 @p2 $0x1  }
0x17: {  	s4 =	simm.s32 $0x1BF5;
	[smem:$0x3FBA] =	sst s0  }
0x18: {  	s0 =	sld [smem:$0x3F9D];
	_ =	swait.ge [sflag:s4], $0x0  }
0x19: {  	s7 =	sld [smem:$0x3F9E]  }
0x1a: {  	s8 =	sadd.s32 $0xFFFFE003, lr  }
0x1b: {  	s9 =	sadd.s32 $0xFFFFFEF7, lr;
	s5 =	simm.s32 $0xFFFFFFFF;
	p2 =	slt.u32 s8, $0xFFFFF086  }
0x1c: {  	p1 =	slt.u32 s9, $0xF7A;
	s5 =	simm.s32 @!p2 $0x0  }
0x1d: {  	s5 =	simm.s32 @p1 $0x1;
	p0 =	seq.s32 s7, s2  }
0x1e: {  	s7 =	smul.u32 @!p0 $0xF7A, s2;
	p2 =	seq.s32 @!p0 s5, $0x0  }
0x1f: {  	s9 =	smul.u32 $0xF7A, s1;
	s8 =	simm.s32 @!p0 $0x1BF5;
	p2 =	por !p2, p0  }
0x20: {  	[sflag:s8] =	ssyncset.s32 @!p0 $0xFFFFF086;
	s6 =	sadd.s32 @!p0 s3, s7;
	s7 =	simm.s32 @!p0 $0x108  }
0x21: {  	s3 =	sadd.s32 s3, s9;
	s6 =	sadd.s32 @!p0 $0x88, s6;
	s7 =	simm.s32 @p2 $0x1082  }
0x22: {  	[simem:s7], [sflag:s8] =	dma.local @!p0 [hbm:s6], $0xF7A  }
0x23: {  	s9 =	sor.u32 $0xD0000000, s2;
	s6 =	simm.s32 $0x108;
	_ =	swait.ge @!p0 [sflag:s8], $0x0  }
0x24: {  	s3 =	sadd.s32 $0x88, s3;
	s6 =	simm.s32 @!p1 $0x1082;
	[sflag:s4] =	ssyncset.s32 $0xFFFFF086  }
0x25: {  	[simem:s6], [sflag:s4] =	dma.local [hbm:s3], $0xF7A  }
0x26: {  	[smem:$0x3F9E] =	sst s1;
	(tag) =	ssettag s2;
	_ =	strace s9  }
0x27: {  	s1 =	sld [smem:$0x3FAE]  }
0x28: {  	s2 =	sld [smem:$0x3FAF]  }
0x29: {  	s4 =	sld [smem:$0x3FB1]  }
0x2a: {  	p0 =	seq.s32 s5, $0x0;
	s5 =	sld [smem:$0x3FB2]  }
0x2b: {  	s6 =	sld [smem:$0x3FB3]  }
0x2c: {  	s7 =	sld [smem:$0x3FB4]  }
0x2d: {  	s3 =	simm.s32 $0x108;
	s8 =	sld [smem:$0x3FB5]  }
0x2e: {  	s3 =	simm.s32 @!p0 $0x1082;
	s9 =	sld [smem:$0x3FB6]  }
0x2f: {  	lr =	sadd.s32 s0, s3;
	s0 =	sld [smem:$0x3FAD]  }
0x30: {  	s3 =	sld [smem:$0x3FB0]  }
0x31: {  	[smem:$0x3FB9] =	sst s10  }
0x32: {  	s10 =	sld [smem:$0x3FB7];
	_ =	sdelay $0x3  }
0x33: {  	p0 =	seq.s32 s10, $0x1;
	s10 =	sld [smem:$0x3FB9];
	_ =	sdelay $0x3  }
0x34: {  	[smem:$0x3FB9] =	sst s10  }
0x35: {  	s10 =	sld [smem:$0x3FB8];
	_ =	sdelay $0x3  }
0x36: {  	p1 =	seq.s32 s10, $0x1;
	s10 =	sld [smem:$0x3FB9];
	_ =	sdelay $0x3  }
0x37: {  	[smem:$0x3FB9] =	sst s10  }
0x38: {  	s10 =	sld [smem:$0x3FBA]  }
0x39: {  	_ = 	snop;
	(pc) =	sbr.ind lr, $3  }
0x3a: {  	_ = 	snop  }
0x3b: {  	_ = 	snop  }
0x3c: {  	p2 =	seq.s32 s10, $0x1;
	s10 =	sld [smem:$0x3FB9]  }
0x3d: {  	_ =	shalt  }
0x3e: {  	_ =	shalt  }
0x3f: {  	_ =	shalt  }
0x40: {  	_ =	shalt  }
0x41: {  	_ =	shalt  }
0x42: {  	_ =	shalt  }
0x43: {  	_ =	shalt  }
0x44: {  	_ =	shalt  }
0x45: {  	_ =	shalt  }
0x46: {  	_ =	shalt  }
0x47: {  	_ =	shalt  }
0x48: {  	_ =	shalt  }
0x49: {  	_ =	shalt  }
0x4a: {  	_ =	shalt  }
0x4b: {  	_ =	shalt  }
0x4c: {  	_ =	shalt  }
0x4d: {  	_ =	shalt  }
0x4e: {  	_ =	shalt  }
0x4f: {  	_ =	shalt  }
0x50: {  	_ =	shalt  }
0x51: {  	_ =	shalt  }
0x52: {  	_ =	shalt  }
0x53: {  	_ =	shalt  }
0x54: {  	_ =	shalt  }
0x55: {  	_ =	shalt  }
0x56: {  	_ =	shalt  }
0x57: {  	_ =	shalt  }
0x58: {  	_ =	shalt  }
0x59: {  	_ =	shalt  }
0x5a: {  	_ =	shalt  }
0x5b: {  	_ =	shalt  }
0x5c: {  	_ =	shalt  }
0x5d: {  	_ =	shalt  }
0x5e: {  	_ =	shalt  }
0x5f: {  	_ =	shalt  }
0x60: {  	_ =	shalt  }
0x61: {  	_ =	shalt  }
0x62: {  	_ =	shalt  }
0x63: {  	_ =	shalt  }
0x64: {  	_ =	shalt  }
0x65: {  	_ =	shalt  }
0x66: {  	_ =	shalt  }
0x67: {  	_ =	shalt  }
0x68: {  	_ =	shalt  }
0x69: {  	_ =	shalt  }
0x6a: {  	_ =	shalt  }
0x6b: {  	_ =	shalt  }
0x6c: {  	_ =	shalt  }
0x6d: {  	_ =	shalt  }
0x6e: {  	_ =	shalt  }
0x6f: {  	_ =	shalt  }
0x70: {  	_ =	shalt  }
0x71: {  	_ =	shalt  }
0x72: {  	_ =	shalt  }
0x73: {  	_ =	shalt  }
0x74: {  	_ =	shalt  }
0x75: {  	_ =	shalt  }
0x76: {  	_ =	shalt  }
0x77: {  	_ =	shalt  }
0x78: {  	_ =	shalt  }
0x79: {  	_ =	shalt  }
0x7a: {  	_ =	shalt  }
0x7b: {  	_ =	shalt  }
0x7c: {  	_ =	shalt  }
0x7d: {  	_ =	shalt  }
0x7e: {  	_ =	shalt  }
0x7f: {  	_ =	shalt  }
0x80: {  	_ =	shalt  }
0x81: {  	_ =	shalt  }
0x82: {  	_ =	shalt  }
0x83: {  	_ =	shalt  }
0x84: {  	_ =	shalt  }
0x85: {  	_ =	shalt  }
0x86: {  	_ =	shalt  }
0x87: {  	_ =	shalt  }
.Lfunc_end0:
.L_simem_size_0:
called_computation.1_lowered:
.L_overlay_start_0:
0x88: {  	s2 =	sld [smem:$0x3FD9]  }
0x89: {  	s3 =	sld [smem:$0x3FFE];
	_ =	sdelay $0x1  }
0x8a: {  	s1 =	srdreg.scid  }
0x8b: {  	s0 =	sand.u32 $0x1, s1  }
0x8c: {  	s17 =	sshll.u32 s0, $0xA;
	s2 =	sadd.s32 s3, s2  }
0x8d: {  	s2 =	sadd.s32 s2, s17  }
0x8e: {  	[smem:$0x3FC5] =	sst s2  }
0x8f: {  	_ = 	snop  }
0x90: {  	s2 =	sld [smem:$0x3FD0];
	(tm) =	ssettm $0x1  }
0x91: {  	s18 =	sld [smem:$0x3FFB];
	_ =	sdelay $0x3  }
0x92: {  	_ =	strace s18  }
0x93: {  	s3 =	sld [smem:$0x3FFC];
	_ =	sdelay $0x3  }
0x94: {  	_ =	strace s3  }
0x95: {  	s3 =	sld [smem:$0x3FFD];
	_ =	sdelay $0x3  }
0x96: {  	_ =	strace s3  }
0x97: {  	_ =	strace $0x8FFFFFFF  }
0x98: {  	s19 =	sld [smem:$0x3FDB];
	_ =	sdelay $0x1  }
0x99: {  	s4 =	simm.s32 $_scs_section_size  }
0x9a: {  	s5 =	simm.s32 $_size__tile_overlayer_lowered;
	s6 =	simm.s32 $_tile_overlayer_lowered  }
0x9b: {  	s22 =	simm.s32 $0x1BFF;
	s21 =	sshll.u32 s6, $0x1;
	s3 =	sadd.s32 s4, s19  }
0x9c: {  	s7 =	simm.s32 $0x0;
	s20 =	sshll.u32 s5, $0x1;
	s5 =	sadd.s32 s21, s3  }
0x9d: {  	[timem:s7], [sflag:s22] =	dma.local [hbm:s5], s20  }
0x9e: {  	_ =	swait.ge [sflag:s22], s20  }
0x9f: {  	s4 =	ssub.s32 $0x0, s20;
	[sflag:s22] =	ssyncset.done $0x0  }
0xa0: {  	[sflag:s22] =	ssyncadd.s32 s4;
	_ =	sdelay $0x1  }
0xa1: {  	s23 =	simm.s32 $0x1B8B  }
0xa2: {  	_ =	swait.ge [sflag:s23], $0x1  }
0xa3: {  	[sflag:s23] =	ssyncset.done $0x0  }
0xa4: {  	s25 =	simm.s32 $0x1B8E;
	s24 =	sld [smem:$0x3FFE];
	[sflag:s23] =	ssyncadd.s32 $0xFFFFFFFF  }
0xa5: {  	s26 =	simm.s32 $execute0_lowered;
	[smem:$0x3FD2] =	sst s25  }
0xa6: {  	s5 =	sshll.u32 s26, $0x1;
	_ =	strace $0x80000046;
	[dreg:$0x1] =	wrdreg $0xFFFFFFFF  }
0xa7: {  	s28 =	simm.s32 $_size_execute0_lowered;
	s3 =	sadd.s32 s3, s5;
	[dreg:$0x0] =	wrdreg $0x0  }
0xa8: {  	s5 =	sshll.u32 s28, $0x1;
	[dreg:$0x2] =	wrdreg s3  }
0xa9: {  	[dreg:$0x3] =	wrdreg s5  }
0xaa: {  	[dreg:$0x4] =	wrdreg $0xC0  }
0xab: {  	_ =	task [dreg:s7], $0x5FFFF  }
0xac: {  	[dreg:$0x1] =	wrdreg $0xFFFFFFFF  }
0xad: {  	[dreg:$0x0] =	wrdreg $0x60  }
0xae: {  	[dreg:$0x2] =	wrdreg s24  }
0xaf: {  	[dreg:$0x3] =	wrdreg s2  }
0xb0: {  	[dreg:$0x4] =	wrdreg $0x9  }
0xb1: {  	_ =	task.clear_ibuf [dreg:s7], $0x5FFFF;
	_ =	strace $0x90000046  }
0xb2: {  	s29 =	simm.s32 $0x9;
	_ =	strace $0x80000048  }
0xb3: {  	_ =	swait.ge [sflag:s29], $0x1  }
0xb4: {  	[sflag:s29] =	ssyncadd.s32 $0xFFFFFFFF  }
0xb5: {  	_ =	strace $0x90000048  }
0xb6: {  	_ =	sfence  }
0xb7: {  	s30 =	sld [smem:$0x0];
	_ =	sdelay $0x2  }
0xb8: {  	s31 =	sshll.u32 s1, $0xD;
	s1 =	sshrl.u32 s1, $0x2  }
0xb9: {  	s3 =	sand.u32 $0x4000, s31;
	s1 =	sadd.s32 s1, s30  }
0xba: {  	s0 =	sor.u32 s3, s0;
	s1 =	sshll.u32 s1, $0x11  }
0xbb: {  	s0 =	sor.u32 s1, s0  }
0xbc: {  	s0 =	sadd.s32 $0x8F2B, s0  }
0xbd: {  	[sflag:s0] =	ssyncadd.remote.s32 $0x1  }
0xbe: {  	_ =	sfence.sel $0xFFFF  }
0xbf: {  	[dreg:$0x0] =	wrdreg $0xFFFFFFFF;
	(pc) =	sbr.abs _section_cstart, $3  }
0xc0: {  	[dreg:$0x1] =	wrdreg $0xFFFFFFFF  }
0xc1: {  	_ =	task.clear_ibuf [dreg:s7], $0x2FFFF;
	_ =	strace $0x9FFFFFFF  }
0xc2: {  	(tm) =	ssettm $0x7FFFFFFF  }
0xc3: {  	_ =	shalt  }
tec
execute0_lowered:
.L_overlay_start_1:
0x0: {  	(tag) =	ssettag $0x1  }
0x1: {  	s0 =	rddreg [dreg:$0x0];
	s1 =	srdreg.scid  }
0x2: {  	s3 =	stileid.u32;
	s2 =	rddreg [dreg:$0x1]  }
0x3: {  	s17 =	simm.s32 $0x80;
	s18 =	simm.s32 $0x400;
	s24 =	simm.s32 $0x200  }
0x4: {  	s25 =	simm.s32 $0x2;
	s26 =	simm.s32 $0x4400;
	s14 =	simm.s32 $0x3  }
0x5: {  	s19 =	simm.s32 $0x4;
	s1 =	sand.u32 $0x1, s1;
	s4 =	sshll.u32 s3, $0x1  }
0x6: {  	s3 =	simm.s32 $0x0;
	s5 =	sadd.s32 $0xF43000, s0;
	s6 =	sor.u32 s1, s4  }
0x7: {  	[smem:$0x7FF] =	sst s3;
	s4 =	sadd.s32 $0xC00, s0;
	s0 =	sadd.s32 $0x19C00, s0  }
0x8: {  	s30 =	ssub.s32 $0x2, s1;
	s7 =	smul.u32 $0x6400, s6;
	_ =	strace $0x80000047  }
0x9: {  	[dreg:$0x3] =	wrdreg s0;
	s9 =	sshrl.u32 s30, $0x1;
	s8 =	smul.u32 $0xC8000, s6  }
.Ltmp0:
0xa: {  	s0 =	ssub.s32 s30, s9;
	s9 =	simm.s32 $0x0;
	(pc) =	sbr.rel .LBB2_1-.Ltmp0, $4  }
0xb: {  	s31 =	sshrl.u32 s7, $0x3;
	s10 =	sadd.s32 $0x400, s7;
	s0 =	smax.u32 s0, $0x1  }
0xc: {  	s11 =	sor.u32 $0x4000, s8;
	s1 =	sadd.s32 s4, s31;
	[dreg:$0x6] =	wrdreg s0  }
0xd: {  	s12 =	sadd.s32 $0x600, s7;
	[dreg:$0x4] =	wrdreg s1;
	s1 =	sadd.s32 $0x40, s1  }
0xe: {  	s0 =	simm.s32 $0x7400;
	[dreg:$0x5] =	wrdreg s1;
	s1 =	simm.s32 $0x380  }
.LBB2_14:
0xf: {  	s6 =	simm.s32 $0x5  }
0x10: {  	_ =	swait.ge [sflag:s6], $0x4000  }
0x11: {  	[sflag:s6] =	ssyncset.done $0x0  }
0x12: {  	s7 =	simm.s32 $0x6;
	[sflag:s6] =	ssyncadd.s32 $0xFFFFC000  }
0x13: {  	_ =	swait.ge [sflag:s7], $0x4000  }
0x14: {  	s9 =	rddreg [dreg:$0x7]  }
0x15: {  	s31 =	rddreg [dreg:$0x6];
	s9 =	sadd.s32 $0x1, s9  }
0x16: {  	p0 =	sne.s32 s9, s31  }
.Ltmp1:
0x17: {  	_ = 	snop;
	(pc) =	sbr.rel @!p0 .LBB2_15-.Ltmp1, $3  }
0x18: {  	_ =	sdelay $0x1  }
0x19: {  	[sflag:s7] =	ssyncset.done $0x0  }
0x1a: {  	[sflag:s7] =	ssyncadd.s32 $0xFFFFC000  }
.LBB2_1:
0x1b: {  	[dreg:$0x7] =	wrdreg s9  }
0x1c: {  	s6 =	rddreg [dreg:$0x3];
	s7 =	simm.s32 $0x8400;
	s16 =	simm.s32 $0x7  }
0x1d: {  	[tilespmem:s7], [sflag:$0x7] =	stream.linear.gather [hbm4b:s6+s3], $0xC80, $0x38;
	[tilespmem:$0x9080] =	vst v63  }
0x1e: {  	_ =	swait.ge [sflag:s16], $0xC80  }
0x1f: {  	[sflag:s16] =	ssyncset.done $0x0  }
0x20: {  	s21 =	simm.s32 $0x1;
	s20 =	rddreg [dreg:$0x4];
	[sflag:s16] =	ssyncadd.s32 $0xFFFFF380  }
0x21: {  	[tilespmem:s3], [sflag:$0x1] =	stream.linear.gather [hbm4b:s20+s3], $0x200, $0x38;
	[tilespmem:$0x9080] =	vst v63  }
0x22: {  	_ =	swait.ge [sflag:s21], $0x200  }
0x23: {  	[sflag:s21] =	ssyncset.done $0x0  }
0x24: {  	[sflag:s21] =	ssyncadd.s32 $0xFFFFFE00  }
0x25: {  	[tilespmem:s18], [sflag:$0x3] =	stream.indirect.gather [hbm4b:s5+s17], $0x20, s3, s17, $0xb8;
	[tilespmem:$0x9080] =	vst v63  }
0x26: {  	s22 =	simm.s32 $0x1400  }
0x27: {  	[tilespmem:s22], [sflag:$0x3] =	stream.indirect.gather [hbm4b:s5+s17], $0x20, s17, s17, $0xb8;
	[tilespmem:$0x9080] =	vst v63  }
0x28: {  	s23 =	simm.s32 $0x100;
	s28 =	simm.s32 $0x2400  }
0x29: {  	[tilespmem:s28], [sflag:$0x3] =	stream.indirect.gather [hbm4b:s5+s17], $0x20, s23, s17, $0xb8;
	[tilespmem:$0x9080] =	vst v63  }
0x2a: {  	s29 =	simm.s32 $0x180;
	s30 =	simm.s32 $0x3400  }
0x2b: {  	[tilespmem:s30], [sflag:$0x3] =	stream.indirect.gather [hbm4b:s5+s17], $0x20, s29, s17, $0xb8;
	[tilespmem:$0x9080] =	vst v63  }
0x2c: {  	s31 =	rddreg [dreg:$0x5];
	s23 =	simm.s32 $0x0  }
0x2d: {  	[tilespmem:s24], [sflag:$0x2] =	stream.linear.gather [hbm4b:s31+s3], $0x200, $0x38;
	[tilespmem:$0x9080] =	vst v63  }
.LBB2_2:
0x2e: {  	_ =	swait.ge [sflag:s25], $0x200  }
0x2f: {  	p0 =	seq.s32 s23, $0x0;
	[sflag:s25] =	ssyncset.done $0x0  }
0x30: {  	s6 =	simm.s32 @!p0 $0x6;
	[sflag:s25] =	ssyncadd.s32 $0xFFFFFE00  }
0x31: {  	_ =	swait.ge @!p0 [sflag:s6], $0x4000  }
0x32: {  	[sflag:s6] =	ssyncset.done @!p0 $0x0  }
0x33: {  	[sflag:s6] =	ssyncadd.s32 @!p0 $0xFFFFC000  }
0x34: {  	[tilespmem:s26], [sflag:$0x4] =	stream.indirect.gather [hbm4b:s5+s17], $0x20, s24, s17, $0xb8;
	[tilespmem:$0x9080] =	vst v63  }
0x35: {  	s29 =	simm.s32 $0x280;
	s7 =	simm.s32 $0x5400  }
0x36: {  	[tilespmem:s7], [sflag:$0x4] =	stream.indirect.gather [hbm4b:s5+s17], $0x20, s29, s17, $0xb8;
	[tilespmem:$0x9080] =	vst v63  }
0x37: {  	s30 =	simm.s32 $0x300;
	s31 =	simm.s32 $0x6400  }
0x38: {  	[tilespmem:s31], [sflag:$0x4] =	stream.indirect.gather [hbm4b:s5+s17], $0x20, s30, s17, $0xb8;
	[tilespmem:$0x9080] =	vst v63  }
0x39: {  	s9 =	simm.s32 $0x0  }
0x3a: {  	[tilespmem:s0], [sflag:$0x4] =	stream.indirect.gather [hbm4b:s5+s17], $0x20, s1, s17, $0xb8;
	[tilespmem:$0x9080] =	vst v63  }
0x3b: {  	v1 =	vld [tilespmem:s9+$0x0]  }
0x3c: {  	v0 =	vimm.s32 $0x0;
	s6 =	sshll.u32 s23, $0xA;
	s7 =	simm.s32 $0x40  }
.LBB2_3:
0x3d: {  	p0 =	sne.s32 s7, $0x7C0  }
.Ltmp2:
0x3e: {  	_ = 	snop;
	(pc) =	sbr.rel @p0 .LBB2_3-.Ltmp2, $4  }
0x3f: {  	_ = 	snop  }
0x40: {  	s9 =	sshra.s32 s7, $0x2;
	s7 =	sadd.s32 $0x40, s7;
	v2 =	vadd.s32 $0xFFFFFF9C, v1  }
0x41: {  	v1 =	vld [tilespmem:s9+$0x0];
	v2 =	vshra.s32 v2, $0x1F  }
0x42: {  	v0 =	vor.u32 v0, v2  }
0x43: {  	_ =	sdelay $0x2  }
0x44: {  	v1 =	vadd.s32 $0xFFFFFF9C, v1  }
0x45: {  	v1 =	vshra.s32 v1, $0x1F  }
0x46: {  	v0 =	vor.u32 v0, v1  }
0x47: {  	(v2sf) =	vpush v0, $0x0  }
0x48: {  	(v2sf) =	vpush v0, $0x1  }
0x49: {  	(v2sf) =	vpush v0, $0x2  }
0x4a: {  	(v2sf) =	vpush v0, $0x3  }
0x4b: {  	(v2sf) =	vpush v0, $0x4  }
0x4c: {  	(v2sf) =	vpush v0, $0x5  }
0x4d: {  	(v2sf) =	vpush v0, $0x6  }
0x4e: {  	(v2sf) =	vpush v0, $0x7  }
0x4f: {  	(v2sf) =	vpush v0, $0x8  }
0x50: {  	(v2sf) =	vpush v0, $0x9  }
0x51: {  	(v2sf) =	vpush v0, $0xA  }
0x52: {  	(v2sf) =	vpush v0, $0xB  }
0x53: {  	(v2sf) =	vpush v0, $0xC  }
0x54: {  	(v2sf) =	vpush v0, $0xD  }
0x55: {  	(v2sf) =	vpush v0, $0xE  }
0x56: {  	s7 =	spop (v2sf);
	(v2sf) =	vpush v0, $0xF  }
0x57: {  	s9 =	spop (v2sf)  }
0x58: {  	s13 =	spop (v2sf)  }
0x59: {  	s15 =	spop (v2sf)  }
0x5a: {  	s16 =	spop (v2sf)  }
0x5b: {  	s20 =	spop (v2sf)  }
0x5c: {  	s21 =	spop (v2sf)  }
0x5d: {  	s7 =	sor.u32 s9, s7;
	s22 =	spop (v2sf)  }
0x5e: {  	s7 =	sor.u32 s13, s7;
	s28 =	spop (v2sf)  }
0x5f: {  	s7 =	sor.u32 s15, s7;
	s29 =	spop (v2sf)  }
0x60: {  	s7 =	sor.u32 s16, s7;
	s30 =	spop (v2sf)  }
0x61: {  	s7 =	sor.u32 s20, s7;
	s9 =	spop (v2sf)  }
0x62: {  	s7 =	sor.u32 s21, s7;
	s13 =	spop (v2sf)  }
0x63: {  	s7 =	sor.u32 s22, s7;
	s15 =	spop (v2sf)  }
0x64: {  	s7 =	sor.u32 s28, s7;
	s16 =	spop (v2sf)  }
0x65: {  	s7 =	sor.u32 s29, s7;
	s31 =	spop (v2sf)  }
0x66: {  	s7 =	sor.u32 s30, s7;
	_ =	swait.ge [sflag:s14], $0x1000  }
0x67: {  	s7 =	sor.u32 s9, s7;
	[sflag:s14] =	ssyncset.done $0x0  }
0x68: {  	s7 =	sor.u32 s13, s7;
	[sflag:s14] =	ssyncadd.s32 $0xFFFFF000  }
0x69: {  	s7 =	sor.u32 s15, s7;
	_ =	swait.ge [sflag:s14], $0x1000  }
0x6a: {  	s7 =	sor.u32 s16, s7;
	[sflag:s14] =	ssyncset.done $0x0  }
0x6b: {  	s7 =	sor.u32 s31, s7;
	[sflag:s14] =	ssyncadd.s32 $0xFFFFF000  }
0x6c: {  	p0 =	seq.s32 s7, $0x0;
	_ =	swait.ge [sflag:s14], $0x1000  }
.Ltmp3:
0x6d: {  	[sflag:s14] =	ssyncset.done $0x0;
	(pc) =	sbr.rel @p0 .LBB2_7-.Ltmp3, $4  }
0x6e: {  	[sflag:s14] =	ssyncadd.s32 $0xFFFFF000  }
0x6f: {  	_ =	swait.ge [sflag:s14], $0x1000  }
0x70: {  	[sflag:s14] =	ssyncset.done $0x0  }
0x71: {  	[sflag:s14] =	ssyncadd.s32 $0xFFFFF000  }
0x72: {  	s9 =	simm.s32 $0x0;
	s13 =	simm.s32 $0x500  }
.LBB2_6:
0x73: {  	s7 =	sshra.s32 s9, $0x2  }
0x74: {  	v0 =	vld [tilespmem:s7+$0x0];
	_ =	sdelay $0x4  }
0x75: {  	(v2sf) =	vpush v0, $0x0;
	_ =	sdelay $0xe  }
0x76: {  	s20 =	spop (v2sf)  }
0x77: {  	p0 =	slt.s32 s20, $0x64;
	s7 =	sshll.u32 s20, $0x5  }
0x78: {  	v2 =	vld [tilespmem:s13+$0xFFFFFF00];
	s7 =	simm.s32 @!p0 $0x0  }
0x79: {  	v1 =	vld [tilespmem:s7+$0x8400];
	_ =	sdelay $0x4  }
0x7a: {  	s15 =	simm.f32 $1.000000000e+00;
	v1 =	vsub.f32 v1, v2  }
0x7b: {  	(v2sf) =	vpush v0, $0x1;
	s15 =	simm.s32 @!p0 $0x0  }
0x7c: {  	v1 =	vmul.f32 s15, v1;
	_ =	sdelay $0x1  }
0x7d: {  	v1 =	vadd.f32 v1, v2;
	_ =	sdelay $0x1  }
0x7e: {  	v32 =	vld [tilespmem:s13+$0xFFFFFF10];
	[tilespmem:s13+$0xFFFFFF00] =	vst v1  }
0x7f: {  	v1 =	vld [tilespmem:s7+$0x8410];
	_ =	sdelay $0x4  }
0x80: {  	v1 =	vsub.f32 v1, v32;
	_ =	sdelay $0x1  }
0x81: {  	v1 =	vmul.f32 s15, v1;
	_ =	sdelay $0x1  }
0x82: {  	s21 =	spop (v2sf);
	v1 =	vadd.f32 v1, v32  }
0x83: {  	p0 =	slt.s32 s21, $0x64;
	s7 =	sshll.u32 s21, $0x5  }
0x84: {  	v33 =	vld [tilespmem:s13+$0xFFFFFF20];
	s7 =	simm.s32 @!p0 $0x0;
	[tilespmem:s13+$0xFFFFFF10] =	vst v1  }
0x85: {  	v1 =	vld [tilespmem:s7+$0x8400];
	_ =	sdelay $0x4  }
0x86: {  	s15 =	simm.f32 $1.000000000e+00;
	v1 =	vsub.f32 v1, v33  }
0x87: {  	(v2sf) =	vpush v0, $0x2;
	s15 =	simm.s32 @!p0 $0x0  }
0x88: {  	v1 =	vmul.f32 s15, v1;
	_ =	sdelay $0x1  }
0x89: {  	v1 =	vadd.f32 v1, v33;
	_ =	sdelay $0x1  }
0x8a: {  	v34 =	vld [tilespmem:s13+$0xFFFFFF30];
	[tilespmem:s13+$0xFFFFFF20] =	vst v1  }
0x8b: {  	v1 =	vld [tilespmem:s7+$0x8410];
	_ =	sdelay $0x4  }
0x8c: {  	v1 =	vsub.f32 v1, v34;
	_ =	sdelay $0x1  }
0x8d: {  	v1 =	vmul.f32 s15, v1;
	_ =	sdelay $0x1  }
0x8e: {  	s22 =	spop (v2sf);
	v1 =	vadd.f32 v1, v34  }
0x8f: {  	p0 =	slt.s32 s22, $0x64;
	s7 =	sshll.u32 s22, $0x5  }
0x90: {  	v35 =	vld [tilespmem:s13+$0xFFFFFF40];
	s7 =	simm.s32 @!p0 $0x0;
	[tilespmem:s13+$0xFFFFFF30] =	vst v1  }
0x91: {  	v1 =	vld [tilespmem:s7+$0x8400];
	_ =	sdelay $0x4  }
0x92: {  	s15 =	simm.f32 $1.000000000e+00;
	v1 =	vsub.f32 v1, v35  }
0x93: {  	(v2sf) =	vpush v0, $0x3;
	s15 =	simm.s32 @!p0 $0x0  }
0x94: {  	v1 =	vmul.f32 s15, v1;
	_ =	sdelay $0x1  }
0x95: {  	v1 =	vadd.f32 v1, v35;
	_ =	sdelay $0x1  }
0x96: {  	v36 =	vld [tilespmem:s13+$0xFFFFFF50];
	[tilespmem:s13+$0xFFFFFF40] =	vst v1  }
0x97: {  	v1 =	vld [tilespmem:s7+$0x8410];
	_ =	sdelay $0x4  }
0x98: {  	v1 =	vsub.f32 v1, v36;
	_ =	sdelay $0x1  }
0x99: {  	v1 =	vmul.f32 s15, v1;
	_ =	sdelay $0x1  }
0x9a: {  	s28 =	spop (v2sf);
	v1 =	vadd.f32 v1, v36  }
0x9b: {  	p0 =	slt.s32 s28, $0x64;
	s7 =	sshll.u32 s28, $0x5  }
0x9c: {  	v37 =	vld [tilespmem:s13+$0xFFFFFF60];
	s7 =	simm.s32 @!p0 $0x0;
	[tilespmem:s13+$0xFFFFFF50] =	vst v1  }
0x9d: {  	v1 =	vld [tilespmem:s7+$0x8400];
	_ =	sdelay $0x4  }
0x9e: {  	s15 =	simm.f32 $1.000000000e+00;
	v1 =	vsub.f32 v1, v37  }
0x9f: {  	(v2sf) =	vpush v0, $0x4;
	s15 =	simm.s32 @!p0 $0x0  }
0xa0: {  	v1 =	vmul.f32 s15, v1;
	_ =	sdelay $0x1  }
0xa1: {  	v1 =	vadd.f32 v1, v37;
	_ =	sdelay $0x1  }
0xa2: {  	v38 =	vld [tilespmem:s13+$0xFFFFFF70];
	[tilespmem:s13+$0xFFFFFF60] =	vst v1  }
0xa3: {  	v1 =	vld [tilespmem:s7+$0x8410];
	_ =	sdelay $0x4  }
0xa4: {  	v1 =	vsub.f32 v1, v38;
	_ =	sdelay $0x1  }
0xa5: {  	v1 =	vmul.f32 s15, v1;
	_ =	sdelay $0x1  }
0xa6: {  	s29 =	spop (v2sf);
	v1 =	vadd.f32 v1, v38  }
0xa7: {  	p0 =	slt.s32 s29, $0x64;
	s7 =	sshll.u32 s29, $0x5  }
0xa8: {  	v39 =	vld [tilespmem:s13+$0xFFFFFF80];
	s7 =	simm.s32 @!p0 $0x0;
	[tilespmem:s13+$0xFFFFFF70] =	vst v1  }
0xa9: {  	v1 =	vld [tilespmem:s7+$0x8400];
	_ =	sdelay $0x4  }
0xaa: {  	s15 =	simm.f32 $1.000000000e+00;
	v1 =	vsub.f32 v1, v39  }
0xab: {  	(v2sf) =	vpush v0, $0x5;
	s15 =	simm.s32 @!p0 $0x0  }
0xac: {  	v1 =	vmul.f32 s15, v1;
	_ =	sdelay $0x1  }
0xad: {  	v1 =	vadd.f32 v1, v39;
	_ =	sdelay $0x1  }
0xae: {  	v40 =	vld [tilespmem:s13+$0xFFFFFF90];
	[tilespmem:s13+$0xFFFFFF80] =	vst v1  }
0xaf: {  	v1 =	vld [tilespmem:s7+$0x8410];
	_ =	sdelay $0x4  }
0xb0: {  	v1 =	vsub.f32 v1, v40;
	_ =	sdelay $0x1  }
0xb1: {  	v1 =	vmul.f32 s15, v1;
	_ =	sdelay $0x1  }
0xb2: {  	s30 =	spop (v2sf);
	v1 =	vadd.f32 v1, v40  }
0xb3: {  	p0 =	slt.s32 s30, $0x64;
	s7 =	sshll.u32 s30, $0x5  }
0xb4: {  	v41 =	vld [tilespmem:s13+$0xFFFFFFA0];
	s7 =	simm.s32 @!p0 $0x0;
	[tilespmem:s13+$0xFFFFFF90] =	vst v1  }
0xb5: {  	v1 =	vld [tilespmem:s7+$0x8400];
	_ =	sdelay $0x4  }
0xb6: {  	s15 =	simm.f32 $1.000000000e+00;
	v1 =	vsub.f32 v1, v41  }
0xb7: {  	(v2sf) =	vpush v0, $0x6;
	s15 =	simm.s32 @!p0 $0x0  }
0xb8: {  	v1 =	vmul.f32 s15, v1;
	_ =	sdelay $0x1  }
0xb9: {  	v1 =	vadd.f32 v1, v41;
	_ =	sdelay $0x1  }
0xba: {  	v42 =	vld [tilespmem:s13+$0xFFFFFFB0];
	[tilespmem:s13+$0xFFFFFFA0] =	vst v1  }
0xbb: {  	v1 =	vld [tilespmem:s7+$0x8410];
	_ =	sdelay $0x4  }
0xbc: {  	v1 =	vsub.f32 v1, v42;
	_ =	sdelay $0x1  }
0xbd: {  	v1 =	vmul.f32 s15, v1;
	_ =	sdelay $0x1  }
0xbe: {  	s31 =	spop (v2sf);
	v1 =	vadd.f32 v1, v42  }
0xbf: {  	p0 =	slt.s32 s31, $0x64;
	s7 =	sshll.u32 s31, $0x5  }
0xc0: {  	v43 =	vld [tilespmem:s13+$0xFFFFFFC0];
	s7 =	simm.s32 @!p0 $0x0;
	[tilespmem:s13+$0xFFFFFFB0] =	vst v1  }
0xc1: {  	v1 =	vld [tilespmem:s7+$0x8400];
	_ =	sdelay $0x4  }
0xc2: {  	s15 =	simm.f32 $1.000000000e+00;
	v1 =	vsub.f32 v1, v43  }
0xc3: {  	(v2sf) =	vpush v0, $0x7;
	s15 =	simm.s32 @!p0 $0x0  }
0xc4: {  	v1 =	vmul.f32 s15, v1;
	_ =	sdelay $0x1  }
0xc5: {  	v1 =	vadd.f32 v1, v43;
	_ =	sdelay $0x1  }
0xc6: {  	v44 =	vld [tilespmem:s13+$0xFFFFFFD0];
	[tilespmem:s13+$0xFFFFFFC0] =	vst v1  }
0xc7: {  	v1 =	vld [tilespmem:s7+$0x8410];
	_ =	sdelay $0x4  }
0xc8: {  	v1 =	vsub.f32 v1, v44;
	_ =	sdelay $0x1  }
0xc9: {  	v1 =	vmul.f32 s15, v1;
	_ =	sdelay $0x1  }
0xca: {  	s15 =	spop (v2sf);
	v1 =	vadd.f32 v1, v44  }
0xcb: {  	p0 =	slt.s32 s15, $0x64;
	s7 =	sshll.u32 s15, $0x5  }
0xcc: {  	v45 =	vld [tilespmem:s13+$0xFFFFFFE0];
	s7 =	simm.s32 @!p0 $0x0;
	[tilespmem:s13+$0xFFFFFFD0] =	vst v1  }
0xcd: {  	v1 =	vld [tilespmem:s7+$0x8400];
	_ =	sdelay $0x4  }
0xce: {  	s15 =	simm.f32 $1.000000000e+00;
	v1 =	vsub.f32 v1, v45  }
0xcf: {  	(v2sf) =	vpush v0, $0x8;
	s15 =	simm.s32 @!p0 $0x0  }
0xd0: {  	v1 =	vmul.f32 s15, v1;
	_ =	sdelay $0x1  }
0xd1: {  	v1 =	vadd.f32 v1, v45;
	_ =	sdelay $0x1  }
0xd2: {  	v46 =	vld [tilespmem:s13+$0xFFFFFFF0];
	[tilespmem:s13+$0xFFFFFFE0] =	vst v1  }
0xd3: {  	v1 =	vld [tilespmem:s7+$0x8410];
	_ =	sdelay $0x4  }
0xd4: {  	v1 =	vsub.f32 v1, v46;
	_ =	sdelay $0x1  }
0xd5: {  	v1 =	vmul.f32 s15, v1;
	_ =	sdelay $0x1  }
0xd6: {  	s16 =	spop (v2sf);
	v1 =	vadd.f32 v1, v46  }
0xd7: {  	p0 =	slt.s32 s16, $0x64;
	s7 =	sshll.u32 s16, $0x5  }
0xd8: {  	v47 =	vld [tilespmem:s13+$0x0];
	s7 =	simm.s32 @!p0 $0x0;
	[tilespmem:s13+$0xFFFFFFF0] =	vst v1  }
0xd9: {  	v1 =	vld [tilespmem:s7+$0x8400];
	_ =	sdelay $0x4  }
0xda: {  	s15 =	simm.f32 $1.000000000e+00;
	v1 =	vsub.f32 v1, v47  }
0xdb: {  	(v2sf) =	vpush v0, $0x9;
	s15 =	simm.s32 @!p0 $0x0  }
0xdc: {  	v1 =	vmul.f32 s15, v1;
	_ =	sdelay $0x1  }
0xdd: {  	v1 =	vadd.f32 v1, v47;
	_ =	sdelay $0x1  }
0xde: {  	v48 =	vld [tilespmem:s13+$0x10];
	[tilespmem:s13+$0x0] =	vst v1  }
0xdf: {  	v1 =	vld [tilespmem:s7+$0x8410];
	_ =	sdelay $0x4  }
0xe0: {  	v1 =	vsub.f32 v1, v48;
	_ =	sdelay $0x1  }
0xe1: {  	v1 =	vmul.f32 s15, v1;
	_ =	sdelay $0x1  }
0xe2: {  	s20 =	spop (v2sf);
	v1 =	vadd.f32 v1, v48  }
0xe3: {  	p0 =	slt.s32 s20, $0x64;
	s7 =	sshll.u32 s20, $0x5  }
0xe4: {  	v49 =	vld [tilespmem:s13+$0x20];
	s7 =	simm.s32 @!p0 $0x0;
	[tilespmem:s13+$0x10] =	vst v1  }
0xe5: {  	v1 =	vld [tilespmem:s7+$0x8400];
	_ =	sdelay $0x4  }
0xe6: {  	s15 =	simm.f32 $1.000000000e+00;
	v1 =	vsub.f32 v1, v49  }
0xe7: {  	(v2sf) =	vpush v0, $0xA;
	s15 =	simm.s32 @!p0 $0x0  }
0xe8: {  	v1 =	vmul.f32 s15, v1;
	_ =	sdelay $0x1  }
0xe9: {  	v1 =	vadd.f32 v1, v49;
	_ =	sdelay $0x1  }
0xea: {  	v50 =	vld [tilespmem:s13+$0x30];
	[tilespmem:s13+$0x20] =	vst v1  }
0xeb: {  	v1 =	vld [tilespmem:s7+$0x8410];
	_ =	sdelay $0x4  }
0xec: {  	v1 =	vsub.f32 v1, v50;
	_ =	sdelay $0x1  }
0xed: {  	v1 =	vmul.f32 s15, v1;
	_ =	sdelay $0x1  }
0xee: {  	s21 =	spop (v2sf);
	v1 =	vadd.f32 v1, v50  }
0xef: {  	p0 =	slt.s32 s21, $0x64;
	s7 =	sshll.u32 s21, $0x5  }
0xf0: {  	v51 =	vld [tilespmem:s13+$0x40];
	s7 =	simm.s32 @!p0 $0x0;
	[tilespmem:s13+$0x30] =	vst v1  }
0xf1: {  	v1 =	vld [tilespmem:s7+$0x8400];
	_ =	sdelay $0x4  }
0xf2: {  	s15 =	simm.f32 $1.000000000e+00;
	v1 =	vsub.f32 v1, v51  }
0xf3: {  	(v2sf) =	vpush v0, $0xB;
	s15 =	simm.s32 @!p0 $0x0  }
0xf4: {  	v1 =	vmul.f32 s15, v1;
	_ =	sdelay $0x1  }
0xf5: {  	v1 =	vadd.f32 v1, v51;
	_ =	sdelay $0x1  }
0xf6: {  	v52 =	vld [tilespmem:s13+$0x50];
	[tilespmem:s13+$0x40] =	vst v1  }
0xf7: {  	v1 =	vld [tilespmem:s7+$0x8410];
	_ =	sdelay $0x4  }
0xf8: {  	v1 =	vsub.f32 v1, v52;
	_ =	sdelay $0x1  }
0xf9: {  	v1 =	vmul.f32 s15, v1;
	_ =	sdelay $0x1  }
0xfa: {  	s22 =	spop (v2sf);
	v1 =	vadd.f32 v1, v52  }
0xfb: {  	p0 =	slt.s32 s22, $0x64;
	s7 =	sshll.u32 s22, $0x5  }
0xfc: {  	v53 =	vld [tilespmem:s13+$0x60];
	s7 =	simm.s32 @!p0 $0x0;
	[tilespmem:s13+$0x50] =	vst v1  }
0xfd: {  	v1 =	vld [tilespmem:s7+$0x8400];
	_ =	sdelay $0x4  }
0xfe: {  	s15 =	simm.f32 $1.000000000e+00;
	v1 =	vsub.f32 v1, v53  }
0xff: {  	(v2sf) =	vpush v0, $0xC;
	s15 =	simm.s32 @!p0 $0x0  }
0x100: {  	v1 =	vmul.f32 s15, v1;
	_ =	sdelay $0x1  }
0x101: {  	v1 =	vadd.f32 v1, v53;
	_ =	sdelay $0x1  }
0x102: {  	v54 =	vld [tilespmem:s13+$0x70];
	[tilespmem:s13+$0x60] =	vst v1  }
0x103: {  	v1 =	vld [tilespmem:s7+$0x8410];
	_ =	sdelay $0x4  }
0x104: {  	v1 =	vsub.f32 v1, v54;
	_ =	sdelay $0x1  }
0x105: {  	v1 =	vmul.f32 s15, v1;
	_ =	sdelay $0x1  }
0x106: {  	s28 =	spop (v2sf);
	v1 =	vadd.f32 v1, v54  }
0x107: {  	p0 =	slt.s32 s28, $0x64;
	s7 =	sshll.u32 s28, $0x5  }
0x108: {  	v55 =	vld [tilespmem:s13+$0x80];
	s7 =	simm.s32 @!p0 $0x0;
	[tilespmem:s13+$0x70] =	vst v1  }
0x109: {  	v1 =	vld [tilespmem:s7+$0x8400];
	_ =	sdelay $0x4  }
0x10a: {  	s15 =	simm.f32 $1.000000000e+00;
	v1 =	vsub.f32 v1, v55  }
0x10b: {  	(v2sf) =	vpush v0, $0xD;
	s15 =	simm.s32 @!p0 $0x0  }
0x10c: {  	v1 =	vmul.f32 s15, v1;
	_ =	sdelay $0x1  }
0x10d: {  	v1 =	vadd.f32 v1, v55;
	_ =	sdelay $0x1  }
0x10e: {  	v56 =	vld [tilespmem:s13+$0x90];
	[tilespmem:s13+$0x80] =	vst v1  }
0x10f: {  	v1 =	vld [tilespmem:s7+$0x8410];
	_ =	sdelay $0x4  }
0x110: {  	v1 =	vsub.f32 v1, v56;
	_ =	sdelay $0x1  }
0x111: {  	v1 =	vmul.f32 s15, v1;
	_ =	sdelay $0x1  }
0x112: {  	s29 =	spop (v2sf);
	v1 =	vadd.f32 v1, v56  }
0x113: {  	p0 =	slt.s32 s29, $0x64;
	s7 =	sshll.u32 s29, $0x5  }
0x114: {  	v57 =	vld [tilespmem:s13+$0xA0];
	s7 =	simm.s32 @!p0 $0x0;
	[tilespmem:s13+$0x90] =	vst v1  }
0x115: {  	v1 =	vld [tilespmem:s7+$0x8400];
	_ =	sdelay $0x4  }
0x116: {  	s15 =	simm.f32 $1.000000000e+00;
	v1 =	vsub.f32 v1, v57  }
0x117: {  	(v2sf) =	vpush v0, $0xE;
	s15 =	simm.s32 @!p0 $0x0  }
0x118: {  	v1 =	vmul.f32 s15, v1;
	_ =	sdelay $0x1  }
0x119: {  	v1 =	vadd.f32 v1, v57;
	_ =	sdelay $0x1  }
0x11a: {  	v58 =	vld [tilespmem:s13+$0xB0];
	[tilespmem:s13+$0xA0] =	vst v1  }
0x11b: {  	v1 =	vld [tilespmem:s7+$0x8410];
	_ =	sdelay $0x4  }
0x11c: {  	v1 =	vsub.f32 v1, v58;
	_ =	sdelay $0x1  }
0x11d: {  	v1 =	vmul.f32 s15, v1;
	_ =	sdelay $0x1  }
0x11e: {  	s30 =	spop (v2sf);
	v1 =	vadd.f32 v1, v58  }
0x11f: {  	p0 =	slt.s32 s30, $0x64;
	s7 =	sshll.u32 s30, $0x5  }
0x120: {  	v59 =	vld [tilespmem:s13+$0xC0];
	s7 =	simm.s32 @!p0 $0x0;
	[tilespmem:s13+$0xB0] =	vst v1  }
0x121: {  	v1 =	vld [tilespmem:s7+$0x8400];
	_ =	sdelay $0x4  }
0x122: {  	s15 =	simm.f32 $1.000000000e+00;
	v1 =	vsub.f32 v1, v59  }
0x123: {  	(v2sf) =	vpush v0, $0xF;
	s15 =	simm.s32 @!p0 $0x0  }
0x124: {  	v1 =	vmul.f32 s15, v1;
	_ =	sdelay $0x1  }
0x125: {  	v60 =	vadd.f32 v1, v59;
	_ =	sdelay $0x1  }
0x126: {  	v61 =	vld [tilespmem:s13+$0xD0];
	[tilespmem:s13+$0xC0] =	vst v60  }
0x127: {  	v0 =	vld [tilespmem:s7+$0x8410];
	_ =	sdelay $0x4  }
0x128: {  	v0 =	vsub.f32 v0, v61;
	_ =	sdelay $0x1  }
0x129: {  	v0 =	vmul.f32 s15, v0;
	_ =	sdelay $0x1  }
0x12a: {  	s31 =	spop (v2sf);
	v0 =	vadd.f32 v0, v61  }
0x12b: {  	p0 =	slt.s32 s31, $0x64;
	s7 =	sshll.u32 s31, $0x5  }
0x12c: {  	v62 =	vld [tilespmem:s13+$0xE0];
	s7 =	simm.s32 @!p0 $0x0;
	[tilespmem:s13+$0xD0] =	vst v0  }
0x12d: {  	v0 =	vld [tilespmem:s7+$0x8400];
	_ =	sdelay $0x4  }
0x12e: {  	s15 =	simm.f32 $1.000000000e+00;
	v0 =	vsub.f32 v0, v62  }
0x12f: {  	s15 =	simm.s32 @!p0 $0x0  }
0x130: {  	v0 =	vmul.f32 s15, v0;
	_ =	sdelay $0x1  }
0x131: {  	v0 =	vadd.f32 v0, v62;
	_ =	sdelay $0x1  }
0x132: {  	v63 =	vld [tilespmem:s13+$0xF0];
	[tilespmem:s13+$0xE0] =	vst v0  }
0x133: {  	v0 =	vld [tilespmem:s7+$0x8410];
	_ =	sdelay $0x4  }
0x134: {  	v0 =	vsub.f32 v0, v63  }
0x135: {  	p0 =	sne.s32 s9, $0x7C0  }
.Ltmp4:
0x136: {  	v0 =	vmul.f32 s15, v0;
	(pc) =	sbr.rel @p0 .LBB2_6-.Ltmp4, $3  }
0x137: {  	_ = 	snop  }
0x138: {  	v0 =	vadd.f32 v0, v63;
	_ =	sdelay $0x1  }
0x139: {  	s9 =	sadd.s32 $0x40, s9;
	[tilespmem:s13+$0xF0] =	vst v0;
	s13 =	sadd.s32 $0x200, s13  }
.LBB2_7:
0x13a: {  	s9 =	sshll.u32 s23, $0xF  }
0x13b: {  	s7 =	sadd.s32 s8, s9  }
0x13c: {  	s7 =	sshrl.u32 s7, $0x3  }
0x13d: {  	p0 =	seq.s32 s23, $0x18;
	s7 =	sadd.s32 s2, s7  }
0x13e: {  	[hbm4b:s7+s3] =	stream.linear.scatter [tilespmem:s18], [sflag:$0x5], $0x4000, $0x38;
	[tilespmem:$0x9080] =	vst v63  }
0x13f: {  	s7 =	sadd.s32 @!p0 s6, s10  }
0x140: {  	s7 =	sshrl.u32 @!p0 s7, $0x3  }
0x141: {  	s13 =	simm.s32 @!p0 $0x0;
	s7 =	sadd.s32 @!p0 s4, s7  }
0x142: {  	[tilespmem:s13], [sflag:$0x1] =	stream.linear.gather @!p0 [hbm4b:s7+s13], $0x200, $0x38;
	[tilespmem:$0x9080] =	vst v63  }
0x143: {  	s7 =	simm.s32 @!p0 $0x1  }
0x144: {  	_ =	swait.ge @!p0 [sflag:s7], $0x200  }
0x145: {  	[sflag:s7] =	ssyncset.done @!p0 $0x0  }
0x146: {  	[sflag:s7] =	ssyncadd.s32 @!p0 $0xFFFFFE00;
	s7 =	simm.s32 @!p0 $0x5  }
0x147: {  	_ =	swait.ge @!p0 [sflag:s7], $0x4000  }
0x148: {  	[sflag:s7] =	ssyncset.done @!p0 $0x0  }
0x149: {  	s15 =	simm.s32 @!p0 $0x400;
	[sflag:s7] =	ssyncadd.s32 @!p0 $0xFFFFC000;
	s7 =	simm.s32 @!p0 $0x80  }
0x14a: {  	[tilespmem:s15], [sflag:$0x3] =	stream.indirect.gather @!p0 [hbm4b:s5+s7], $0x20, s13, s7, $0xb8;
	[tilespmem:$0x9080] =	vst v63  }
0x14b: {  	s13 =	simm.s32 @!p0 $0x1400  }
0x14c: {  	[tilespmem:s13], [sflag:$0x3] =	stream.indirect.gather @!p0 [hbm4b:s5+s7], $0x20, s7, s7, $0xb8;
	[tilespmem:$0x9080] =	vst v63  }
0x14d: {  	s15 =	simm.s32 @!p0 $0x2400;
	s13 =	simm.s32 @!p0 $0x100  }
0x14e: {  	[tilespmem:s15], [sflag:$0x3] =	stream.indirect.gather @!p0 [hbm4b:s5+s7], $0x20, s13, s7, $0xb8;
	[tilespmem:$0x9080] =	vst v63  }
0x14f: {  	s31 =	simm.s32 $0x0;
	s13 =	simm.s32 @!p0 $0x180;
	s15 =	simm.s32 @!p0 $0x3400  }
0x150: {  	[tilespmem:s15], [sflag:$0x3] =	stream.indirect.gather @!p0 [hbm4b:s5+s7], $0x20, s13, s7, $0xb8;
	[tilespmem:$0x9080] =	vst v63  }
0x151: {  	v1 =	vld [tilespmem:s31+$0x200]  }
0x152: {  	v0 =	vimm.s32 $0x0;
	s7 =	simm.s32 $0x40  }
.LBB2_8:
0x153: {  	p1 =	sne.s32 s7, $0x7C0  }
.Ltmp5:
0x154: {  	_ = 	snop;
	(pc) =	sbr.rel @p1 .LBB2_8-.Ltmp5, $4  }
0x155: {  	_ = 	snop  }
0x156: {  	s13 =	sshra.s32 s7, $0x2;
	s7 =	sadd.s32 $0x40, s7;
	v2 =	vadd.s32 $0xFFFFFF9C, v1  }
0x157: {  	v1 =	vld [tilespmem:s13+$0x200];
	v2 =	vshra.s32 v2, $0x1F  }
0x158: {  	v0 =	vor.u32 v0, v2  }
0x159: {  	_ =	sdelay $0x2  }
0x15a: {  	v1 =	vadd.s32 $0xFFFFFF9C, v1  }
0x15b: {  	v1 =	vshra.s32 v1, $0x1F  }
0x15c: {  	v0 =	vor.u32 v0, v1  }
0x15d: {  	(v2sf) =	vpush v0, $0x0  }
0x15e: {  	(v2sf) =	vpush v0, $0x1  }
0x15f: {  	(v2sf) =	vpush v0, $0x2  }
0x160: {  	(v2sf) =	vpush v0, $0x3  }
0x161: {  	(v2sf) =	vpush v0, $0x4  }
0x162: {  	(v2sf) =	vpush v0, $0x5  }
0x163: {  	(v2sf) =	vpush v0, $0x6  }
0x164: {  	(v2sf) =	vpush v0, $0x7  }
0x165: {  	(v2sf) =	vpush v0, $0x8  }
0x166: {  	(v2sf) =	vpush v0, $0x9  }
0x167: {  	(v2sf) =	vpush v0, $0xA  }
0x168: {  	(v2sf) =	vpush v0, $0xB  }
0x169: {  	(v2sf) =	vpush v0, $0xC  }
0x16a: {  	(v2sf) =	vpush v0, $0xD  }
0x16b: {  	(v2sf) =	vpush v0, $0xE  }
0x16c: {  	s7 =	spop (v2sf);
	(v2sf) =	vpush v0, $0xF  }
0x16d: {  	s13 =	spop (v2sf)  }
0x16e: {  	s15 =	spop (v2sf)  }
0x16f: {  	s16 =	spop (v2sf)  }
0x170: {  	s20 =	spop (v2sf)  }
0x171: {  	s21 =	spop (v2sf)  }
0x172: {  	s22 =	spop (v2sf)  }
0x173: {  	s7 =	sor.u32 s13, s7;
	s28 =	spop (v2sf)  }
0x174: {  	s7 =	sor.u32 s15, s7;
	s29 =	spop (v2sf)  }
0x175: {  	s7 =	sor.u32 s16, s7;
	s30 =	spop (v2sf)  }
0x176: {  	s7 =	sor.u32 s20, s7;
	s31 =	spop (v2sf)  }
0x177: {  	s7 =	sor.u32 s21, s7;
	s13 =	spop (v2sf)  }
0x178: {  	s7 =	sor.u32 s22, s7;
	s15 =	spop (v2sf)  }
0x179: {  	s7 =	sor.u32 s28, s7;
	s16 =	spop (v2sf)  }
0x17a: {  	s7 =	sor.u32 s29, s7;
	s20 =	spop (v2sf)  }
0x17b: {  	s7 =	sor.u32 s30, s7;
	s21 =	spop (v2sf)  }
0x17c: {  	s7 =	sor.u32 s31, s7;
	_ =	swait.ge [sflag:s19], $0x1000  }
0x17d: {  	s7 =	sor.u32 s13, s7;
	[sflag:s19] =	ssyncset.done $0x0  }
0x17e: {  	s7 =	sor.u32 s15, s7;
	[sflag:s19] =	ssyncadd.s32 $0xFFFFF000  }
0x17f: {  	s7 =	sor.u32 s16, s7;
	_ =	swait.ge [sflag:s19], $0x1000  }
0x180: {  	s7 =	sor.u32 s20, s7;
	[sflag:s19] =	ssyncset.done $0x0  }
0x181: {  	s7 =	sor.u32 s21, s7;
	[sflag:s19] =	ssyncadd.s32 $0xFFFFF000  }
0x182: {  	p1 =	seq.s32 s7, $0x0;
	_ =	swait.ge [sflag:s19], $0x1000  }
.Ltmp6:
0x183: {  	[sflag:s19] =	ssyncset.done $0x0;
	(pc) =	sbr.rel @p1 .LBB2_12-.Ltmp6, $4  }
0x184: {  	[sflag:s19] =	ssyncadd.s32 $0xFFFFF000  }
0x185: {  	_ =	swait.ge [sflag:s19], $0x1000  }
0x186: {  	[sflag:s19] =	ssyncset.done $0x0  }
0x187: {  	[sflag:s19] =	ssyncadd.s32 $0xFFFFF000  }
0x188: {  	s13 =	simm.s32 $0x0;
	s7 =	simm.s32 $0x200  }
.LBB2_11:
0x189: {  	v0 =	vld [tilespmem:s7+$0x0];
	_ =	sdelay $0x4  }
0x18a: {  	(v2sf) =	vpush v0, $0x0;
	_ =	sdelay $0xe  }
0x18b: {  	s15 =	spop (v2sf)  }
0x18c: {  	p1 =	slt.s32 s15, $0x64;
	s16 =	sshll.u32 s15, $0x5;
	s15 =	sshra.s32 s13, $0x2  }
0x18d: {  	s16 =	simm.s32 @!p1 $0x0;
	v2 =	vld [tilespmem:s15+$0x4400]  }
0x18e: {  	v1 =	vld [tilespmem:s16+$0x8400];
	_ =	sdelay $0x4  }
0x18f: {  	s20 =	simm.f32 $1.000000000e+00;
	v1 =	vsub.f32 v1, v2  }
0x190: {  	(v2sf) =	vpush v0, $0x1;
	s20 =	simm.s32 @!p1 $0x0  }
0x191: {  	v1 =	vmul.f32 s20, v1;
	_ =	sdelay $0x1  }
0x192: {  	v1 =	vadd.f32 v1, v2;
	_ =	sdelay $0x1  }
0x193: {  	v32 =	vld [tilespmem:s15+$0x4410];
	[tilespmem:s15+$0x4400] =	vst v1  }
0x194: {  	v1 =	vld [tilespmem:s16+$0x8410];
	_ =	sdelay $0x4  }
0x195: {  	v1 =	vsub.f32 v1, v32;
	_ =	sdelay $0x1  }
0x196: {  	v1 =	vmul.f32 s20, v1;
	_ =	sdelay $0x1  }
0x197: {  	s31 =	spop (v2sf);
	v1 =	vadd.f32 v1, v32  }
0x198: {  	p1 =	slt.s32 s31, $0x64;
	s16 =	sshll.u32 s31, $0x5  }
0x199: {  	v33 =	vld [tilespmem:s15+$0x4420];
	s16 =	simm.s32 @!p1 $0x0;
	[tilespmem:s15+$0x4410] =	vst v1  }
0x19a: {  	v1 =	vld [tilespmem:s16+$0x8400];
	_ =	sdelay $0x4  }
0x19b: {  	s20 =	simm.f32 $1.000000000e+00;
	v1 =	vsub.f32 v1, v33  }
0x19c: {  	(v2sf) =	vpush v0, $0x2;
	s20 =	simm.s32 @!p1 $0x0  }
0x19d: {  	v1 =	vmul.f32 s20, v1;
	_ =	sdelay $0x1  }
0x19e: {  	v1 =	vadd.f32 v1, v33;
	_ =	sdelay $0x1  }
0x19f: {  	v34 =	vld [tilespmem:s15+$0x4430];
	[tilespmem:s15+$0x4420] =	vst v1  }
0x1a0: {  	v1 =	vld [tilespmem:s16+$0x8410];
	_ =	sdelay $0x4  }
0x1a1: {  	v1 =	vsub.f32 v1, v34;
	_ =	sdelay $0x1  }
0x1a2: {  	v1 =	vmul.f32 s20, v1;
	_ =	sdelay $0x1  }
0x1a3: {  	s20 =	spop (v2sf);
	v1 =	vadd.f32 v1, v34  }
0x1a4: {  	p1 =	slt.s32 s20, $0x64;
	s16 =	sshll.u32 s20, $0x5  }
0x1a5: {  	v35 =	vld [tilespmem:s15+$0x4440];
	s16 =	simm.s32 @!p1 $0x0;
	[tilespmem:s15+$0x4430] =	vst v1  }
0x1a6: {  	v1 =	vld [tilespmem:s16+$0x8400];
	_ =	sdelay $0x4  }
0x1a7: {  	s20 =	simm.f32 $1.000000000e+00;
	v1 =	vsub.f32 v1, v35  }
0x1a8: {  	(v2sf) =	vpush v0, $0x3;
	s20 =	simm.s32 @!p1 $0x0  }
0x1a9: {  	v1 =	vmul.f32 s20, v1;
	_ =	sdelay $0x1  }
0x1aa: {  	v1 =	vadd.f32 v1, v35;
	_ =	sdelay $0x1  }
0x1ab: {  	v36 =	vld [tilespmem:s15+$0x4450];
	[tilespmem:s15+$0x4440] =	vst v1  }
0x1ac: {  	v1 =	vld [tilespmem:s16+$0x8410];
	_ =	sdelay $0x4  }
0x1ad: {  	v1 =	vsub.f32 v1, v36;
	_ =	sdelay $0x1  }
0x1ae: {  	v1 =	vmul.f32 s20, v1;
	_ =	sdelay $0x1  }
0x1af: {  	s21 =	spop (v2sf);
	v1 =	vadd.f32 v1, v36  }
0x1b0: {  	p1 =	slt.s32 s21, $0x64;
	s16 =	sshll.u32 s21, $0x5  }
0x1b1: {  	v37 =	vld [tilespmem:s15+$0x4460];
	s16 =	simm.s32 @!p1 $0x0;
	[tilespmem:s15+$0x4450] =	vst v1  }
0x1b2: {  	v1 =	vld [tilespmem:s16+$0x8400];
	_ =	sdelay $0x4  }
0x1b3: {  	s20 =	simm.f32 $1.000000000e+00;
	v1 =	vsub.f32 v1, v37  }
0x1b4: {  	(v2sf) =	vpush v0, $0x4;
	s20 =	simm.s32 @!p1 $0x0  }
0x1b5: {  	v1 =	vmul.f32 s20, v1;
	_ =	sdelay $0x1  }
0x1b6: {  	v1 =	vadd.f32 v1, v37;
	_ =	sdelay $0x1  }
0x1b7: {  	v38 =	vld [tilespmem:s15+$0x4470];
	[tilespmem:s15+$0x4460] =	vst v1  }
0x1b8: {  	v1 =	vld [tilespmem:s16+$0x8410];
	_ =	sdelay $0x4  }
0x1b9: {  	v1 =	vsub.f32 v1, v38;
	_ =	sdelay $0x1  }
0x1ba: {  	v1 =	vmul.f32 s20, v1;
	_ =	sdelay $0x1  }
0x1bb: {  	s22 =	spop (v2sf);
	v1 =	vadd.f32 v1, v38  }
0x1bc: {  	p1 =	slt.s32 s22, $0x64;
	s16 =	sshll.u32 s22, $0x5  }
0x1bd: {  	v39 =	vld [tilespmem:s15+$0x4480];
	s16 =	simm.s32 @!p1 $0x0;
	[tilespmem:s15+$0x4470] =	vst v1  }
0x1be: {  	v1 =	vld [tilespmem:s16+$0x8400];
	_ =	sdelay $0x4  }
0x1bf: {  	s20 =	simm.f32 $1.000000000e+00;
	v1 =	vsub.f32 v1, v39  }
0x1c0: {  	(v2sf) =	vpush v0, $0x5;
	s20 =	simm.s32 @!p1 $0x0  }
0x1c1: {  	v1 =	vmul.f32 s20, v1;
	_ =	sdelay $0x1  }
0x1c2: {  	v1 =	vadd.f32 v1, v39;
	_ =	sdelay $0x1  }
0x1c3: {  	v40 =	vld [tilespmem:s15+$0x4490];
	[tilespmem:s15+$0x4480] =	vst v1  }
0x1c4: {  	v1 =	vld [tilespmem:s16+$0x8410];
	_ =	sdelay $0x4  }
0x1c5: {  	v1 =	vsub.f32 v1, v40;
	_ =	sdelay $0x1  }
0x1c6: {  	v1 =	vmul.f32 s20, v1;
	_ =	sdelay $0x1  }
0x1c7: {  	s28 =	spop (v2sf);
	v1 =	vadd.f32 v1, v40  }
0x1c8: {  	p1 =	slt.s32 s28, $0x64;
	s16 =	sshll.u32 s28, $0x5  }
0x1c9: {  	v41 =	vld [tilespmem:s15+$0x44A0];
	s16 =	simm.s32 @!p1 $0x0;
	[tilespmem:s15+$0x4490] =	vst v1  }
0x1ca: {  	v1 =	vld [tilespmem:s16+$0x8400];
	_ =	sdelay $0x4  }
0x1cb: {  	s20 =	simm.f32 $1.000000000e+00;
	v1 =	vsub.f32 v1, v41  }
0x1cc: {  	(v2sf) =	vpush v0, $0x6;
	s20 =	simm.s32 @!p1 $0x0  }
0x1cd: {  	v1 =	vmul.f32 s20, v1;
	_ =	sdelay $0x1  }
0x1ce: {  	v1 =	vadd.f32 v1, v41;
	_ =	sdelay $0x1  }
0x1cf: {  	v42 =	vld [tilespmem:s15+$0x44B0];
	[tilespmem:s15+$0x44A0] =	vst v1  }
0x1d0: {  	v1 =	vld [tilespmem:s16+$0x8410];
	_ =	sdelay $0x4  }
0x1d1: {  	v1 =	vsub.f32 v1, v42;
	_ =	sdelay $0x1  }
0x1d2: {  	v1 =	vmul.f32 s20, v1;
	_ =	sdelay $0x1  }
0x1d3: {  	s29 =	spop (v2sf);
	v1 =	vadd.f32 v1, v42  }
0x1d4: {  	p1 =	slt.s32 s29, $0x64;
	s16 =	sshll.u32 s29, $0x5  }
0x1d5: {  	v43 =	vld [tilespmem:s15+$0x44C0];
	s16 =	simm.s32 @!p1 $0x0;
	[tilespmem:s15+$0x44B0] =	vst v1  }
0x1d6: {  	v1 =	vld [tilespmem:s16+$0x8400];
	_ =	sdelay $0x4  }
0x1d7: {  	s20 =	simm.f32 $1.000000000e+00;
	v1 =	vsub.f32 v1, v43  }
0x1d8: {  	(v2sf) =	vpush v0, $0x7;
	s20 =	simm.s32 @!p1 $0x0  }
0x1d9: {  	v1 =	vmul.f32 s20, v1;
	_ =	sdelay $0x1  }
0x1da: {  	v1 =	vadd.f32 v1, v43;
	_ =	sdelay $0x1  }
0x1db: {  	v44 =	vld [tilespmem:s15+$0x44D0];
	[tilespmem:s15+$0x44C0] =	vst v1  }
0x1dc: {  	v1 =	vld [tilespmem:s16+$0x8410];
	_ =	sdelay $0x4  }
0x1dd: {  	v1 =	vsub.f32 v1, v44;
	_ =	sdelay $0x1  }
0x1de: {  	v1 =	vmul.f32 s20, v1;
	_ =	sdelay $0x1  }
0x1df: {  	s30 =	spop (v2sf);
	v1 =	vadd.f32 v1, v44  }
0x1e0: {  	p1 =	slt.s32 s30, $0x64;
	s16 =	sshll.u32 s30, $0x5  }
0x1e1: {  	v45 =	vld [tilespmem:s15+$0x44E0];
	s16 =	simm.s32 @!p1 $0x0;
	[tilespmem:s15+$0x44D0] =	vst v1  }
0x1e2: {  	v1 =	vld [tilespmem:s16+$0x8400];
	_ =	sdelay $0x4  }
0x1e3: {  	s20 =	simm.f32 $1.000000000e+00;
	v1 =	vsub.f32 v1, v45  }
0x1e4: {  	(v2sf) =	vpush v0, $0x8;
	s20 =	simm.s32 @!p1 $0x0  }
0x1e5: {  	v1 =	vmul.f32 s20, v1;
	_ =	sdelay $0x1  }
0x1e6: {  	v1 =	vadd.f32 v1, v45;
	_ =	sdelay $0x1  }
0x1e7: {  	v46 =	vld [tilespmem:s15+$0x44F0];
	[tilespmem:s15+$0x44E0] =	vst v1  }
0x1e8: {  	v1 =	vld [tilespmem:s16+$0x8410];
	_ =	sdelay $0x4  }
0x1e9: {  	v1 =	vsub.f32 v1, v46;
	_ =	sdelay $0x1  }
0x1ea: {  	v1 =	vmul.f32 s20, v1;
	_ =	sdelay $0x1  }
0x1eb: {  	s31 =	spop (v2sf);
	v1 =	vadd.f32 v1, v46  }
0x1ec: {  	p1 =	slt.s32 s31, $0x64;
	s16 =	sshll.u32 s31, $0x5  }
0x1ed: {  	v47 =	vld [tilespmem:s15+$0x4500];
	s16 =	simm.s32 @!p1 $0x0;
	[tilespmem:s15+$0x44F0] =	vst v1  }
0x1ee: {  	v1 =	vld [tilespmem:s16+$0x8400];
	_ =	sdelay $0x4  }
0x1ef: {  	s20 =	simm.f32 $1.000000000e+00;
	v1 =	vsub.f32 v1, v47  }
0x1f0: {  	(v2sf) =	vpush v0, $0x9;
	s20 =	simm.s32 @!p1 $0x0  }
0x1f1: {  	v1 =	vmul.f32 s20, v1;
	_ =	sdelay $0x1  }
0x1f2: {  	v1 =	vadd.f32 v1, v47;
	_ =	sdelay $0x1  }
0x1f3: {  	v48 =	vld [tilespmem:s15+$0x4510];
	[tilespmem:s15+$0x4500] =	vst v1  }
0x1f4: {  	v1 =	vld [tilespmem:s16+$0x8410];
	_ =	sdelay $0x4  }
0x1f5: {  	v1 =	vsub.f32 v1, v48;
	_ =	sdelay $0x1  }
0x1f6: {  	v1 =	vmul.f32 s20, v1;
	_ =	sdelay $0x1  }
0x1f7: {  	s20 =	spop (v2sf);
	v1 =	vadd.f32 v1, v48  }
0x1f8: {  	p1 =	slt.s32 s20, $0x64;
	s16 =	sshll.u32 s20, $0x5  }
0x1f9: {  	v49 =	vld [tilespmem:s15+$0x4520];
	s16 =	simm.s32 @!p1 $0x0;
	[tilespmem:s15+$0x4510] =	vst v1  }
0x1fa: {  	v1 =	vld [tilespmem:s16+$0x8400];
	_ =	sdelay $0x4  }
0x1fb: {  	s20 =	simm.f32 $1.000000000e+00;
	v1 =	vsub.f32 v1, v49  }
0x1fc: {  	(v2sf) =	vpush v0, $0xA;
	s20 =	simm.s32 @!p1 $0x0  }
0x1fd: {  	v1 =	vmul.f32 s20, v1;
	_ =	sdelay $0x1  }
0x1fe: {  	v1 =	vadd.f32 v1, v49;
	_ =	sdelay $0x1  }
0x1ff: {  	v50 =	vld [tilespmem:s15+$0x4530];
	[tilespmem:s15+$0x4520] =	vst v1  }
0x200: {  	v1 =	vld [tilespmem:s16+$0x8410];
	_ =	sdelay $0x4  }
0x201: {  	v1 =	vsub.f32 v1, v50;
	_ =	sdelay $0x1  }
0x202: {  	v1 =	vmul.f32 s20, v1;
	_ =	sdelay $0x1  }
0x203: {  	s21 =	spop (v2sf);
	v1 =	vadd.f32 v1, v50  }
0x204: {  	p1 =	slt.s32 s21, $0x64;
	s16 =	sshll.u32 s21, $0x5  }
0x205: {  	v51 =	vld [tilespmem:s15+$0x4540];
	s16 =	simm.s32 @!p1 $0x0;
	[tilespmem:s15+$0x4530] =	vst v1  }
0x206: {  	v1 =	vld [tilespmem:s16+$0x8400];
	_ =	sdelay $0x4  }
0x207: {  	s20 =	simm.f32 $1.000000000e+00;
	v1 =	vsub.f32 v1, v51  }
0x208: {  	(v2sf) =	vpush v0, $0xB;
	s20 =	simm.s32 @!p1 $0x0  }
0x209: {  	v1 =	vmul.f32 s20, v1;
	_ =	sdelay $0x1  }
0x20a: {  	v1 =	vadd.f32 v1, v51;
	_ =	sdelay $0x1  }
0x20b: {  	v52 =	vld [tilespmem:s15+$0x4550];
	[tilespmem:s15+$0x4540] =	vst v1  }
0x20c: {  	v1 =	vld [tilespmem:s16+$0x8410];
	_ =	sdelay $0x4  }
0x20d: {  	v1 =	vsub.f32 v1, v52;
	_ =	sdelay $0x1  }
0x20e: {  	v1 =	vmul.f32 s20, v1;
	_ =	sdelay $0x1  }
0x20f: {  	s22 =	spop (v2sf);
	v1 =	vadd.f32 v1, v52  }
0x210: {  	p1 =	slt.s32 s22, $0x64;
	s16 =	sshll.u32 s22, $0x5  }
0x211: {  	v53 =	vld [tilespmem:s15+$0x4560];
	s16 =	simm.s32 @!p1 $0x0;
	[tilespmem:s15+$0x4550] =	vst v1  }
0x212: {  	v1 =	vld [tilespmem:s16+$0x8400];
	_ =	sdelay $0x4  }
0x213: {  	s20 =	simm.f32 $1.000000000e+00;
	v1 =	vsub.f32 v1, v53  }
0x214: {  	(v2sf) =	vpush v0, $0xC;
	s20 =	simm.s32 @!p1 $0x0  }
0x215: {  	v1 =	vmul.f32 s20, v1;
	_ =	sdelay $0x1  }
0x216: {  	v1 =	vadd.f32 v1, v53;
	_ =	sdelay $0x1  }
0x217: {  	v54 =	vld [tilespmem:s15+$0x4570];
	[tilespmem:s15+$0x4560] =	vst v1  }
0x218: {  	v1 =	vld [tilespmem:s16+$0x8410];
	_ =	sdelay $0x4  }
0x219: {  	v1 =	vsub.f32 v1, v54;
	_ =	sdelay $0x1  }
0x21a: {  	v1 =	vmul.f32 s20, v1;
	_ =	sdelay $0x1  }
0x21b: {  	s28 =	spop (v2sf);
	v1 =	vadd.f32 v1, v54  }
0x21c: {  	p1 =	slt.s32 s28, $0x64;
	s16 =	sshll.u32 s28, $0x5  }
0x21d: {  	v55 =	vld [tilespmem:s15+$0x4580];
	s16 =	simm.s32 @!p1 $0x0;
	[tilespmem:s15+$0x4570] =	vst v1  }
0x21e: {  	v1 =	vld [tilespmem:s16+$0x8400];
	_ =	sdelay $0x4  }
0x21f: {  	s20 =	simm.f32 $1.000000000e+00;
	v1 =	vsub.f32 v1, v55  }
0x220: {  	(v2sf) =	vpush v0, $0xD;
	s20 =	simm.s32 @!p1 $0x0  }
0x221: {  	v1 =	vmul.f32 s20, v1;
	_ =	sdelay $0x1  }
0x222: {  	v1 =	vadd.f32 v1, v55;
	_ =	sdelay $0x1  }
0x223: {  	v56 =	vld [tilespmem:s15+$0x4590];
	[tilespmem:s15+$0x4580] =	vst v1  }
0x224: {  	v1 =	vld [tilespmem:s16+$0x8410];
	_ =	sdelay $0x4  }
0x225: {  	v1 =	vsub.f32 v1, v56;
	_ =	sdelay $0x1  }
0x226: {  	v1 =	vmul.f32 s20, v1;
	_ =	sdelay $0x1  }
0x227: {  	s29 =	spop (v2sf);
	v1 =	vadd.f32 v1, v56  }
0x228: {  	p1 =	slt.s32 s29, $0x64;
	s16 =	sshll.u32 s29, $0x5  }
0x229: {  	v57 =	vld [tilespmem:s15+$0x45A0];
	s16 =	simm.s32 @!p1 $0x0;
	[tilespmem:s15+$0x4590] =	vst v1  }
0x22a: {  	v1 =	vld [tilespmem:s16+$0x8400];
	_ =	sdelay $0x4  }
0x22b: {  	s20 =	simm.f32 $1.000000000e+00;
	v1 =	vsub.f32 v1, v57  }
0x22c: {  	(v2sf) =	vpush v0, $0xE;
	s20 =	simm.s32 @!p1 $0x0  }
0x22d: {  	v1 =	vmul.f32 s20, v1;
	_ =	sdelay $0x1  }
0x22e: {  	v1 =	vadd.f32 v1, v57;
	_ =	sdelay $0x1  }
0x22f: {  	v58 =	vld [tilespmem:s15+$0x45B0];
	[tilespmem:s15+$0x45A0] =	vst v1  }
0x230: {  	v1 =	vld [tilespmem:s16+$0x8410];
	_ =	sdelay $0x4  }
0x231: {  	v1 =	vsub.f32 v1, v58;
	_ =	sdelay $0x1  }
0x232: {  	v1 =	vmul.f32 s20, v1;
	_ =	sdelay $0x1  }
0x233: {  	s30 =	spop (v2sf);
	v1 =	vadd.f32 v1, v58  }
0x234: {  	p1 =	slt.s32 s30, $0x64;
	s16 =	sshll.u32 s30, $0x5  }
0x235: {  	v59 =	vld [tilespmem:s15+$0x45C0];
	s16 =	simm.s32 @!p1 $0x0;
	[tilespmem:s15+$0x45B0] =	vst v1  }
0x236: {  	v1 =	vld [tilespmem:s16+$0x8400];
	_ =	sdelay $0x4  }
0x237: {  	s20 =	simm.f32 $1.000000000e+00;
	v1 =	vsub.f32 v1, v59  }
0x238: {  	(v2sf) =	vpush v0, $0xF;
	s20 =	simm.s32 @!p1 $0x0  }
0x239: {  	v1 =	vmul.f32 s20, v1;
	_ =	sdelay $0x1  }
0x23a: {  	v60 =	vadd.f32 v1, v59;
	_ =	sdelay $0x1  }
0x23b: {  	v61 =	vld [tilespmem:s15+$0x45D0];
	[tilespmem:s15+$0x45C0] =	vst v60  }
0x23c: {  	v0 =	vld [tilespmem:s16+$0x8410];
	_ =	sdelay $0x4  }
0x23d: {  	v0 =	vsub.f32 v0, v61;
	_ =	sdelay $0x1  }
0x23e: {  	v0 =	vmul.f32 s20, v0;
	_ =	sdelay $0x1  }
0x23f: {  	s31 =	spop (v2sf);
	v0 =	vadd.f32 v0, v61  }
0x240: {  	p1 =	slt.s32 s31, $0x64;
	s16 =	sshll.u32 s31, $0x5  }
0x241: {  	v62 =	vld [tilespmem:s15+$0x45E0];
	s16 =	simm.s32 @!p1 $0x0;
	[tilespmem:s15+$0x45D0] =	vst v0  }
0x242: {  	v0 =	vld [tilespmem:s16+$0x8400];
	_ =	sdelay $0x4  }
0x243: {  	s20 =	simm.f32 $1.000000000e+00;
	v0 =	vsub.f32 v0, v62  }
0x244: {  	s20 =	simm.s32 @!p1 $0x0  }
0x245: {  	v0 =	vmul.f32 s20, v0;
	_ =	sdelay $0x1  }
0x246: {  	v0 =	vadd.f32 v0, v62;
	_ =	sdelay $0x1  }
0x247: {  	v63 =	vld [tilespmem:s15+$0x45F0];
	[tilespmem:s15+$0x45E0] =	vst v0  }
0x248: {  	v0 =	vld [tilespmem:s16+$0x8410];
	_ =	sdelay $0x4  }
0x249: {  	v0 =	vsub.f32 v0, v63  }
0x24a: {  	p1 =	sne.s32 s13, $0xF800  }
.Ltmp7:
0x24b: {  	v0 =	vmul.f32 s20, v0;
	(pc) =	sbr.rel @p1 .LBB2_11-.Ltmp7, $3  }
0x24c: {  	_ = 	snop  }
0x24d: {  	v0 =	vadd.f32 v0, v63;
	_ =	sdelay $0x1  }
0x24e: {  	s7 =	sadd.s32 $0x10, s7;
	s13 =	sadd.s32 $0x800, s13;
	[tilespmem:s15+$0x45F0] =	vst v0  }
.LBB2_12:
.Ltmp8:
0x24f: {  	(pc) =	sbr.rel @p0 .LBB2_14-.Ltmp8, $4  }
0x250: {  	s7 =	sadd.s32 s9, s11  }
0x251: {  	s7 =	sshrl.u32 s7, $0x3  }
0x252: {  	s7 =	sadd.s32 s2, s7  }
0x253: {  	[hbm4b:s7+s3] =	stream.linear.scatter [tilespmem:s26], [sflag:$0x6], $0x4000, $0x38;
	[tilespmem:$0x9080] =	vst v63  }
.Ltmp9:
0x254: {  	(pc) =	sbr.rel .LBB2_2-.Ltmp9, $4  }
0x255: {  	s6 =	sadd.s32 s6, s12  }
0x256: {  	s6 =	sshrl.u32 s6, $0x3  }
0x257: {  	s23 =	sadd.s32 $0x1, s23;
	s6 =	sadd.s32 s4, s6  }
0x258: {  	[tilespmem:s24], [sflag:$0x2] =	stream.linear.gather [hbm4b:s6+s3], $0x200, $0x38;
	[tilespmem:$0x9080] =	vst v63  }
.LBB2_15:
0x259: {  	_ =	sfence.sel $0x180000  }
0x25a: {  	[bflag:$0x0] =	sbarrier.arrive $0xFFFF  }
0x25b: {  	_ =	strace $0x90000047  }
0x25c: {  	s0 =	stileid.u32;
	[bflag:$0x2] =	sbarrier.arrive $0xFFFF  }
0x25d: {  	p0 =	sne.s32 s0, $0x0;
	s0 =	rddreg [dreg:$0x2]  }
0x25e: {  	s0 =	sadd.s32 @!p0 $0x100000, s0  }
0x25f: {  	[sflag:s0] =	ssyncadd.tile.s32 @!p0 $0x1;
	_ =	shalt  }
.Lfunc_end2:
_tile_overlayer_lowered:
.L_overlay_start_2:
0x260: {  	(tag) =	ssettag $0x2  }
0x261: {  	s0 =	rddreg [dreg:$0x0];
	s2 =	stileid.u32  }
0x262: {  	s1 =	rddreg [dreg:$0x1];
	p0 =	sne.s32 s2, $0x0  }
0x263: {  	s3 =	rddreg [dreg:$0x2];
	[bflag:$0x3] =	sbarrier.arrive $0xFFFF;
	s2 =	simm.s32 @!p0 $0x1C07  }
0x264: {  	[timem:s3], [sflag:s2] =	dma.local @!p0 [hbm:s0], s1  }
0x265: {  	s0 =	simm.s32 @!p0 $0x7  }
0x266: {  	_ =	swait.ge @!p0 [sflag:s0], s1  }
0x267: {  	s1 =	ssub.s32 @!p0 $0x0, s1;
	[sflag:s0] =	ssyncset.done @!p0 $0x0  }
0x268: {  	[sflag:s0] =	ssyncadd.s32 @!p0 s1  }
0x269: {  	[bflag:$0x3] =	sbarrier.arrive $0xFFFF  }
0x26a: {  	_ =	shalt  }

// kernel: sparse-core-data-format-call.cloned.1.call-start
scs
called_computation_lowered:
.L_overlay_start_0:
0x0: {  	s2 =	sld [smem:$0x3FD9]  }
0x1: {  	s3 =	sld [smem:$0x3FFE];
	_ =	sdelay $0x1  }
0x2: {  	s1 =	srdreg.scid  }
0x3: {  	s0 =	sand.u32 $0x1, s1  }
0x4: {  	s18 =	sshll.u32 s0, $0xA;
	s2 =	sadd.s32 s3, s2  }
0x5: {  	s2 =	sadd.s32 s2, s18  }
0x6: {  	[smem:$0x3FC5] =	sst s2  }
0x7: {  	_ = 	snop  }
0x8: {  	s2 =	sld [smem:$0x3FD0];
	(tm) =	ssettm $0x1  }
0x9: {  	s19 =	sld [smem:$0x3FFB];
	_ =	sdelay $0x3  }
0xa: {  	_ =	strace s19  }
0xb: {  	s3 =	sld [smem:$0x3FFC];
	_ =	sdelay $0x3  }
0xc: {  	_ =	strace s3  }
0xd: {  	s3 =	sld [smem:$0x3FFD];
	_ =	sdelay $0x3  }
0xe: {  	_ =	strace s3  }
0xf: {  	_ =	strace $0x8FFFFFFF  }
0x10: {  	s20 =	sld [smem:$0x3FDB];
	_ =	sdelay $0x1  }
0x11: {  	s4 =	simm.s32 $_scs_section_size  }
0x12: {  	s5 =	simm.s32 $_size__tile_overlayer_lowered;
	s6 =	simm.s32 $_tile_overlayer_lowered  }
0x13: {  	s23 =	simm.s32 $0x1BFF;
	s22 =	sshll.u32 s6, $0x1;
	s3 =	sadd.s32 s4, s20  }
0x14: {  	s7 =	simm.s32 $0x0;
	s21 =	sshll.u32 s5, $0x1;
	s5 =	sadd.s32 s22, s3  }
0x15: {  	[timem:s7], [sflag:s23] =	dma.local [hbm:s5], s21  }
0x16: {  	_ =	swait.ge [sflag:s23], s21  }
0x17: {  	s4 =	ssub.s32 $0x0, s21;
	[sflag:s23] =	ssyncset.done $0x0  }
0x18: {  	[sflag:s23] =	ssyncadd.s32 s4;
	_ =	sdelay $0x1  }
0x19: {  	s24 =	simm.s32 $0x1B8B  }
0x1a: {  	_ =	swait.ge [sflag:s24], $0x1  }
0x1b: {  	[sflag:s24] =	ssyncset.done $0x0  }
0x1c: {  	s26 =	simm.s32 $0x1B8E;
	s25 =	sld [smem:$0x3FFE];
	[sflag:s24] =	ssyncadd.s32 $0xFFFFFFFF  }
0x1d: {  	s27 =	simm.s32 $execute0_lowered;
	[smem:$0x3FD2] =	sst s26  }
0x1e: {  	s5 =	sshll.u32 s27, $0x1;
	_ =	strace $0x80000049;
	[dreg:$0x1] =	wrdreg $0xFFFFFFFF  }
0x1f: {  	s28 =	simm.s32 $_size_execute0_lowered;
	s3 =	sadd.s32 s3, s5;
	[dreg:$0x0] =	wrdreg $0x0  }
0x20: {  	s5 =	sshll.u32 s28, $0x1;
	[dreg:$0x2] =	wrdreg s3  }
0x21: {  	[dreg:$0x3] =	wrdreg s5  }
0x22: {  	[dreg:$0x4] =	wrdreg $0xC0  }
0x23: {  	_ =	task [dreg:s7], $0x5FFFF  }
0x24: {  	[dreg:$0x1] =	wrdreg $0xFFFFFFFF  }
0x25: {  	[dreg:$0x0] =	wrdreg $0x60  }
0x26: {  	[dreg:$0x2] =	wrdreg s25  }
0x27: {  	[dreg:$0x3] =	wrdreg s2  }
0x28: {  	[dreg:$0x4] =	wrdreg $0x9  }
0x29: {  	_ =	task.clear_ibuf [dreg:s7], $0x5FFFF;
	_ =	strace $0x90000049  }
0x2a: {  	s29 =	simm.s32 $0x9;
	_ =	strace $0x8000004B  }
0x2b: {  	_ =	swait.ge [sflag:s29], $0x1  }
0x2c: {  	[sflag:s29] =	ssyncadd.s32 $0xFFFFFFFF  }
0x2d: {  	_ =	strace $0x9000004B  }
0x2e: {  	_ =	sfence  }
0x2f: {  	s30 =	sld [smem:$0x0];
	_ =	sdelay $0x2  }
0x30: {  	s31 =	sshll.u32 s1, $0xD;
	s1 =	sshrl.u32 s1, $0x2  }
0x31: {  	s3 =	sand.u32 $0x4000, s31;
	s1 =	sadd.s32 s1, s30  }
0x32: {  	s0 =	sor.u32 s3, s0;
	s1 =	sshll.u32 s1, $0x11  }
0x33: {  	s0 =	sor.u32 s1, s0  }
0x34: {  	s0 =	sadd.s32 $0x8F2B, s0  }
0x35: {  	[sflag:s0] =	ssyncadd.remote.s32 $0x1  }
0x36: {  	_ =	sfence.sel $0xFFFF  }
0x37: {  	[dreg:$0x0] =	wrdreg $0xFFFFFFFF;
	(pc) =	sbr.abs _section_cstart, $3  }
0x38: {  	[dreg:$0x1] =	wrdreg $0xFFFFFFFF  }
0x39: {  	_ =	task.clear_ibuf [dreg:s7], $0x2FFFF;
	_ =	strace $0x9FFFFFFF  }
0x3a: {  	(tm) =	ssettm $0x7FFFFFFF  }
0x3b: {  	_ =	shalt  }
tec
execute0_lowered:
.L_overlay_start_1:
0x0: {  	(tag) =	ssettag $0x1  }
0x1: {  	s0 =	srdreg.scid  }
0x2: {  	s1 =	sshll.u32 s0, $0x4  }
0x3: {  	s0 =	stileid.u32;
	s1 =	sand.u32 $0x10, s1  }
0x4: {  	s1 =	sor.u32 s0, s1  }
0x5: {  	s6 =	rddreg [dreg:$0x0];
	s4 =	simm.s32 $0x1;
	s2 =	sshll.u32 s1, $0x7  }
0x6: {  	s7 =	simm.s32 $0x2;
	s12 =	simm.s32 $0x0;
	s1 =	ssub.s32 $0x1000, s2  }
0x7: {  	s8 =	simm.s32 $0x8000;
	s13 =	simm.s32 $0x0;
	s3 =	sand.u32 $0xF80, s1  }
0x8: {  	s9 =	simm.s32 $0x0;
	s5 =	sshrl.u32 s1, $0xC;
	p0 =	sne.s32 s3, $0x0  }
.Ltmp0:
0x9: {  	s1 =	rddreg [dreg:$0x2];
	s4 =	simm.s32 @!p0 $0x0;
	(pc) =	sbr.rel .LBB1_1-.Ltmp0, $4  }
0xa: {  	s11 =	simm.s32 $0x0;
	s3 =	rddreg [dreg:$0x1];
	s5 =	sadd.s32 s4, s5  }
0xb: {  	_ =	strace $0x8000004A;
	s4 =	simm.s32 $0x1;
	s5 =	smul.u32 $0xC8, s5  }
0xc: {  	s6 =	sadd.s32 $0xC00, s6;
	s10 =	smov.u32 s2;
	[sflag:s4] =	ssyncpa.u1 $0x0  }
0xd: {  	p0 =	por $0x0, $0x0;
	[sflag:s7] =	ssyncpa.u1 $0x0;
	s7 =	sor.u32 $0x1, s5  }
.LBB1_4:
0xe: {  	s16 =	sshll.u32 s13, $0x3;
	s17 =	sand.u32 $0x78, s13  }
0xf: {  	s30 =	sand.u32 $0x3E00, s13;
	s12 =	sshll.u32 s12, $0xE;
	s16 =	sand.u32 $0xC00, s16  }
0x10: {  	s31 =	sand.u32 $0x7, s13;
	s16 =	sor.u32 s17, s16;
	s17 =	sadd.s32 s3, s30  }
0x11: {  	s13 =	sshll.u32 s31, $0x12;
	s16 =	sshrl.u32 s16, $0x3;
	s12 =	sadd.s32 s12, s17  }
0x12: {  	[tilespmem:s15+$0x0 ss:$0x81] =	vst.msk $0xffff, v0;
	s13 =	sor.u32 $0x400, s13;
	s12 =	sadd.s32 s16, s12  }
0x13: {  	[hbm4b:s12+s13] =	stream.strided.scatter [tilespmem:s14], [sflag:$0x2], $0x1000, s8, s13, $0x20;
	[tilespmem:$0x4040] =	vst v63  }
.LBB1_5:
0x14: {  	s14 =	sadd.s32 $0x1, s9  }
0x15: {  	s12 =	sadd.s32 $0x1000, s10;
	s16 =	smov.u32 s10;
	p2 =	sgt.s32 s14, $0xC7  }
0x16: {  	s16 =	smov.u32 @p2 s12  }
0x17: {  	s14 =	simm.s32 @p2 $0x0;
	p2 =	sgt.s32 s16, $0xFFF  }
0x18: {  	s16 =	smov.u32 @p2 s2;
	p2 =	sne.s32 s11, s7  }
.Ltmp1:
0x19: {  	p1 =	slt.u32 s11, $0x2;
	(pc) =	sbr.rel @!p2 .LBB1_6-.Ltmp1, $4  }
0x1a: {  	s15 =	simm.s32 @!p1 $0x2  }
0x1b: {  	s13 =	smov.u32 s10;
	p0 =	por !p0, !p0;
	_ =	swait.ge @!p1 [sflag:s15], $0x1000  }
0x1c: {  	s12 =	smov.u32 s9;
	[sflag:s15] =	ssyncset.done @!p1 $0x0;
	s9 =	smov.u32 s14  }
0x1d: {  	s11 =	sadd.s32 $0x1, s11;
	[sflag:s15] =	ssyncadd.s32 @!p1 $0xFFFFF000;
	s10 =	smov.u32 s16  }
.LBB1_1:
0x1e: {  	p1 =	sge.u32 s11, s5  }
0x1f: {  	s14 =	sand.u32 @!p1 $0x1FFFFFF, s9  }
0x20: {  	s15 =	smulhi.u32 @!p1 $0x147AE15, s14;
	_ =	sdelay $0x1  }
0x21: {  	s15 =	smul.u32 @!p1 $0xC8, s15  }
0x22: {  	s16 =	sxor.u32 @!p1 $0xFFFFFFFF, s11;
	s17 =	smul.u32 @!p1 $0xC80, s10  }
0x23: {  	s31 =	sadd.s32 $0xFFFFFFFF, s11;
	s16 =	sshll.u32 @!p1 s16, $0xC;
	s14 =	ssub.s32 @!p1 s14, s15  }
0x24: {  	s15 =	sand.u32 @!p1 $0x1000, s16;
	s16 =	sadd.s32 @!p1 s6, s17;
	s14 =	sshll.u32 @!p1 s14, $0x4  }
0x25: {  	s17 =	simm.s32 @!p1 $0x6400;
	s14 =	sadd.s32 @!p1 s14, s16;
	s16 =	simm.s32 @!p1 $0x20  }
0x26: {  	[tilespmem:s15], [sflag:$0x1] =	stream.strided.gather @!p1 [hbm4b:s14+s16], $0x1000, s17, s16, $0x38;
	[tilespmem:$0x4040] =	vst v63  }
0x27: {  	p1 =	sge.u32 s31, s5  }
.Ltmp2:
0x28: {  	_ = 	snop;
	(pc) =	sbr.rel @p1 .LBB1_5-.Ltmp2, $1  }
0x29: {  	_ =	sdelay $0x3  }
0x2a: {  	s14 =	simm.s32 $0x1  }
0x2b: {  	_ =	swait.ge [sflag:s4], $0x1000;
	s14 =	simm.s32 @!p0 $0x0  }
0x2c: {  	[sflag:s4] =	ssyncset.done $0x0;
	s15 =	sshll.u32 s14, $0xC  }
0x2d: {  	[sflag:s4] =	ssyncadd.s32 $0xFFFFF000;
	s18 =	sor.u32 $0x10, s15  }
0x2e: {  	s14 =	smul.u32 $0x4080, s14;
	v1 =	vld [tilespmem:s18+$0x0]  }
0x2f: {  	s30 =	sand.u32 $0x1, s11;
	v0 =	vld [tilespmem:s18+$0xFFFFFFF0]  }
0x30: {  	s15 =	smul.u32 $0x4080, s30;
	s14 =	sshrl.u32 s14, $0x2  }
0x31: {  	s16 =	sor.u32 $0x2000, s14  }
0x32: {  	s31 =	sshrl.u32 s15, $0x2;
	s15 =	sadd.s32 $0x0, s16  }
0x33: {  	s17 =	simm.s32 $0x4;
	s18 =	sadd.s32 $0x20, s18;
	s14 =	sor.u32 $0x2000, s31;
	[tilespmem:s15+$0x810 ss:$0x81] =	vst.msk $0xffff, v1  }
.LBB1_3:
0x34: {  	v1 =	vld [tilespmem:s18+$0x0];
	p1 =	sne.s32 s17, $0x1FC;
	[tilespmem:s15+$0x0 ss:$0x81] =	vst.msk $0xffff, v0;
	s15 =	smov.u32 s17;
	s17 =	sadd.s32 $0x4, s17  }
.Ltmp3:
0x35: {  	v0 =	vld [tilespmem:s18+$0xFFFFFFF0];
	(pc) =	sbr.rel @p1 .LBB1_3-.Ltmp3, $4  }
0x36: {  	_ = 	snop  }
0x37: {  	s15 =	sshra.s32 s15, $0x2  }
0x38: {  	s15 =	sadd.s32 s15, s16  }
0x39: {  	s18 =	sadd.s32 $0x20, s18;
	[tilespmem:s15+$0x810 ss:$0x81] =	vst.msk $0xffff, v1  }
.Ltmp4:
0x3a: {  	_ = 	snop;
	(pc) =	sbr.rel .LBB1_4-.Ltmp4, $1  }
0x3b: {  	_ =	sdelay $0x3  }
.LBB1_6:
0x3c: {  	_ =	sfence.sel $0x180000  }
0x3d: {  	s2 =	simm.s32 $0x1;
	[bflag:$0x0] =	sbarrier.arrive $0xFFFF  }
0x3e: {  	s31 =	simm.s32 $0x2;
	[sflag:s2] =	ssyncpa.u1 $0x1  }
0x3f: {  	[sflag:s31] =	ssyncpa.u1 $0x1  }
0x40: {  	p0 =	sne.s32 s0, $0x0;
	_ =	strace $0x9000004A  }
0x41: {  	s0 =	sadd.s32 @!p0 $0x100000, s1;
	[bflag:$0x2] =	sbarrier.arrive $0xFFFF  }
0x42: {  	[sflag:s0] =	ssyncadd.tile.s32 @!p0 $0x1;
	_ =	shalt  }
.Lfunc_end1:
_tile_overlayer_lowered:
.L_overlay_start_2:
0x43: {  	(tag) =	ssettag $0x2  }
0x44: {  	s0 =	rddreg [dreg:$0x0];
	s2 =	stileid.u32  }
0x45: {  	s1 =	rddreg [dreg:$0x1];
	p0 =	sne.s32 s2, $0x0  }
0x46: {  	s3 =	rddreg [dreg:$0x2];
	[bflag:$0x3] =	sbarrier.arrive $0xFFFF;
	s2 =	simm.s32 @!p0 $0x1C01  }
0x47: {  	[timem:s3], [sflag:s2] =	dma.local @!p0 [hbm:s0], s1  }
0x48: {  	s0 =	simm.s32 @!p0 $0x1  }
0x49: {  	_ =	swait.ge @!p0 [sflag:s0], s1  }
0x4a: {  	s1 =	ssub.s32 @!p0 $0x0, s1;
	[sflag:s0] =	ssyncset.done @!p0 $0x0  }
0x4b: {  	[sflag:s0] =	ssyncadd.s32 @!p0 s1  }
0x4c: {  	[bflag:$0x3] =	sbarrier.arrive $0xFFFF  }
0x4d: {  	_ =	shalt  }

</sc_bundles>
